<compile_context>
chip_gen: v7x
topology: tpu7x:2x2x1
jax: 0.10.2.dev20260603
libtpu: 0.0.44.dev20260713+nightly
codegen_flags: <defaults>
</compile_context>

<pallas_src>
import functools

import jax
import jax.numpy as jnp
from jax import lax
from jax.experimental import pallas as pl
from jax.experimental.pallas import tpu as pltpu
from jax.experimental.pallas import tpu_sc as plsc

NC = 2
NS = 16
NW = NC * NS
CHUNK = 128
IB = 16
NUM_GRAPHS = 128


def _cdiv(a, b):
    return (a + b - 1) // b


@functools.cache
def _make_seg_sum(n, d, ch):
    acc_rows = (n // (NS * 8) + 1) * NS * 8
    rps = acc_rows // NS
    mesh = plsc.VectorSubcoreMesh(core_axis_name="c", subcore_axis_name="s",
                                  num_cores=NC, num_subcores=NS)

    @functools.partial(
        pl.kernel, mesh=mesh,
        out_type=jax.ShapeDtypeStruct((NC, n, d), jnp.float32),
        scratch_types=[
            pltpu.VMEM((IB, CHUNK), jnp.int32),
            pltpu.VMEM((IB, CHUNK), jnp.int32),
            pltpu.VMEM((CHUNK, d), jnp.float32),
            pltpu.VMEM((CHUNK, d), jnp.float32),
            pltpu.VMEM_SHARED((acc_rows, d), jnp.float32),
            pltpu.SemaphoreType.DMA,
            pltpu.SemaphoreType.DMA,
        ])
    def seg_sum(h_hbm, src_hbm, dst_hbm, zero_hbm, out_hbm,
                src_v, dst_v, rows_a, rows_b, acc_sh, sem_a, sem_b):
        c = lax.axis_index("c")
        s = lax.axis_index("s")
        wid = s * NC + c
        pltpu.sync_copy(zero_hbm, acc_sh.at[pl.ds(s * rps, rps)])
        plsc.subcore_barrier()

        @pl.loop(0, ch // IB)
        def _(blk):
            pltpu.sync_copy(src_hbm.at[wid, pl.ds(blk * IB, IB)], src_v)
            pltpu.sync_copy(dst_hbm.at[wid, pl.ds(blk * IB, IB)], dst_v)
            pltpu.async_copy(h_hbm.at[src_v.at[0]], rows_a, sem_a)

            @pl.loop(0, IB, step=2)
            def _(j):
                pltpu.async_copy(h_hbm.at[src_v.at[j + 1]], rows_b, sem_b)
                pltpu.make_async_copy(h_hbm.at[src_v.at[j]], rows_a, sem_a).wait()
                pltpu.sync_copy(rows_a, acc_sh.at[dst_v.at[j]], add=True)

                @pl.when(j + 2 < IB)
                def _():
                    pltpu.async_copy(h_hbm.at[src_v.at[j + 2]], rows_a, sem_a)

                pltpu.make_async_copy(h_hbm.at[src_v.at[j + 1]], rows_b, sem_b).wait()
                pltpu.sync_copy(rows_b, acc_sh.at[dst_v.at[j + 1]], add=True)

        plsc.subcore_barrier()
        start = jnp.minimum(s * rps, n - rps)
        pltpu.sync_copy(acc_sh.at[pl.ds(start, rps)],
                        out_hbm.at[c, pl.ds(start, rps)])

    return seg_sum


def _dg(a, b, dims):
    return lax.dot_general(a, b, (dims, ((), ())),
                           preferred_element_type=jnp.float32)


@functools.cache
def _make_dense(n, d, h_dim, rows):
    nb = n // rows

    def body(agg_ref, x_ref, wr_ref, wt_ref, b_ref, out_ref):
        a = agg_ref[0] + agg_ref[1]
        acc = _dg(a, wr_ref[...], ((1,), (1,)))
        acc = acc + _dg(x_ref[...], wt_ref[...], ((1,), (1,)))
        out_ref[...] = jnp.maximum(acc + b_ref[...], 0.0)

    return pl.pallas_call(
        body, grid=(nb,),
        in_specs=[pl.BlockSpec((NC, rows, d), lambda i: (0, i, 0)),
                  pl.BlockSpec((rows, d), lambda i: (i, 0)),
                  pl.BlockSpec((h_dim, d), lambda i: (0, 0)),
                  pl.BlockSpec((h_dim, d), lambda i: (0, 0)),
                  pl.BlockSpec((1, h_dim), lambda i: (0, 0))],
        out_specs=pl.BlockSpec((rows, h_dim), lambda i: (i, 0)),
        out_shape=jax.ShapeDtypeStruct((n, h_dim), jnp.float32))


@functools.cache
def _make_layer3_head(n, d, h_dim, g, c_out, rows):
    nb = n // rows

    def body(agg_ref, x_ref, wr_ref, wt_ref, b_ref, batch_ref, wl_ref, bl_ref,
             out_ref, s_acc, c_acc):
        i = pl.program_id(0)
        a = agg_ref[0] + agg_ref[1]
        h3 = _dg(a, wr_ref[...], ((1,), (1,)))
        h3 = h3 + _dg(x_ref[...], wt_ref[...], ((1,), (1,))) + b_ref[...]
        onehot = (batch_ref[...] ==
                  lax.broadcasted_iota(jnp.int32, (1, g), 1)).astype(jnp.float32)
        ps = _dg(onehot, h3, ((0,), (0,)))
        pc = _dg(onehot, jnp.ones((rows, 1), jnp.float32), ((0,), (0,)))

        @pl.when(i == 0)
        def _():
            s_acc[...] = jnp.zeros(s_acc.shape, s_acc.dtype)
            c_acc[...] = jnp.zeros(c_acc.shape, c_acc.dtype)

        s_acc[...] += ps
        c_acc[...] += pc

        @pl.when(i == nb - 1)
        def _():
            pooled = s_acc[...] / jnp.maximum(c_acc[...], 1.0)
            out_ref[...] = _dg(pooled, wl_ref[...], ((1,), (1,))) + bl_ref[...]

    return pl.pallas_call(
        body, grid=(nb,),
        in_specs=[pl.BlockSpec((NC, rows, d), lambda i: (0, i, 0)),
                  pl.BlockSpec((rows, d), lambda i: (i, 0)),
                  pl.BlockSpec((h_dim, d), lambda i: (0, 0)),
                  pl.BlockSpec((h_dim, d), lambda i: (0, 0)),
                  pl.BlockSpec((1, h_dim), lambda i: (0, 0)),
                  pl.BlockSpec((rows, 1), lambda i: (i, 0)),
                  pl.BlockSpec((c_out, h_dim), lambda i: (0, 0)),
                  pl.BlockSpec((1, c_out), lambda i: (0, 0))],
        out_specs=pl.BlockSpec((g, c_out), lambda i: (0, 0)),
        out_shape=jax.ShapeDtypeStruct((g, c_out), jnp.float32),
        scratch_shapes=[pltpu.VMEM((g, h_dim), jnp.float32),
                        pltpu.VMEM((g, 1), jnp.float32)])


def kernel(x, edge_index, adj, batch,
           W1_rel, b1_rel, W1_root, W2_rel, b2_rel, W2_root,
           W3_rel, b3_rel, W3_root, W_lin, b_lin):
    n, d = x.shape
    e = edge_index.shape[1]
    h_dim = W1_rel.shape[0]
    c_out = W_lin.shape[0]
    g = NUM_GRAPHS
    rows = 1000

    ch = _cdiv(_cdiv(e, NW), CHUNK * IB) * IB
    pad = NW * ch * CHUNK - e
    src = edge_index[0].astype(jnp.int32)
    dst = edge_index[1].astype(jnp.int32)
    src_p = jnp.concatenate([src, jnp.zeros((pad,), jnp.int32)]).reshape(NW, ch, CHUNK)
    dst_p = jnp.concatenate([dst, jnp.full((pad,), n, jnp.int32)]).reshape(NW, ch, CHUNK)
    acc_rows = (n // (NS * 8) + 1) * NS * 8
    zero_rows = jnp.zeros((acc_rows // NS, d), jnp.float32)

    seg_sum = _make_seg_sum(n, d, ch)
    dense = _make_dense(n, d, h_dim, rows)

    agg1 = seg_sum(x, src_p, dst_p, zero_rows)
    h1 = dense(agg1, x, W1_rel, W1_root, b1_rel.reshape(1, -1))
    agg2 = seg_sum(h1, src_p, dst_p, zero_rows)
    h2 = dense(agg2, h1, W2_rel, W2_root, b2_rel.reshape(1, -1))
    agg3 = seg_sum(h2, src_p, dst_p, zero_rows)
    return _make_layer3_head(n, d, h_dim, g, c_out, rows)(
        agg3, h2, W3_rel, W3_root, b3_rel.reshape(1, -1),
        batch.astype(jnp.int32).reshape(n, 1), W_lin, b_lin.reshape(1, -1))

# --- scband reference (transcript-rebuilt; emitter-appended) ---
"""Pipeline reference for scband-res-gcn-31353261261180 (READ-ONLY COPY).

The authoritative reference and input builder live on the scoring server;
editing this copy changes nothing except your own understanding.
"""

import jax, jax.numpy as jnp
import numpy as np

N, E, D, H, C, G = 10000, 320000, 128, 128, 64, 128

def _lin_init(k, fan_out, fan_in):
    lim = 1.0 / np.sqrt(fan_in)
    return jax.random.uniform(k, (fan_out, fan_in), minval=-lim, maxval=lim, dtype=jnp.float32)

def setup_inputs(seed: int = 0):
    key = jax.random.key(seed)
    ks = jax.random.split(key, 16)
    x = jax.random.normal(ks[0], (N, D), dtype=jnp.float32)
    edge_index = jax.random.randint(ks[1], (2, E), 0, N)
    adj = jnp.zeros((1,), dtype=jnp.float32)
    batch = jnp.sort(jax.random.randint(ks[2], (N,), 0, G))
    W1_rel = _lin_init(ks[3], H, D); b1_rel = jnp.zeros((H,), jnp.float32); W1_root = _lin_init(ks[4], H, D)
    W2_rel = _lin_init(ks[5], H, H); b2_rel = jnp.zeros((H,), jnp.float32); W2_root = _lin_init(ks[6], H, H)
    W3_rel = _lin_init(ks[7], H, H); b3_rel = jnp.zeros((H,), jnp.float32); W3_root = _lin_init(ks[8], H, H)
    W_lin = _lin_init(ks[9], C, H); b_lin = jnp.zeros((C,), jnp.float32)
    return {"x": x, "edge_index": edge_index, "adj": adj, "batch": batch,
            "W1_rel": W1_rel, "b1_rel": b1_rel, "W1_root": W1_root,
            "W2_rel": W2_rel, "b2_rel": b2_rel, "W2_root": W2_root,
            "W3_rel": W3_rel, "b3_rel": b3_rel, "W3_root": W3_root,
            "W_lin": W_lin, "b_lin": b_lin}

def _graph_conv(x, src, dst, W_rel, b_rel, W_root):
    # PyG GraphConv (aggr='add'): lin_rel(sum_{j in N(i)} x_j) + lin_root(x_i)
    agg = jax.ops.segment_sum(x[src], dst, num_segments=x.shape[0])
    return agg @ W_rel.T + b_rel + x @ W_root.T

def reference(x, edge_index, adj, batch, W1_rel, b1_rel, W1_root, W2_rel, b2_rel, W2_root, W3_rel, b3_rel, W3_root, W_lin, b_lin):
    src, dst = edge_index[0], edge_index[1]
    h = jax.nn.relu(_graph_conv(x, src, dst, W1_rel, b1_rel, W1_root))
    h = jax.nn.relu(_graph_conv(h, src, dst, W2_rel, b2_rel, W2_root))
    h = _graph_conv(h, src, dst, W3_rel, b3_rel, W3_root)
    # global_mean_pool over batch segment ids
    sums = jax.ops.segment_sum(h, batch, num_segments=G)
    counts = jax.ops.segment_sum(jnp.ones((h.shape[0],), jnp.float32), batch, num_segments=G)
    pooled = sums / jnp.maximum(counts, 1.0)[:, None]
    return pooled @ W_lin.T + b_lin

if __name__ == "__main__":
    import jax
    _d = setup_inputs()
    print(jax.jit(kernel)(*tuple(_d.values())))

</pallas_src>

<mosaic_0001>
#map = affine_map<(d0, d1) -> (0, 0)>
#map1 = affine_map<(d0, d1) -> (0, 0, 0)>
module attributes {stable_mosaic.version = 14 : i64} {
  func.func @seg_sum(%arg0: i32, %arg1: i32, %arg2: memref<10000x128xf32, #tpu.memory_space<hbm>>, %arg3: memref<32x80x128xi32, #tpu.memory_space<hbm>>, %arg4: memref<32x80x128xi32, #tpu.memory_space<hbm>>, %arg5: memref<632x128xf32, #tpu.memory_space<hbm>>, %arg6: memref<2x10000x128xf32, #tpu.memory_space<hbm>>, %arg7: memref<16x128xi32, #tpu.memory_space<vmem>>, %arg8: memref<16x128xi32, #tpu.memory_space<vmem>>, %arg9: memref<128x128xf32, #tpu.memory_space<vmem>>, %arg10: memref<128x128xf32, #tpu.memory_space<vmem>>, %arg11: memref<10112x128xf32, #tpu.memory_space<vmem_shared>>, %arg12: memref<!tpu.dma_semaphore, #tpu.memory_space<semaphore_mem>>, %arg13: memref<!tpu.dma_semaphore, #tpu.memory_space<semaphore_mem>>) attributes {dimension_semantics = [#tpu.dimension_semantics<core_parallel>, #tpu.dimension_semantics<subcore_parallel>], iteration_bounds = array<i64: 2, 16>, scalar_prefetch = 0 : i64, scratch_operands = 7 : i64, tpu.core_type = #tpu.core_type<sc_vector_subcore>, window_params = [{transform_indices = #map}, {transform_indices = #map1}, {transform_indices = #map1}, {transform_indices = #map}, {transform_indices = #map1}]} {
    %mul3A = arith.constant 2 : i32
    %mul3A_0 = arith.muli %arg1, %mul3A : i32
    %add3A = arith.addi %mul3A_0, %arg0 : i32
    %mul3A_1 = arith.constant 632 : i32
    %mul3A_2 = arith.muli %arg1, %mul3A_1 : i32
    "tpu.region"() ({
      %run_scoped3A = tpu.sem_alloc : memref<!tpu.dma_semaphore, #tpu.memory_space<semaphore_mem>>
      %dma_start3A = arith.constant 0 : i32
      %dma_start3A_11 = tpu.memref_slice %arg11[%mul3A_2, %dma_start3A] : memref<10112x128xf32, #tpu.memory_space<vmem_shared>> -> memref<632x128xf32, #tpu.memory_space<vmem_shared>>
      tpu.enqueue_dma source(%arg5 : memref<632x128xf32, #tpu.memory_space<hbm>>) target(%dma_start3A_11 : memref<632x128xf32, #tpu.memory_space<vmem_shared>>) target_semaphore(%run_scoped3A : memref<!tpu.dma_semaphore, #tpu.memory_space<semaphore_mem>>)
      %dma_wait3A = arith.constant 0 : i32
      %dma_wait3A_12 = tpu.memref_slice %arg11[%mul3A_2, %dma_wait3A] : memref<10112x128xf32, #tpu.memory_space<vmem_shared>> -> memref<632x128xf32, #tpu.memory_space<vmem_shared>>
      tpu.wait_dma2 semaphore(%run_scoped3A : memref<!tpu.dma_semaphore, #tpu.memory_space<semaphore_mem>>) src(%arg5 : memref<632x128xf32, #tpu.memory_space<hbm>>) dst(%dma_wait3A_12 : memref<632x128xf32, #tpu.memory_space<vmem_shared>>)
      tpu.yield
    }) : () -> ()
    %barrier3A = arith.constant 0 : index
    tpu.barrier barrier_id(%barrier3A)
    %scan3A = arith.constant 0 : i32
    %scan3A_3 = arith.constant 5 : i32
    %scan3A_4 = arith.addi %scan3A, %scan3A_3 : i32
    %scan3A_5 = arith.constant 1 : i32
    scf.for %scan3A_11 = %scan3A to %scan3A_4 step %scan3A_5  : i32 {
      %mul3A_12 = arith.constant 1 : i32
      %mul3A_13 = arith.muli %scan3A_11, %mul3A_12 : i32
      %add3A_14 = arith.constant 0 : i32
      %add3A_15 = arith.addi %add3A_14, %mul3A_13 : i32
      %mul3A_16 = arith.constant 16 : i32
      %mul3A_17 = arith.muli %add3A_15, %mul3A_16 : i32
      "tpu.region"() ({
        %run_scoped3A = tpu.sem_alloc : memref<!tpu.dma_semaphore, #tpu.memory_space<semaphore_mem>>
        %dma_start3A_31 = arith.constant 0 : i32
        %dma_start3A_32 = tpu.memref_slice %arg3[%add3A, %mul3A_17, %dma_start3A_31] : memref<32x80x128xi32, #tpu.memory_space<hbm>> -> memref<1x16x128xi32, #tpu.memory_space<hbm>>
        %dma_start3A_33 = tpu.memref_squeeze %dma_start3A_32 : memref<1x16x128xi32, #tpu.memory_space<hbm>> -> memref<16x128xi32, #tpu.memory_space<hbm>>
        %dma_start3A_34 = arith.constant 0 : i32
        %dma_start3A_35 = tpu.memref_slice %arg3[%add3A, %mul3A_17, %dma_start3A_34] : memref<32x80x128xi32, #tpu.memory_space<hbm>> -> memref<1x16x128xi32, #tpu.memory_space<hbm>>
        %dma_start3A_36 = tpu.memref_squeeze %dma_start3A_35 : memref<1x16x128xi32, #tpu.memory_space<hbm>> -> memref<16x128xi32, #tpu.memory_space<hbm>>
        tpu.enqueue_dma source(%dma_start3A_36 : memref<16x128xi32, #tpu.memory_space<hbm>>) target(%arg7 : memref<16x128xi32, #tpu.memory_space<vmem>>) target_semaphore(%run_scoped3A : memref<!tpu.dma_semaphore, #tpu.memory_space<semaphore_mem>>)
        %dma_wait3A = arith.constant 0 : i32
        %dma_wait3A_37 = tpu.memref_slice %arg3[%add3A, %mul3A_17, %dma_wait3A] : memref<32x80x128xi32, #tpu.memory_space<hbm>> -> memref<1x16x128xi32, #tpu.memory_space<hbm>>
        %dma_wait3A_38 = tpu.memref_squeeze %dma_wait3A_37 : memref<1x16x128xi32, #tpu.memory_space<hbm>> -> memref<16x128xi32, #tpu.memory_space<hbm>>
        %dma_wait3A_39 = arith.constant 0 : i32
        %dma_wait3A_40 = tpu.memref_slice %arg3[%add3A, %mul3A_17, %dma_wait3A_39] : memref<32x80x128xi32, #tpu.memory_space<hbm>> -> memref<1x16x128xi32, #tpu.memory_space<hbm>>
        %dma_wait3A_41 = tpu.memref_squeeze %dma_wait3A_40 : memref<1x16x128xi32, #tpu.memory_space<hbm>> -> memref<16x128xi32, #tpu.memory_space<hbm>>
        tpu.wait_dma2 semaphore(%run_scoped3A : memref<!tpu.dma_semaphore, #tpu.memory_space<semaphore_mem>>) src(%dma_wait3A_41 : memref<16x128xi32, #tpu.memory_space<hbm>>) dst(%arg7 : memref<16x128xi32, #tpu.memory_space<vmem>>)
        tpu.yield
      }) : () -> ()
      %mul3A_18 = arith.constant 16 : i32
      %mul3A_19 = arith.muli %add3A_15, %mul3A_18 : i32
      "tpu.region"() ({
        %run_scoped3A = tpu.sem_alloc : memref<!tpu.dma_semaphore, #tpu.memory_space<semaphore_mem>>
        %dma_start3A_31 = arith.constant 0 : i32
        %dma_start3A_32 = tpu.memref_slice %arg4[%add3A, %mul3A_19, %dma_start3A_31] : memref<32x80x128xi32, #tpu.memory_space<hbm>> -> memref<1x16x128xi32, #tpu.memory_space<hbm>>
        %dma_start3A_33 = tpu.memref_squeeze %dma_start3A_32 : memref<1x16x128xi32, #tpu.memory_space<hbm>> -> memref<16x128xi32, #tpu.memory_space<hbm>>
        %dma_start3A_34 = arith.constant 0 : i32
        %dma_start3A_35 = tpu.memref_slice %arg4[%add3A, %mul3A_19, %dma_start3A_34] : memref<32x80x128xi32, #tpu.memory_space<hbm>> -> memref<1x16x128xi32, #tpu.memory_space<hbm>>
        %dma_start3A_36 = tpu.memref_squeeze %dma_start3A_35 : memref<1x16x128xi32, #tpu.memory_space<hbm>> -> memref<16x128xi32, #tpu.memory_space<hbm>>
        tpu.enqueue_dma source(%dma_start3A_36 : memref<16x128xi32, #tpu.memory_space<hbm>>) target(%arg8 : memref<16x128xi32, #tpu.memory_space<vmem>>) target_semaphore(%run_scoped3A : memref<!tpu.dma_semaphore, #tpu.memory_space<semaphore_mem>>)
        %dma_wait3A = arith.constant 0 : i32
        %dma_wait3A_37 = tpu.memref_slice %arg4[%add3A, %mul3A_19, %dma_wait3A] : memref<32x80x128xi32, #tpu.memory_space<hbm>> -> memref<1x16x128xi32, #tpu.memory_space<hbm>>
        %dma_wait3A_38 = tpu.memref_squeeze %dma_wait3A_37 : memref<1x16x128xi32, #tpu.memory_space<hbm>> -> memref<16x128xi32, #tpu.memory_space<hbm>>
        %dma_wait3A_39 = arith.constant 0 : i32
        %dma_wait3A_40 = tpu.memref_slice %arg4[%add3A, %mul3A_19, %dma_wait3A_39] : memref<32x80x128xi32, #tpu.memory_space<hbm>> -> memref<1x16x128xi32, #tpu.memory_space<hbm>>
        %dma_wait3A_41 = tpu.memref_squeeze %dma_wait3A_40 : memref<1x16x128xi32, #tpu.memory_space<hbm>> -> memref<16x128xi32, #tpu.memory_space<hbm>>
        tpu.wait_dma2 semaphore(%run_scoped3A : memref<!tpu.dma_semaphore, #tpu.memory_space<semaphore_mem>>) src(%dma_wait3A_41 : memref<16x128xi32, #tpu.memory_space<hbm>>) dst(%arg8 : memref<16x128xi32, #tpu.memory_space<vmem>>)
        tpu.yield
      }) : () -> ()
      %dma_start3A = arith.constant 0 : i32
      %dma_start3A_20 = arith.constant 0 : i32
      %dma_start3A_21 = tpu.memref_slice %arg7[%dma_start3A, %dma_start3A_20] : memref<16x128xi32, #tpu.memory_space<vmem>> -> memref<1x128xi32, #tpu.memory_space<vmem>>
      %dma_start3A_22 = tpu.memref_squeeze %dma_start3A_21 : memref<1x128xi32, #tpu.memory_space<vmem>> -> memref<128xi32, #tpu.memory_space<vmem>>
      %dma_start3A_23 = arith.constant 0 : i32
      %dma_start3A_24 = arith.constant 0 : i32
      %dma_start3A_25 = tpu.memref_slice %arg2[%dma_start3A_23, %dma_start3A_24] : memref<10000x128xf32, #tpu.memory_space<hbm>> -> memref<10000x128xf32, #tpu.memory_space<hbm>>
      tpu.enqueue_indirect_dma source(%dma_start3A_25 : memref<10000x128xf32, #tpu.memory_space<hbm>>) target(%arg9 : memref<128x128xf32, #tpu.memory_space<vmem>>) offsets(%dma_start3A_22 : memref<128xi32, #tpu.memory_space<vmem>>) semaphore(%arg12 : memref<!tpu.dma_semaphore, #tpu.memory_space<semaphore_mem>>)
      %scan3A_26 = arith.constant 0 : i32
      %scan3A_27 = arith.constant 8 : i32
      %scan3A_28 = arith.addi %scan3A_26, %scan3A_27 : i32
      %scan3A_29 = arith.constant 1 : i32
      scf.for %scan3A_31 = %scan3A_26 to %scan3A_28 step %scan3A_29  : i32 {
        %mul3A_32 = arith.constant 2 : i32
        %mul3A_33 = arith.muli %scan3A_31, %mul3A_32 : i32
        %add3A_34 = arith.constant 0 : i32
        %add3A_35 = arith.addi %add3A_34, %mul3A_33 : i32
        %add3A_36 = arith.constant 1 : i32
        %add3A_37 = arith.addi %add3A_35, %add3A_36 : i32
        %dma_start3A_38 = arith.constant 0 : i32
        %dma_start3A_39 = tpu.memref_slice %arg7[%add3A_37, %dma_start3A_38] : memref<16x128xi32, #tpu.memory_space<vmem>> -> memref<1x128xi32, #tpu.memory_space<vmem>>
        %dma_start3A_40 = tpu.memref_squeeze %dma_start3A_39 : memref<1x128xi32, #tpu.memory_space<vmem>> -> memref<128xi32, #tpu.memory_space<vmem>>
        %dma_start3A_41 = arith.constant 0 : i32
        %dma_start3A_42 = arith.constant 0 : i32
        %dma_start3A_43 = tpu.memref_slice %arg2[%dma_start3A_41, %dma_start3A_42] : memref<10000x128xf32, #tpu.memory_space<hbm>> -> memref<10000x128xf32, #tpu.memory_space<hbm>>
        tpu.enqueue_indirect_dma source(%dma_start3A_43 : memref<10000x128xf32, #tpu.memory_space<hbm>>) target(%arg10 : memref<128x128xf32, #tpu.memory_space<vmem>>) offsets(%dma_start3A_40 : memref<128xi32, #tpu.memory_space<vmem>>) semaphore(%arg13 : memref<!tpu.dma_semaphore, #tpu.memory_space<semaphore_mem>>)
        %dma_wait3A = arith.constant 0 : i32
        %dma_wait3A_44 = tpu.memref_slice %arg7[%add3A_35, %dma_wait3A] : memref<16x128xi32, #tpu.memory_space<vmem>> -> memref<1x128xi32, #tpu.memory_space<vmem>>
        %dma_wait3A_45 = tpu.memref_squeeze %dma_wait3A_44 : memref<1x128xi32, #tpu.memory_space<vmem>> -> memref<128xi32, #tpu.memory_space<vmem>>
        %dma_wait3A_46 = arith.constant 0 : i32
        %dma_wait3A_47 = arith.constant 0 : i32
        %dma_wait3A_48 = tpu.memref_slice %arg2[%dma_wait3A_46, %dma_wait3A_47] : memref<10000x128xf32, #tpu.memory_space<hbm>> -> memref<10000x128xf32, #tpu.memory_space<hbm>>
        tpu.wait_indirect_dma semaphore(%arg12 : memref<!tpu.dma_semaphore, #tpu.memory_space<semaphore_mem>>) src(%dma_wait3A_48 : memref<10000x128xf32, #tpu.memory_space<hbm>>) dst(%arg9 : memref<128x128xf32, #tpu.memory_space<vmem>>)
        "tpu.region"() ({
          %run_scoped3A = tpu.sem_alloc : memref<!tpu.dma_semaphore, #tpu.memory_space<semaphore_mem>>
          %dma_start3A_63 = arith.constant 0 : i32
          %dma_start3A_64 = tpu.memref_slice %arg8[%add3A_35, %dma_start3A_63] : memref<16x128xi32, #tpu.memory_space<vmem>> -> memref<1x128xi32, #tpu.memory_space<vmem>>
          %dma_start3A_65 = tpu.memref_squeeze %dma_start3A_64 : memref<1x128xi32, #tpu.memory_space<vmem>> -> memref<128xi32, #tpu.memory_space<vmem>>
          %dma_start3A_66 = arith.constant 0 : i32
          %dma_start3A_67 = arith.constant 0 : i32
          %dma_start3A_68 = tpu.memref_slice %arg11[%dma_start3A_66, %dma_start3A_67] : memref<10112x128xf32, #tpu.memory_space<vmem_shared>> -> memref<10112x128xf32, #tpu.memory_space<vmem_shared>>
          tpu.enqueue_indirect_dma source(%arg9 : memref<128x128xf32, #tpu.memory_space<vmem>>) target(%dma_start3A_68 : memref<10112x128xf32, #tpu.memory_space<vmem_shared>>) offsets(%dma_start3A_65 : memref<128xi32, #tpu.memory_space<vmem>>) semaphore(%run_scoped3A : memref<!tpu.dma_semaphore, #tpu.memory_space<semaphore_mem>>) {add = true}
          %dma_wait3A_69 = arith.constant 0 : i32
          %dma_wait3A_70 = tpu.memref_slice %arg8[%add3A_35, %dma_wait3A_69] : memref<16x128xi32, #tpu.memory_space<vmem>> -> memref<1x128xi32, #tpu.memory_space<vmem>>
          %dma_wait3A_71 = tpu.memref_squeeze %dma_wait3A_70 : memref<1x128xi32, #tpu.memory_space<vmem>> -> memref<128xi32, #tpu.memory_space<vmem>>
          %dma_wait3A_72 = arith.constant 0 : i32
          %dma_wait3A_73 = arith.constant 0 : i32
          %dma_wait3A_74 = tpu.memref_slice %arg11[%dma_wait3A_72, %dma_wait3A_73] : memref<10112x128xf32, #tpu.memory_space<vmem_shared>> -> memref<10112x128xf32, #tpu.memory_space<vmem_shared>>
          tpu.wait_indirect_dma semaphore(%run_scoped3A : memref<!tpu.dma_semaphore, #tpu.memory_space<semaphore_mem>>) src(%arg9 : memref<128x128xf32, #tpu.memory_space<vmem>>) dst(%dma_wait3A_74 : memref<10112x128xf32, #tpu.memory_space<vmem_shared>>)
          tpu.yield
        }) : () -> ()
        %add3A_49 = arith.constant 2 : i32
        %add3A_50 = arith.addi %add3A_35, %add3A_49 : i32
        %lt3A = arith.constant 16 : i32
        %lt3A_51 = arith.cmpi slt, %add3A_50, %lt3A : i32
        %convert_element_type3A = arith.extui %lt3A_51 : i1 to i32
        %cond3A = arith.constant 0 : i32
        %cond3A_52 = arith.cmpi ne, %convert_element_type3A, %cond3A : i32
        scf.if %cond3A_52 {
          %add3A_63 = arith.constant 2 : i32
          %add3A_64 = arith.addi %add3A_35, %add3A_63 : i32
          %dma_start3A_65 = arith.constant 0 : i32
          %dma_start3A_66 = tpu.memref_slice %arg7[%add3A_64, %dma_start3A_65] : memref<16x128xi32, #tpu.memory_space<vmem>> -> memref<1x128xi32, #tpu.memory_space<vmem>>
          %dma_start3A_67 = tpu.memref_squeeze %dma_start3A_66 : memref<1x128xi32, #tpu.memory_space<vmem>> -> memref<128xi32, #tpu.memory_space<vmem>>
          %dma_start3A_68 = arith.constant 0 : i32
          %dma_start3A_69 = arith.constant 0 : i32
          %dma_start3A_70 = tpu.memref_slice %arg2[%dma_start3A_68, %dma_start3A_69] : memref<10000x128xf32, #tpu.memory_space<hbm>> -> memref<10000x128xf32, #tpu.memory_space<hbm>>
          tpu.enqueue_indirect_dma source(%dma_start3A_70 : memref<10000x128xf32, #tpu.memory_space<hbm>>) target(%arg9 : memref<128x128xf32, #tpu.memory_space<vmem>>) offsets(%dma_start3A_67 : memref<128xi32, #tpu.memory_space<vmem>>) semaphore(%arg12 : memref<!tpu.dma_semaphore, #tpu.memory_space<semaphore_mem>>)
        } else {
        }
        %add3A_53 = arith.constant 1 : i32
        %add3A_54 = arith.addi %add3A_35, %add3A_53 : i32
        %dma_wait3A_55 = arith.constant 0 : i32
        %dma_wait3A_56 = tpu.memref_slice %arg7[%add3A_54, %dma_wait3A_55] : memref<16x128xi32, #tpu.memory_space<vmem>> -> memref<1x128xi32, #tpu.memory_space<vmem>>
        %dma_wait3A_57 = tpu.memref_squeeze %dma_wait3A_56 : memref<1x128xi32, #tpu.memory_space<vmem>> -> memref<128xi32, #tpu.memory_space<vmem>>
        %dma_wait3A_58 = arith.constant 0 : i32
        %dma_wait3A_59 = arith.constant 0 : i32
        %dma_wait3A_60 = tpu.memref_slice %arg2[%dma_wait3A_58, %dma_wait3A_59] : memref<10000x128xf32, #tpu.memory_space<hbm>> -> memref<10000x128xf32, #tpu.memory_space<hbm>>
        tpu.wait_indirect_dma semaphore(%arg13 : memref<!tpu.dma_semaphore, #tpu.memory_space<semaphore_mem>>) src(%dma_wait3A_60 : memref<10000x128xf32, #tpu.memory_space<hbm>>) dst(%arg10 : memref<128x128xf32, #tpu.memory_space<vmem>>)
        %add3A_61 = arith.constant 1 : i32
        %add3A_62 = arith.addi %add3A_35, %add3A_61 : i32
        "tpu.region"() ({
          %run_scoped3A = tpu.sem_alloc : memref<!tpu.dma_semaphore, #tpu.memory_space<semaphore_mem>>
          %dma_start3A_63 = arith.constant 0 : i32
          %dma_start3A_64 = tpu.memref_slice %arg8[%add3A_62, %dma_start3A_63] : memref<16x128xi32, #tpu.memory_space<vmem>> -> memref<1x128xi32, #tpu.memory_space<vmem>>
          %dma_start3A_65 = tpu.memref_squeeze %dma_start3A_64 : memref<1x128xi32, #tpu.memory_space<vmem>> -> memref<128xi32, #tpu.memory_space<vmem>>
          %dma_start3A_66 = arith.constant 0 : i32
          %dma_start3A_67 = arith.constant 0 : i32
          %dma_start3A_68 = tpu.memref_slice %arg11[%dma_start3A_66, %dma_start3A_67] : memref<10112x128xf32, #tpu.memory_space<vmem_shared>> -> memref<10112x128xf32, #tpu.memory_space<vmem_shared>>
          tpu.enqueue_indirect_dma source(%arg10 : memref<128x128xf32, #tpu.memory_space<vmem>>) target(%dma_start3A_68 : memref<10112x128xf32, #tpu.memory_space<vmem_shared>>) offsets(%dma_start3A_65 : memref<128xi32, #tpu.memory_space<vmem>>) semaphore(%run_scoped3A : memref<!tpu.dma_semaphore, #tpu.memory_space<semaphore_mem>>) {add = true}
          %dma_wait3A_69 = arith.constant 0 : i32
          %dma_wait3A_70 = tpu.memref_slice %arg8[%add3A_62, %dma_wait3A_69] : memref<16x128xi32, #tpu.memory_space<vmem>> -> memref<1x128xi32, #tpu.memory_space<vmem>>
          %dma_wait3A_71 = tpu.memref_squeeze %dma_wait3A_70 : memref<1x128xi32, #tpu.memory_space<vmem>> -> memref<128xi32, #tpu.memory_space<vmem>>
          %dma_wait3A_72 = arith.constant 0 : i32
          %dma_wait3A_73 = arith.constant 0 : i32
          %dma_wait3A_74 = tpu.memref_slice %arg11[%dma_wait3A_72, %dma_wait3A_73] : memref<10112x128xf32, #tpu.memory_space<vmem_shared>> -> memref<10112x128xf32, #tpu.memory_space<vmem_shared>>
          tpu.wait_indirect_dma semaphore(%run_scoped3A : memref<!tpu.dma_semaphore, #tpu.memory_space<semaphore_mem>>) src(%arg10 : memref<128x128xf32, #tpu.memory_space<vmem>>) dst(%dma_wait3A_74 : memref<10112x128xf32, #tpu.memory_space<vmem_shared>>)
          tpu.yield
        }) : () -> ()
      }
      %scan3A_30 = arith.constant 8 : i32
    }
    %scan3A_6 = arith.constant 5 : i32
    %barrier3A_7 = arith.constant 0 : index
    tpu.barrier barrier_id(%barrier3A_7)
    %mul3A_8 = arith.constant 632 : i32
    %mul3A_9 = arith.muli %arg1, %mul3A_8 : i32
    %min3A = arith.constant 9368 : i32
    %min3A_10 = arith.minsi %mul3A_9, %min3A : i32
    "tpu.region"() ({
      %run_scoped3A = tpu.sem_alloc : memref<!tpu.dma_semaphore, #tpu.memory_space<semaphore_mem>>
      %dma_start3A = arith.constant 0 : i32
      %dma_start3A_11 = tpu.memref_slice %arg6[%arg0, %min3A_10, %dma_start3A] : memref<2x10000x128xf32, #tpu.memory_space<hbm>> -> memref<1x632x128xf32, #tpu.memory_space<hbm>>
      %dma_start3A_12 = tpu.memref_squeeze %dma_start3A_11 : memref<1x632x128xf32, #tpu.memory_space<hbm>> -> memref<632x128xf32, #tpu.memory_space<hbm>>
      %dma_start3A_13 = arith.constant 0 : i32
      %dma_start3A_14 = tpu.memref_slice %arg11[%min3A_10, %dma_start3A_13] : memref<10112x128xf32, #tpu.memory_space<vmem_shared>> -> memref<632x128xf32, #tpu.memory_space<vmem_shared>>
      tpu.enqueue_dma source(%dma_start3A_14 : memref<632x128xf32, #tpu.memory_space<vmem_shared>>) target(%dma_start3A_12 : memref<632x128xf32, #tpu.memory_space<hbm>>) target_semaphore(%run_scoped3A : memref<!tpu.dma_semaphore, #tpu.memory_space<semaphore_mem>>)
      %dma_wait3A = arith.constant 0 : i32
      %dma_wait3A_15 = tpu.memref_slice %arg6[%arg0, %min3A_10, %dma_wait3A] : memref<2x10000x128xf32, #tpu.memory_space<hbm>> -> memref<1x632x128xf32, #tpu.memory_space<hbm>>
      %dma_wait3A_16 = tpu.memref_squeeze %dma_wait3A_15 : memref<1x632x128xf32, #tpu.memory_space<hbm>> -> memref<632x128xf32, #tpu.memory_space<hbm>>
      %dma_wait3A_17 = arith.constant 0 : i32
      %dma_wait3A_18 = tpu.memref_slice %arg11[%min3A_10, %dma_wait3A_17] : memref<10112x128xf32, #tpu.memory_space<vmem_shared>> -> memref<632x128xf32, #tpu.memory_space<vmem_shared>>
      tpu.wait_dma2 semaphore(%run_scoped3A : memref<!tpu.dma_semaphore, #tpu.memory_space<semaphore_mem>>) src(%dma_wait3A_18 : memref<632x128xf32, #tpu.memory_space<vmem_shared>>) dst(%dma_wait3A_16 : memref<632x128xf32, #tpu.memory_space<hbm>>)
      tpu.yield
    }) : () -> ()
    return
  }
}

#map = affine_map<(d0, d1) -> (0, 0)>
#map1 = affine_map<(d0, d1) -> (0, 0, 0)>
module attributes {stable_mosaic.version = 14 : i64} {
  func.func @seg_sum(%arg0: i32, %arg1: i32, %arg2: memref<10000x128xf32, #tpu.memory_space<hbm>>, %arg3: memref<32x80x128xi32, #tpu.memory_space<hbm>>, %arg4: memref<32x80x128xi32, #tpu.memory_space<hbm>>, %arg5: memref<632x128xf32, #tpu.memory_space<hbm>>, %arg6: memref<2x10000x128xf32, #tpu.memory_space<hbm>>, %arg7: memref<16x128xi32, #tpu.memory_space<vmem>>, %arg8: memref<16x128xi32, #tpu.memory_space<vmem>>, %arg9: memref<128x128xf32, #tpu.memory_space<vmem>>, %arg10: memref<128x128xf32, #tpu.memory_space<vmem>>, %arg11: memref<10112x128xf32, #tpu.memory_space<vmem_shared>>, %arg12: memref<!tpu.dma_semaphore, #tpu.memory_space<semaphore_mem>>, %arg13: memref<!tpu.dma_semaphore, #tpu.memory_space<semaphore_mem>>) attributes {dimension_semantics = [#tpu.dimension_semantics<core_parallel>, #tpu.dimension_semantics<subcore_parallel>], iteration_bounds = array<i64: 2, 16>, scalar_prefetch = 0 : i64, scratch_operands = 7 : i64, tpu.core_type = #tpu.core_type<sc_vector_subcore>, window_params = [{transform_indices = #map}, {transform_indices = #map1}, {transform_indices = #map1}, {transform_indices = #map}, {transform_indices = #map1}]} {
    %mul3A = arith.constant 2 : i32
    %mul3A_0 = arith.muli %arg1, %mul3A : i32
    %add3A = arith.addi %mul3A_0, %arg0 : i32
    %mul3A_1 = arith.constant 632 : i32
    %mul3A_2 = arith.muli %arg1, %mul3A_1 : i32
    "tpu.region"() ({
      %run_scoped3A = tpu.sem_alloc : memref<!tpu.dma_semaphore, #tpu.memory_space<semaphore_mem>>
      %dma_start3A = arith.constant 0 : i32
      %dma_start3A_11 = tpu.memref_slice %arg11[%mul3A_2, %dma_start3A] : memref<10112x128xf32, #tpu.memory_space<vmem_shared>> -> memref<632x128xf32, #tpu.memory_space<vmem_shared>>
      tpu.enqueue_dma source(%arg5 : memref<632x128xf32, #tpu.memory_space<hbm>>) target(%dma_start3A_11 : memref<632x128xf32, #tpu.memory_space<vmem_shared>>) target_semaphore(%run_scoped3A : memref<!tpu.dma_semaphore, #tpu.memory_space<semaphore_mem>>)
      %dma_wait3A = arith.constant 0 : i32
      %dma_wait3A_12 = tpu.memref_slice %arg11[%mul3A_2, %dma_wait3A] : memref<10112x128xf32, #tpu.memory_space<vmem_shared>> -> memref<632x128xf32, #tpu.memory_space<vmem_shared>>
      tpu.wait_dma2 semaphore(%run_scoped3A : memref<!tpu.dma_semaphore, #tpu.memory_space<semaphore_mem>>) src(%arg5 : memref<632x128xf32, #tpu.memory_space<hbm>>) dst(%dma_wait3A_12 : memref<632x128xf32, #tpu.memory_space<vmem_shared>>)
      tpu.yield
    }) : () -> ()
    %barrier3A = arith.constant 0 : index
    tpu.barrier barrier_id(%barrier3A)
    %scan3A = arith.constant 0 : i32
    %scan3A_3 = arith.constant 5 : i32
    %scan3A_4 = arith.addi %scan3A, %scan3A_3 : i32
    %scan3A_5 = arith.constant 1 : i32
    scf.for %scan3A_11 = %scan3A to %scan3A_4 step %scan3A_5  : i32 {
      %mul3A_12 = arith.constant 1 : i32
      %mul3A_13 = arith.muli %scan3A_11, %mul3A_12 : i32
      %add3A_14 = arith.constant 0 : i32
      %add3A_15 = arith.addi %add3A_14, %mul3A_13 : i32
      %mul3A_16 = arith.constant 16 : i32
      %mul3A_17 = arith.muli %add3A_15, %mul3A_16 : i32
      "tpu.region"() ({
        %run_scoped3A = tpu.sem_alloc : memref<!tpu.dma_semaphore, #tpu.memory_space<semaphore_mem>>
        %dma_start3A_31 = arith.constant 0 : i32
        %dma_start3A_32 = tpu.memref_slice %arg3[%add3A, %mul3A_17, %dma_start3A_31] : memref<32x80x128xi32, #tpu.memory_space<hbm>> -> memref<1x16x128xi32, #tpu.memory_space<hbm>>
        %dma_start3A_33 = tpu.memref_squeeze %dma_start3A_32 : memref<1x16x128xi32, #tpu.memory_space<hbm>> -> memref<16x128xi32, #tpu.memory_space<hbm>>
        %dma_start3A_34 = arith.constant 0 : i32
        %dma_start3A_35 = tpu.memref_slice %arg3[%add3A, %mul3A_17, %dma_start3A_34] : memref<32x80x128xi32, #tpu.memory_space<hbm>> -> memref<1x16x128xi32, #tpu.memory_space<hbm>>
        %dma_start3A_36 = tpu.memref_squeeze %dma_start3A_35 : memref<1x16x128xi32, #tpu.memory_space<hbm>> -> memref<16x128xi32, #tpu.memory_space<hbm>>
        tpu.enqueue_dma source(%dma_start3A_36 : memref<16x128xi32, #tpu.memory_space<hbm>>) target(%arg7 : memref<16x128xi32, #tpu.memory_space<vmem>>) target_semaphore(%run_scoped3A : memref<!tpu.dma_semaphore, #tpu.memory_space<semaphore_mem>>)
        %dma_wait3A = arith.constant 0 : i32
        %dma_wait3A_37 = tpu.memref_slice %arg3[%add3A, %mul3A_17, %dma_wait3A] : memref<32x80x128xi32, #tpu.memory_space<hbm>> -> memref<1x16x128xi32, #tpu.memory_space<hbm>>
        %dma_wait3A_38 = tpu.memref_squeeze %dma_wait3A_37 : memref<1x16x128xi32, #tpu.memory_space<hbm>> -> memref<16x128xi32, #tpu.memory_space<hbm>>
        %dma_wait3A_39 = arith.constant 0 : i32
        %dma_wait3A_40 = tpu.memref_slice %arg3[%add3A, %mul3A_17, %dma_wait3A_39] : memref<32x80x128xi32, #tpu.memory_space<hbm>> -> memref<1x16x128xi32, #tpu.memory_space<hbm>>
        %dma_wait3A_41 = tpu.memref_squeeze %dma_wait3A_40 : memref<1x16x128xi32, #tpu.memory_space<hbm>> -> memref<16x128xi32, #tpu.memory_space<hbm>>
        tpu.wait_dma2 semaphore(%run_scoped3A : memref<!tpu.dma_semaphore, #tpu.memory_space<semaphore_mem>>) src(%dma_wait3A_41 : memref<16x128xi32, #tpu.memory_space<hbm>>) dst(%arg7 : memref<16x128xi32, #tpu.memory_space<vmem>>)
        tpu.yield
      }) : () -> ()
      %mul3A_18 = arith.constant 16 : i32
      %mul3A_19 = arith.muli %add3A_15, %mul3A_18 : i32
      "tpu.region"() ({
        %run_scoped3A = tpu.sem_alloc : memref<!tpu.dma_semaphore, #tpu.memory_space<semaphore_mem>>
        %dma_start3A_31 = arith.constant 0 : i32
        %dma_start3A_32 = tpu.memref_slice %arg4[%add3A, %mul3A_19, %dma_start3A_31] : memref<32x80x128xi32, #tpu.memory_space<hbm>> -> memref<1x16x128xi32, #tpu.memory_space<hbm>>
        %dma_start3A_33 = tpu.memref_squeeze %dma_start3A_32 : memref<1x16x128xi32, #tpu.memory_space<hbm>> -> memref<16x128xi32, #tpu.memory_space<hbm>>
        %dma_start3A_34 = arith.constant 0 : i32
        %dma_start3A_35 = tpu.memref_slice %arg4[%add3A, %mul3A_19, %dma_start3A_34] : memref<32x80x128xi32, #tpu.memory_space<hbm>> -> memref<1x16x128xi32, #tpu.memory_space<hbm>>
        %dma_start3A_36 = tpu.memref_squeeze %dma_start3A_35 : memref<1x16x128xi32, #tpu.memory_space<hbm>> -> memref<16x128xi32, #tpu.memory_space<hbm>>
        tpu.enqueue_dma source(%dma_start3A_36 : memref<16x128xi32, #tpu.memory_space<hbm>>) target(%arg8 : memref<16x128xi32, #tpu.memory_space<vmem>>) target_semaphore(%run_scoped3A : memref<!tpu.dma_semaphore, #tpu.memory_space<semaphore_mem>>)
        %dma_wait3A = arith.constant 0 : i32
        %dma_wait3A_37 = tpu.memref_slice %arg4[%add3A, %mul3A_19, %dma_wait3A] : memref<32x80x128xi32, #tpu.memory_space<hbm>> -> memref<1x16x128xi32, #tpu.memory_space<hbm>>
        %dma_wait3A_38 = tpu.memref_squeeze %dma_wait3A_37 : memref<1x16x128xi32, #tpu.memory_space<hbm>> -> memref<16x128xi32, #tpu.memory_space<hbm>>
        %dma_wait3A_39 = arith.constant 0 : i32
        %dma_wait3A_40 = tpu.memref_slice %arg4[%add3A, %mul3A_19, %dma_wait3A_39] : memref<32x80x128xi32, #tpu.memory_space<hbm>> -> memref<1x16x128xi32, #tpu.memory_space<hbm>>
        %dma_wait3A_41 = tpu.memref_squeeze %dma_wait3A_40 : memref<1x16x128xi32, #tpu.memory_space<hbm>> -> memref<16x128xi32, #tpu.memory_space<hbm>>
        tpu.wait_dma2 semaphore(%run_scoped3A : memref<!tpu.dma_semaphore, #tpu.memory_space<semaphore_mem>>) src(%dma_wait3A_41 : memref<16x128xi32, #tpu.memory_space<hbm>>) dst(%arg8 : memref<16x128xi32, #tpu.memory_space<vmem>>)
        tpu.yield
      }) : () -> ()
      %dma_start3A = arith.constant 0 : i32
      %dma_start3A_20 = arith.constant 0 : i32
      %dma_start3A_21 = tpu.memref_slice %arg7[%dma_start3A, %dma_start3A_20] : memref<16x128xi32, #tpu.memory_space<vmem>> -> memref<1x128xi32, #tpu.memory_space<vmem>>
      %dma_start3A_22 = tpu.memref_squeeze %dma_start3A_21 : memref<1x128xi32, #tpu.memory_space<vmem>> -> memref<128xi32, #tpu.memory_space<vmem>>
      %dma_start3A_23 = arith.constant 0 : i32
      %dma_start3A_24 = arith.constant 0 : i32
      %dma_start3A_25 = tpu.memref_slice %arg2[%dma_start3A_23, %dma_start3A_24] : memref<10000x128xf32, #tpu.memory_space<hbm>> -> memref<10000x128xf32, #tpu.memory_space<hbm>>
      tpu.enqueue_indirect_dma source(%dma_start3A_25 : memref<10000x128xf32, #tpu.memory_space<hbm>>) target(%arg9 : memref<128x128xf32, #tpu.memory_space<vmem>>) offsets(%dma_start3A_22 : memref<128xi32, #tpu.memory_space<vmem>>) semaphore(%arg12 : memref<!tpu.dma_semaphore, #tpu.memory_space<semaphore_mem>>)
      %scan3A_26 = arith.constant 0 : i32
      %scan3A_27 = arith.constant 8 : i32
      %scan3A_28 = arith.addi %scan3A_26, %scan3A_27 : i32
      %scan3A_29 = arith.constant 1 : i32
      scf.for %scan3A_31 = %scan3A_26 to %scan3A_28 step %scan3A_29  : i32 {
        %mul3A_32 = arith.constant 2 : i32
        %mul3A_33 = arith.muli %scan3A_31, %mul3A_32 : i32
        %add3A_34 = arith.constant 0 : i32
        %add3A_35 = arith.addi %add3A_34, %mul3A_33 : i32
        %add3A_36 = arith.constant 1 : i32
        %add3A_37 = arith.addi %add3A_35, %add3A_36 : i32
        %dma_start3A_38 = arith.constant 0 : i32
        %dma_start3A_39 = tpu.memref_slice %arg7[%add3A_37, %dma_start3A_38] : memref<16x128xi32, #tpu.memory_space<vmem>> -> memref<1x128xi32, #tpu.memory_space<vmem>>
        %dma_start3A_40 = tpu.memref_squeeze %dma_start3A_39 : memref<1x128xi32, #tpu.memory_space<vmem>> -> memref<128xi32, #tpu.memory_space<vmem>>
        %dma_start3A_41 = arith.constant 0 : i32
        %dma_start3A_42 = arith.constant 0 : i32
        %dma_start3A_43 = tpu.memref_slice %arg2[%dma_start3A_41, %dma_start3A_42] : memref<10000x128xf32, #tpu.memory_space<hbm>> -> memref<10000x128xf32, #tpu.memory_space<hbm>>
        tpu.enqueue_indirect_dma source(%dma_start3A_43 : memref<10000x128xf32, #tpu.memory_space<hbm>>) target(%arg10 : memref<128x128xf32, #tpu.memory_space<vmem>>) offsets(%dma_start3A_40 : memref<128xi32, #tpu.memory_space<vmem>>) semaphore(%arg13 : memref<!tpu.dma_semaphore, #tpu.memory_space<semaphore_mem>>)
        %dma_wait3A = arith.constant 0 : i32
        %dma_wait3A_44 = tpu.memref_slice %arg7[%add3A_35, %dma_wait3A] : memref<16x128xi32, #tpu.memory_space<vmem>> -> memref<1x128xi32, #tpu.memory_space<vmem>>
        %dma_wait3A_45 = tpu.memref_squeeze %dma_wait3A_44 : memref<1x128xi32, #tpu.memory_space<vmem>> -> memref<128xi32, #tpu.memory_space<vmem>>
        %dma_wait3A_46 = arith.constant 0 : i32
        %dma_wait3A_47 = arith.constant 0 : i32
        %dma_wait3A_48 = tpu.memref_slice %arg2[%dma_wait3A_46, %dma_wait3A_47] : memref<10000x128xf32, #tpu.memory_space<hbm>> -> memref<10000x128xf32, #tpu.memory_space<hbm>>
        tpu.wait_indirect_dma semaphore(%arg12 : memref<!tpu.dma_semaphore, #tpu.memory_space<semaphore_mem>>) src(%dma_wait3A_48 : memref<10000x128xf32, #tpu.memory_space<hbm>>) dst(%arg9 : memref<128x128xf32, #tpu.memory_space<vmem>>)
        "tpu.region"() ({
          %run_scoped3A = tpu.sem_alloc : memref<!tpu.dma_semaphore, #tpu.memory_space<semaphore_mem>>
          %dma_start3A_63 = arith.constant 0 : i32
          %dma_start3A_64 = tpu.memref_slice %arg8[%add3A_35, %dma_start3A_63] : memref<16x128xi32, #tpu.memory_space<vmem>> -> memref<1x128xi32, #tpu.memory_space<vmem>>
          %dma_start3A_65 = tpu.memref_squeeze %dma_start3A_64 : memref<1x128xi32, #tpu.memory_space<vmem>> -> memref<128xi32, #tpu.memory_space<vmem>>
          %dma_start3A_66 = arith.constant 0 : i32
          %dma_start3A_67 = arith.constant 0 : i32
          %dma_start3A_68 = tpu.memref_slice %arg11[%dma_start3A_66, %dma_start3A_67] : memref<10112x128xf32, #tpu.memory_space<vmem_shared>> -> memref<10112x128xf32, #tpu.memory_space<vmem_shared>>
          tpu.enqueue_indirect_dma source(%arg9 : memref<128x128xf32, #tpu.memory_space<vmem>>) target(%dma_start3A_68 : memref<10112x128xf32, #tpu.memory_space<vmem_shared>>) offsets(%dma_start3A_65 : memref<128xi32, #tpu.memory_space<vmem>>) semaphore(%run_scoped3A : memref<!tpu.dma_semaphore, #tpu.memory_space<semaphore_mem>>) {add = true}
          %dma_wait3A_69 = arith.constant 0 : i32
          %dma_wait3A_70 = tpu.memref_slice %arg8[%add3A_35, %dma_wait3A_69] : memref<16x128xi32, #tpu.memory_space<vmem>> -> memref<1x128xi32, #tpu.memory_space<vmem>>
          %dma_wait3A_71 = tpu.memref_squeeze %dma_wait3A_70 : memref<1x128xi32, #tpu.memory_space<vmem>> -> memref<128xi32, #tpu.memory_space<vmem>>
          %dma_wait3A_72 = arith.constant 0 : i32
          %dma_wait3A_73 = arith.constant 0 : i32
          %dma_wait3A_74 = tpu.memref_slice %arg11[%dma_wait3A_72, %dma_wait3A_73] : memref<10112x128xf32, #tpu.memory_space<vmem_shared>> -> memref<10112x128xf32, #tpu.memory_space<vmem_shared>>
          tpu.wait_indirect_dma semaphore(%run_scoped3A : memref<!tpu.dma_semaphore, #tpu.memory_space<semaphore_mem>>) src(%arg9 : memref<128x128xf32, #tpu.memory_space<vmem>>) dst(%dma_wait3A_74 : memref<10112x128xf32, #tpu.memory_space<vmem_shared>>)
          tpu.yield
        }) : () -> ()
        %add3A_49 = arith.constant 2 : i32
        %add3A_50 = arith.addi %add3A_35, %add3A_49 : i32
        %lt3A = arith.constant 16 : i32
        %lt3A_51 = arith.cmpi slt, %add3A_50, %lt3A : i32
        %convert_element_type3A = arith.extui %lt3A_51 : i1 to i32
        %cond3A = arith.constant 0 : i32
        %cond3A_52 = arith.cmpi ne, %convert_element_type3A, %cond3A : i32
        scf.if %cond3A_52 {
          %add3A_63 = arith.constant 2 : i32
          %add3A_64 = arith.addi %add3A_35, %add3A_63 : i32
          %dma_start3A_65 = arith.constant 0 : i32
          %dma_start3A_66 = tpu.memref_slice %arg7[%add3A_64, %dma_start3A_65] : memref<16x128xi32, #tpu.memory_space<vmem>> -> memref<1x128xi32, #tpu.memory_space<vmem>>
          %dma_start3A_67 = tpu.memref_squeeze %dma_start3A_66 : memref<1x128xi32, #tpu.memory_space<vmem>> -> memref<128xi32, #tpu.memory_space<vmem>>
          %dma_start3A_68 = arith.constant 0 : i32
          %dma_start3A_69 = arith.constant 0 : i32
          %dma_start3A_70 = tpu.memref_slice %arg2[%dma_start3A_68, %dma_start3A_69] : memref<10000x128xf32, #tpu.memory_space<hbm>> -> memref<10000x128xf32, #tpu.memory_space<hbm>>
          tpu.enqueue_indirect_dma source(%dma_start3A_70 : memref<10000x128xf32, #tpu.memory_space<hbm>>) target(%arg9 : memref<128x128xf32, #tpu.memory_space<vmem>>) offsets(%dma_start3A_67 : memref<128xi32, #tpu.memory_space<vmem>>) semaphore(%arg12 : memref<!tpu.dma_semaphore, #tpu.memory_space<semaphore_mem>>)
        } else {
        }
        %add3A_53 = arith.constant 1 : i32
        %add3A_54 = arith.addi %add3A_35, %add3A_53 : i32
        %dma_wait3A_55 = arith.constant 0 : i32
        %dma_wait3A_56 = tpu.memref_slice %arg7[%add3A_54, %dma_wait3A_55] : memref<16x128xi32, #tpu.memory_space<vmem>> -> memref<1x128xi32, #tpu.memory_space<vmem>>
        %dma_wait3A_57 = tpu.memref_squeeze %dma_wait3A_56 : memref<1x128xi32, #tpu.memory_space<vmem>> -> memref<128xi32, #tpu.memory_space<vmem>>
        %dma_wait3A_58 = arith.constant 0 : i32
        %dma_wait3A_59 = arith.constant 0 : i32
        %dma_wait3A_60 = tpu.memref_slice %arg2[%dma_wait3A_58, %dma_wait3A_59] : memref<10000x128xf32, #tpu.memory_space<hbm>> -> memref<10000x128xf32, #tpu.memory_space<hbm>>
        tpu.wait_indirect_dma semaphore(%arg13 : memref<!tpu.dma_semaphore, #tpu.memory_space<semaphore_mem>>) src(%dma_wait3A_60 : memref<10000x128xf32, #tpu.memory_space<hbm>>) dst(%arg10 : memref<128x128xf32, #tpu.memory_space<vmem>>)
        %add3A_61 = arith.constant 1 : i32
        %add3A_62 = arith.addi %add3A_35, %add3A_61 : i32
        "tpu.region"() ({
          %run_scoped3A = tpu.sem_alloc : memref<!tpu.dma_semaphore, #tpu.memory_space<semaphore_mem>>
          %dma_start3A_63 = arith.constant 0 : i32
          %dma_start3A_64 = tpu.memref_slice %arg8[%add3A_62, %dma_start3A_63] : memref<16x128xi32, #tpu.memory_space<vmem>> -> memref<1x128xi32, #tpu.memory_space<vmem>>
          %dma_start3A_65 = tpu.memref_squeeze %dma_start3A_64 : memref<1x128xi32, #tpu.memory_space<vmem>> -> memref<128xi32, #tpu.memory_space<vmem>>
          %dma_start3A_66 = arith.constant 0 : i32
          %dma_start3A_67 = arith.constant 0 : i32
          %dma_start3A_68 = tpu.memref_slice %arg11[%dma_start3A_66, %dma_start3A_67] : memref<10112x128xf32, #tpu.memory_space<vmem_shared>> -> memref<10112x128xf32, #tpu.memory_space<vmem_shared>>
          tpu.enqueue_indirect_dma source(%arg10 : memref<128x128xf32, #tpu.memory_space<vmem>>) target(%dma_start3A_68 : memref<10112x128xf32, #tpu.memory_space<vmem_shared>>) offsets(%dma_start3A_65 : memref<128xi32, #tpu.memory_space<vmem>>) semaphore(%run_scoped3A : memref<!tpu.dma_semaphore, #tpu.memory_space<semaphore_mem>>) {add = true}
          %dma_wait3A_69 = arith.constant 0 : i32
          %dma_wait3A_70 = tpu.memref_slice %arg8[%add3A_62, %dma_wait3A_69] : memref<16x128xi32, #tpu.memory_space<vmem>> -> memref<1x128xi32, #tpu.memory_space<vmem>>
          %dma_wait3A_71 = tpu.memref_squeeze %dma_wait3A_70 : memref<1x128xi32, #tpu.memory_space<vmem>> -> memref<128xi32, #tpu.memory_space<vmem>>
          %dma_wait3A_72 = arith.constant 0 : i32
          %dma_wait3A_73 = arith.constant 0 : i32
          %dma_wait3A_74 = tpu.memref_slice %arg11[%dma_wait3A_72, %dma_wait3A_73] : memref<10112x128xf32, #tpu.memory_space<vmem_shared>> -> memref<10112x128xf32, #tpu.memory_space<vmem_shared>>
          tpu.wait_indirect_dma semaphore(%run_scoped3A : memref<!tpu.dma_semaphore, #tpu.memory_space<semaphore_mem>>) src(%arg10 : memref<128x128xf32, #tpu.memory_space<vmem>>) dst(%dma_wait3A_74 : memref<10112x128xf32, #tpu.memory_space<vmem_shared>>)
          tpu.yield
        }) : () -> ()
      }
      %scan3A_30 = arith.constant 8 : i32
    }
    %scan3A_6 = arith.constant 5 : i32
    %barrier3A_7 = arith.constant 0 : index
    tpu.barrier barrier_id(%barrier3A_7)
    %mul3A_8 = arith.constant 632 : i32
    %mul3A_9 = arith.muli %arg1, %mul3A_8 : i32
    %min3A = arith.constant 9368 : i32
    %min3A_10 = arith.minsi %mul3A_9, %min3A : i32
    "tpu.region"() ({
      %run_scoped3A = tpu.sem_alloc : memref<!tpu.dma_semaphore, #tpu.memory_space<semaphore_mem>>
      %dma_start3A = arith.constant 0 : i32
      %dma_start3A_11 = tpu.memref_slice %arg6[%arg0, %min3A_10, %dma_start3A] : memref<2x10000x128xf32, #tpu.memory_space<hbm>> -> memref<1x632x128xf32, #tpu.memory_space<hbm>>
      %dma_start3A_12 = tpu.memref_squeeze %dma_start3A_11 : memref<1x632x128xf32, #tpu.memory_space<hbm>> -> memref<632x128xf32, #tpu.memory_space<hbm>>
      %dma_start3A_13 = arith.constant 0 : i32
      %dma_start3A_14 = tpu.memref_slice %arg11[%min3A_10, %dma_start3A_13] : memref<10112x128xf32, #tpu.memory_space<vmem_shared>> -> memref<632x128xf32, #tpu.memory_space<vmem_shared>>
      tpu.enqueue_dma source(%dma_start3A_14 : memref<632x128xf32, #tpu.memory_space<vmem_shared>>) target(%dma_start3A_12 : memref<632x128xf32, #tpu.memory_space<hbm>>) target_semaphore(%run_scoped3A : memref<!tpu.dma_semaphore, #tpu.memory_space<semaphore_mem>>)
      %dma_wait3A = arith.constant 0 : i32
      %dma_wait3A_15 = tpu.memref_slice %arg6[%arg0, %min3A_10, %dma_wait3A] : memref<2x10000x128xf32, #tpu.memory_space<hbm>> -> memref<1x632x128xf32, #tpu.memory_space<hbm>>
      %dma_wait3A_16 = tpu.memref_squeeze %dma_wait3A_15 : memref<1x632x128xf32, #tpu.memory_space<hbm>> -> memref<632x128xf32, #tpu.memory_space<hbm>>
      %dma_wait3A_17 = arith.constant 0 : i32
      %dma_wait3A_18 = tpu.memref_slice %arg11[%min3A_10, %dma_wait3A_17] : memref<10112x128xf32, #tpu.memory_space<vmem_shared>> -> memref<632x128xf32, #tpu.memory_space<vmem_shared>>
      tpu.wait_dma2 semaphore(%run_scoped3A : memref<!tpu.dma_semaphore, #tpu.memory_space<semaphore_mem>>) src(%dma_wait3A_18 : memref<632x128xf32, #tpu.memory_space<vmem_shared>>) dst(%dma_wait3A_16 : memref<632x128xf32, #tpu.memory_space<hbm>>)
      tpu.yield
    }) : () -> ()
    return
  }
}

#map = affine_map<(d0, d1) -> (0, 0)>
#map1 = affine_map<(d0, d1) -> (0, 0, 0)>
module attributes {stable_mosaic.version = 14 : i64} {
  func.func @seg_sum(%arg0: i32, %arg1: i32, %arg2: memref<10000x128xf32, #tpu.memory_space<hbm>>, %arg3: memref<32x80x128xi32, #tpu.memory_space<hbm>>, %arg4: memref<32x80x128xi32, #tpu.memory_space<hbm>>, %arg5: memref<632x128xf32, #tpu.memory_space<hbm>>, %arg6: memref<2x10000x128xf32, #tpu.memory_space<hbm>>, %arg7: memref<16x128xi32, #tpu.memory_space<vmem>>, %arg8: memref<16x128xi32, #tpu.memory_space<vmem>>, %arg9: memref<128x128xf32, #tpu.memory_space<vmem>>, %arg10: memref<128x128xf32, #tpu.memory_space<vmem>>, %arg11: memref<10112x128xf32, #tpu.memory_space<vmem_shared>>, %arg12: memref<!tpu.dma_semaphore, #tpu.memory_space<semaphore_mem>>, %arg13: memref<!tpu.dma_semaphore, #tpu.memory_space<semaphore_mem>>) attributes {dimension_semantics = [#tpu.dimension_semantics<core_parallel>, #tpu.dimension_semantics<subcore_parallel>], iteration_bounds = array<i64: 2, 16>, scalar_prefetch = 0 : i64, scratch_operands = 7 : i64, tpu.core_type = #tpu.core_type<sc_vector_subcore>, window_params = [{transform_indices = #map}, {transform_indices = #map1}, {transform_indices = #map1}, {transform_indices = #map}, {transform_indices = #map1}]} {
    %mul3A = arith.constant 2 : i32
    %mul3A_0 = arith.muli %arg1, %mul3A : i32
    %add3A = arith.addi %mul3A_0, %arg0 : i32
    %mul3A_1 = arith.constant 632 : i32
    %mul3A_2 = arith.muli %arg1, %mul3A_1 : i32
    "tpu.region"() ({
      %run_scoped3A = tpu.sem_alloc : memref<!tpu.dma_semaphore, #tpu.memory_space<semaphore_mem>>
      %dma_start3A = arith.constant 0 : i32
      %dma_start3A_11 = tpu.memref_slice %arg11[%mul3A_2, %dma_start3A] : memref<10112x128xf32, #tpu.memory_space<vmem_shared>> -> memref<632x128xf32, #tpu.memory_space<vmem_shared>>
      tpu.enqueue_dma source(%arg5 : memref<632x128xf32, #tpu.memory_space<hbm>>) target(%dma_start3A_11 : memref<632x128xf32, #tpu.memory_space<vmem_shared>>) target_semaphore(%run_scoped3A : memref<!tpu.dma_semaphore, #tpu.memory_space<semaphore_mem>>)
      %dma_wait3A = arith.constant 0 : i32
      %dma_wait3A_12 = tpu.memref_slice %arg11[%mul3A_2, %dma_wait3A] : memref<10112x128xf32, #tpu.memory_space<vmem_shared>> -> memref<632x128xf32, #tpu.memory_space<vmem_shared>>
      tpu.wait_dma2 semaphore(%run_scoped3A : memref<!tpu.dma_semaphore, #tpu.memory_space<semaphore_mem>>) src(%arg5 : memref<632x128xf32, #tpu.memory_space<hbm>>) dst(%dma_wait3A_12 : memref<632x128xf32, #tpu.memory_space<vmem_shared>>)
      tpu.yield
    }) : () -> ()
    %barrier3A = arith.constant 0 : index
    tpu.barrier barrier_id(%barrier3A)
    %scan3A = arith.constant 0 : i32
    %scan3A_3 = arith.constant 5 : i32
    %scan3A_4 = arith.addi %scan3A, %scan3A_3 : i32
    %scan3A_5 = arith.constant 1 : i32
    scf.for %scan3A_11 = %scan3A to %scan3A_4 step %scan3A_5  : i32 {
      %mul3A_12 = arith.constant 1 : i32
      %mul3A_13 = arith.muli %scan3A_11, %mul3A_12 : i32
      %add3A_14 = arith.constant 0 : i32
      %add3A_15 = arith.addi %add3A_14, %mul3A_13 : i32
      %mul3A_16 = arith.constant 16 : i32
      %mul3A_17 = arith.muli %add3A_15, %mul3A_16 : i32
      "tpu.region"() ({
        %run_scoped3A = tpu.sem_alloc : memref<!tpu.dma_semaphore, #tpu.memory_space<semaphore_mem>>
        %dma_start3A_31 = arith.constant 0 : i32
        %dma_start3A_32 = tpu.memref_slice %arg3[%add3A, %mul3A_17, %dma_start3A_31] : memref<32x80x128xi32, #tpu.memory_space<hbm>> -> memref<1x16x128xi32, #tpu.memory_space<hbm>>
        %dma_start3A_33 = tpu.memref_squeeze %dma_start3A_32 : memref<1x16x128xi32, #tpu.memory_space<hbm>> -> memref<16x128xi32, #tpu.memory_space<hbm>>
        %dma_start3A_34 = arith.constant 0 : i32
        %dma_start3A_35 = tpu.memref_slice %arg3[%add3A, %mul3A_17, %dma_start3A_34] : memref<32x80x128xi32, #tpu.memory_space<hbm>> -> memref<1x16x128xi32, #tpu.memory_space<hbm>>
        %dma_start3A_36 = tpu.memref_squeeze %dma_start3A_35 : memref<1x16x128xi32, #tpu.memory_space<hbm>> -> memref<16x128xi32, #tpu.memory_space<hbm>>
        tpu.enqueue_dma source(%dma_start3A_36 : memref<16x128xi32, #tpu.memory_space<hbm>>) target(%arg7 : memref<16x128xi32, #tpu.memory_space<vmem>>) target_semaphore(%run_scoped3A : memref<!tpu.dma_semaphore, #tpu.memory_space<semaphore_mem>>)
        %dma_wait3A = arith.constant 0 : i32
        %dma_wait3A_37 = tpu.memref_slice %arg3[%add3A, %mul3A_17, %dma_wait3A] : memref<32x80x128xi32, #tpu.memory_space<hbm>> -> memref<1x16x128xi32, #tpu.memory_space<hbm>>
        %dma_wait3A_38 = tpu.memref_squeeze %dma_wait3A_37 : memref<1x16x128xi32, #tpu.memory_space<hbm>> -> memref<16x128xi32, #tpu.memory_space<hbm>>
        %dma_wait3A_39 = arith.constant 0 : i32
        %dma_wait3A_40 = tpu.memref_slice %arg3[%add3A, %mul3A_17, %dma_wait3A_39] : memref<32x80x128xi32, #tpu.memory_space<hbm>> -> memref<1x16x128xi32, #tpu.memory_space<hbm>>
        %dma_wait3A_41 = tpu.memref_squeeze %dma_wait3A_40 : memref<1x16x128xi32, #tpu.memory_space<hbm>> -> memref<16x128xi32, #tpu.memory_space<hbm>>
        tpu.wait_dma2 semaphore(%run_scoped3A : memref<!tpu.dma_semaphore, #tpu.memory_space<semaphore_mem>>) src(%dma_wait3A_41 : memref<16x128xi32, #tpu.memory_space<hbm>>) dst(%arg7 : memref<16x128xi32, #tpu.memory_space<vmem>>)
        tpu.yield
      }) : () -> ()
      %mul3A_18 = arith.constant 16 : i32
      %mul3A_19 = arith.muli %add3A_15, %mul3A_18 : i32
      "tpu.region"() ({
        %run_scoped3A = tpu.sem_alloc : memref<!tpu.dma_semaphore, #tpu.memory_space<semaphore_mem>>
        %dma_start3A_31 = arith.constant 0 : i32
        %dma_start3A_32 = tpu.memref_slice %arg4[%add3A, %mul3A_19, %dma_start3A_31] : memref<32x80x128xi32, #tpu.memory_space<hbm>> -> memref<1x16x128xi32, #tpu.memory_space<hbm>>
        %dma_start3A_33 = tpu.memref_squeeze %dma_start3A_32 : memref<1x16x128xi32, #tpu.memory_space<hbm>> -> memref<16x128xi32, #tpu.memory_space<hbm>>
        %dma_start3A_34 = arith.constant 0 : i32
        %dma_start3A_35 = tpu.memref_slice %arg4[%add3A, %mul3A_19, %dma_start3A_34] : memref<32x80x128xi32, #tpu.memory_space<hbm>> -> memref<1x16x128xi32, #tpu.memory_space<hbm>>
        %dma_start3A_36 = tpu.memref_squeeze %dma_start3A_35 : memref<1x16x128xi32, #tpu.memory_space<hbm>> -> memref<16x128xi32, #tpu.memory_space<hbm>>
        tpu.enqueue_dma source(%dma_start3A_36 : memref<16x128xi32, #tpu.memory_space<hbm>>) target(%arg8 : memref<16x128xi32, #tpu.memory_space<vmem>>) target_semaphore(%run_scoped3A : memref<!tpu.dma_semaphore, #tpu.memory_space<semaphore_mem>>)
        %dma_wait3A = arith.constant 0 : i32
        %dma_wait3A_37 = tpu.memref_slice %arg4[%add3A, %mul3A_19, %dma_wait3A] : memref<32x80x128xi32, #tpu.memory_space<hbm>> -> memref<1x16x128xi32, #tpu.memory_space<hbm>>
        %dma_wait3A_38 = tpu.memref_squeeze %dma_wait3A_37 : memref<1x16x128xi32, #tpu.memory_space<hbm>> -> memref<16x128xi32, #tpu.memory_space<hbm>>
        %dma_wait3A_39 = arith.constant 0 : i32
        %dma_wait3A_40 = tpu.memref_slice %arg4[%add3A, %mul3A_19, %dma_wait3A_39] : memref<32x80x128xi32, #tpu.memory_space<hbm>> -> memref<1x16x128xi32, #tpu.memory_space<hbm>>
        %dma_wait3A_41 = tpu.memref_squeeze %dma_wait3A_40 : memref<1x16x128xi32, #tpu.memory_space<hbm>> -> memref<16x128xi32, #tpu.memory_space<hbm>>
        tpu.wait_dma2 semaphore(%run_scoped3A : memref<!tpu.dma_semaphore, #tpu.memory_space<semaphore_mem>>) src(%dma_wait3A_41 : memref<16x128xi32, #tpu.memory_space<hbm>>) dst(%arg8 : memref<16x128xi32, #tpu.memory_space<vmem>>)
        tpu.yield
      }) : () -> ()
      %dma_start3A = arith.constant 0 : i32
      %dma_start3A_20 = arith.constant 0 : i32
      %dma_start3A_21 = tpu.memref_slice %arg7[%dma_start3A, %dma_start3A_20] : memref<16x128xi32, #tpu.memory_space<vmem>> -> memref<1x128xi32, #tpu.memory_space<vmem>>
      %dma_start3A_22 = tpu.memref_squeeze %dma_start3A_21 : memref<1x128xi32, #tpu.memory_space<vmem>> -> memref<128xi32, #tpu.memory_space<vmem>>
      %dma_start3A_23 = arith.constant 0 : i32
      %dma_start3A_24 = arith.constant 0 : i32
      %dma_start3A_25 = tpu.memref_slice %arg2[%dma_start3A_23, %dma_start3A_24] : memref<10000x128xf32, #tpu.memory_space<hbm>> -> memref<10000x128xf32, #tpu.memory_space<hbm>>
      tpu.enqueue_indirect_dma source(%dma_start3A_25 : memref<10000x128xf32, #tpu.memory_space<hbm>>) target(%arg9 : memref<128x128xf32, #tpu.memory_space<vmem>>) offsets(%dma_start3A_22 : memref<128xi32, #tpu.memory_space<vmem>>) semaphore(%arg12 : memref<!tpu.dma_semaphore, #tpu.memory_space<semaphore_mem>>)
      %scan3A_26 = arith.constant 0 : i32
      %scan3A_27 = arith.constant 8 : i32
      %scan3A_28 = arith.addi %scan3A_26, %scan3A_27 : i32
      %scan3A_29 = arith.constant 1 : i32
      scf.for %scan3A_31 = %scan3A_26 to %scan3A_28 step %scan3A_29  : i32 {
        %mul3A_32 = arith.constant 2 : i32
        %mul3A_33 = arith.muli %scan3A_31, %mul3A_32 : i32
        %add3A_34 = arith.constant 0 : i32
        %add3A_35 = arith.addi %add3A_34, %mul3A_33 : i32
        %add3A_36 = arith.constant 1 : i32
        %add3A_37 = arith.addi %add3A_35, %add3A_36 : i32
        %dma_start3A_38 = arith.constant 0 : i32
        %dma_start3A_39 = tpu.memref_slice %arg7[%add3A_37, %dma_start3A_38] : memref<16x128xi32, #tpu.memory_space<vmem>> -> memref<1x128xi32, #tpu.memory_space<vmem>>
        %dma_start3A_40 = tpu.memref_squeeze %dma_start3A_39 : memref<1x128xi32, #tpu.memory_space<vmem>> -> memref<128xi32, #tpu.memory_space<vmem>>
        %dma_start3A_41 = arith.constant 0 : i32
        %dma_start3A_42 = arith.constant 0 : i32
        %dma_start3A_43 = tpu.memref_slice %arg2[%dma_start3A_41, %dma_start3A_42] : memref<10000x128xf32, #tpu.memory_space<hbm>> -> memref<10000x128xf32, #tpu.memory_space<hbm>>
        tpu.enqueue_indirect_dma source(%dma_start3A_43 : memref<10000x128xf32, #tpu.memory_space<hbm>>) target(%arg10 : memref<128x128xf32, #tpu.memory_space<vmem>>) offsets(%dma_start3A_40 : memref<128xi32, #tpu.memory_space<vmem>>) semaphore(%arg13 : memref<!tpu.dma_semaphore, #tpu.memory_space<semaphore_mem>>)
        %dma_wait3A = arith.constant 0 : i32
        %dma_wait3A_44 = tpu.memref_slice %arg7[%add3A_35, %dma_wait3A] : memref<16x128xi32, #tpu.memory_space<vmem>> -> memref<1x128xi32, #tpu.memory_space<vmem>>
        %dma_wait3A_45 = tpu.memref_squeeze %dma_wait3A_44 : memref<1x128xi32, #tpu.memory_space<vmem>> -> memref<128xi32, #tpu.memory_space<vmem>>
        %dma_wait3A_46 = arith.constant 0 : i32
        %dma_wait3A_47 = arith.constant 0 : i32
        %dma_wait3A_48 = tpu.memref_slice %arg2[%dma_wait3A_46, %dma_wait3A_47] : memref<10000x128xf32, #tpu.memory_space<hbm>> -> memref<10000x128xf32, #tpu.memory_space<hbm>>
        tpu.wait_indirect_dma semaphore(%arg12 : memref<!tpu.dma_semaphore, #tpu.memory_space<semaphore_mem>>) src(%dma_wait3A_48 : memref<10000x128xf32, #tpu.memory_space<hbm>>) dst(%arg9 : memref<128x128xf32, #tpu.memory_space<vmem>>)
        "tpu.region"() ({
          %run_scoped3A = tpu.sem_alloc : memref<!tpu.dma_semaphore, #tpu.memory_space<semaphore_mem>>
          %dma_start3A_63 = arith.constant 0 : i32
          %dma_start3A_64 = tpu.memref_slice %arg8[%add3A_35, %dma_start3A_63] : memref<16x128xi32, #tpu.memory_space<vmem>> -> memref<1x128xi32, #tpu.memory_space<vmem>>
          %dma_start3A_65 = tpu.memref_squeeze %dma_start3A_64 : memref<1x128xi32, #tpu.memory_space<vmem>> -> memref<128xi32, #tpu.memory_space<vmem>>
          %dma_start3A_66 = arith.constant 0 : i32
          %dma_start3A_67 = arith.constant 0 : i32
          %dma_start3A_68 = tpu.memref_slice %arg11[%dma_start3A_66, %dma_start3A_67] : memref<10112x128xf32, #tpu.memory_space<vmem_shared>> -> memref<10112x128xf32, #tpu.memory_space<vmem_shared>>
          tpu.enqueue_indirect_dma source(%arg9 : memref<128x128xf32, #tpu.memory_space<vmem>>) target(%dma_start3A_68 : memref<10112x128xf32, #tpu.memory_space<vmem_shared>>) offsets(%dma_start3A_65 : memref<128xi32, #tpu.memory_space<vmem>>) semaphore(%run_scoped3A : memref<!tpu.dma_semaphore, #tpu.memory_space<semaphore_mem>>) {add = true}
          %dma_wait3A_69 = arith.constant 0 : i32
          %dma_wait3A_70 = tpu.memref_slice %arg8[%add3A_35, %dma_wait3A_69] : memref<16x128xi32, #tpu.memory_space<vmem>> -> memref<1x128xi32, #tpu.memory_space<vmem>>
          %dma_wait3A_71 = tpu.memref_squeeze %dma_wait3A_70 : memref<1x128xi32, #tpu.memory_space<vmem>> -> memref<128xi32, #tpu.memory_space<vmem>>
          %dma_wait3A_72 = arith.constant 0 : i32
          %dma_wait3A_73 = arith.constant 0 : i32
          %dma_wait3A_74 = tpu.memref_slice %arg11[%dma_wait3A_72, %dma_wait3A_73] : memref<10112x128xf32, #tpu.memory_space<vmem_shared>> -> memref<10112x128xf32, #tpu.memory_space<vmem_shared>>
          tpu.wait_indirect_dma semaphore(%run_scoped3A : memref<!tpu.dma_semaphore, #tpu.memory_space<semaphore_mem>>) src(%arg9 : memref<128x128xf32, #tpu.memory_space<vmem>>) dst(%dma_wait3A_74 : memref<10112x128xf32, #tpu.memory_space<vmem_shared>>)
          tpu.yield
        }) : () -> ()
        %add3A_49 = arith.constant 2 : i32
        %add3A_50 = arith.addi %add3A_35, %add3A_49 : i32
        %lt3A = arith.constant 16 : i32
        %lt3A_51 = arith.cmpi slt, %add3A_50, %lt3A : i32
        %convert_element_type3A = arith.extui %lt3A_51 : i1 to i32
        %cond3A = arith.constant 0 : i32
        %cond3A_52 = arith.cmpi ne, %convert_element_type3A, %cond3A : i32
        scf.if %cond3A_52 {
          %add3A_63 = arith.constant 2 : i32
          %add3A_64 = arith.addi %add3A_35, %add3A_63 : i32
          %dma_start3A_65 = arith.constant 0 : i32
          %dma_start3A_66 = tpu.memref_slice %arg7[%add3A_64, %dma_start3A_65] : memref<16x128xi32, #tpu.memory_space<vmem>> -> memref<1x128xi32, #tpu.memory_space<vmem>>
          %dma_start3A_67 = tpu.memref_squeeze %dma_start3A_66 : memref<1x128xi32, #tpu.memory_space<vmem>> -> memref<128xi32, #tpu.memory_space<vmem>>
          %dma_start3A_68 = arith.constant 0 : i32
          %dma_start3A_69 = arith.constant 0 : i32
          %dma_start3A_70 = tpu.memref_slice %arg2[%dma_start3A_68, %dma_start3A_69] : memref<10000x128xf32, #tpu.memory_space<hbm>> -> memref<10000x128xf32, #tpu.memory_space<hbm>>
          tpu.enqueue_indirect_dma source(%dma_start3A_70 : memref<10000x128xf32, #tpu.memory_space<hbm>>) target(%arg9 : memref<128x128xf32, #tpu.memory_space<vmem>>) offsets(%dma_start3A_67 : memref<128xi32, #tpu.memory_space<vmem>>) semaphore(%arg12 : memref<!tpu.dma_semaphore, #tpu.memory_space<semaphore_mem>>)
        } else {
        }
        %add3A_53 = arith.constant 1 : i32
        %add3A_54 = arith.addi %add3A_35, %add3A_53 : i32
        %dma_wait3A_55 = arith.constant 0 : i32
        %dma_wait3A_56 = tpu.memref_slice %arg7[%add3A_54, %dma_wait3A_55] : memref<16x128xi32, #tpu.memory_space<vmem>> -> memref<1x128xi32, #tpu.memory_space<vmem>>
        %dma_wait3A_57 = tpu.memref_squeeze %dma_wait3A_56 : memref<1x128xi32, #tpu.memory_space<vmem>> -> memref<128xi32, #tpu.memory_space<vmem>>
        %dma_wait3A_58 = arith.constant 0 : i32
        %dma_wait3A_59 = arith.constant 0 : i32
        %dma_wait3A_60 = tpu.memref_slice %arg2[%dma_wait3A_58, %dma_wait3A_59] : memref<10000x128xf32, #tpu.memory_space<hbm>> -> memref<10000x128xf32, #tpu.memory_space<hbm>>
        tpu.wait_indirect_dma semaphore(%arg13 : memref<!tpu.dma_semaphore, #tpu.memory_space<semaphore_mem>>) src(%dma_wait3A_60 : memref<10000x128xf32, #tpu.memory_space<hbm>>) dst(%arg10 : memref<128x128xf32, #tpu.memory_space<vmem>>)
        %add3A_61 = arith.constant 1 : i32
        %add3A_62 = arith.addi %add3A_35, %add3A_61 : i32
        "tpu.region"() ({
          %run_scoped3A = tpu.sem_alloc : memref<!tpu.dma_semaphore, #tpu.memory_space<semaphore_mem>>
          %dma_start3A_63 = arith.constant 0 : i32
          %dma_start3A_64 = tpu.memref_slice %arg8[%add3A_62, %dma_start3A_63] : memref<16x128xi32, #tpu.memory_space<vmem>> -> memref<1x128xi32, #tpu.memory_space<vmem>>
          %dma_start3A_65 = tpu.memref_squeeze %dma_start3A_64 : memref<1x128xi32, #tpu.memory_space<vmem>> -> memref<128xi32, #tpu.memory_space<vmem>>
          %dma_start3A_66 = arith.constant 0 : i32
          %dma_start3A_67 = arith.constant 0 : i32
          %dma_start3A_68 = tpu.memref_slice %arg11[%dma_start3A_66, %dma_start3A_67] : memref<10112x128xf32, #tpu.memory_space<vmem_shared>> -> memref<10112x128xf32, #tpu.memory_space<vmem_shared>>
          tpu.enqueue_indirect_dma source(%arg10 : memref<128x128xf32, #tpu.memory_space<vmem>>) target(%dma_start3A_68 : memref<10112x128xf32, #tpu.memory_space<vmem_shared>>) offsets(%dma_start3A_65 : memref<128xi32, #tpu.memory_space<vmem>>) semaphore(%run_scoped3A : memref<!tpu.dma_semaphore, #tpu.memory_space<semaphore_mem>>) {add = true}
          %dma_wait3A_69 = arith.constant 0 : i32
          %dma_wait3A_70 = tpu.memref_slice %arg8[%add3A_62, %dma_wait3A_69] : memref<16x128xi32, #tpu.memory_space<vmem>> -> memref<1x128xi32, #tpu.memory_space<vmem>>
          %dma_wait3A_71 = tpu.memref_squeeze %dma_wait3A_70 : memref<1x128xi32, #tpu.memory_space<vmem>> -> memref<128xi32, #tpu.memory_space<vmem>>
          %dma_wait3A_72 = arith.constant 0 : i32
          %dma_wait3A_73 = arith.constant 0 : i32
          %dma_wait3A_74 = tpu.memref_slice %arg11[%dma_wait3A_72, %dma_wait3A_73] : memref<10112x128xf32, #tpu.memory_space<vmem_shared>> -> memref<10112x128xf32, #tpu.memory_space<vmem_shared>>
          tpu.wait_indirect_dma semaphore(%run_scoped3A : memref<!tpu.dma_semaphore, #tpu.memory_space<semaphore_mem>>) src(%arg10 : memref<128x128xf32, #tpu.memory_space<vmem>>) dst(%dma_wait3A_74 : memref<10112x128xf32, #tpu.memory_space<vmem_shared>>)
          tpu.yield
        }) : () -> ()
      }
      %scan3A_30 = arith.constant 8 : i32
    }
    %scan3A_6 = arith.constant 5 : i32
    %barrier3A_7 = arith.constant 0 : index
    tpu.barrier barrier_id(%barrier3A_7)
    %mul3A_8 = arith.constant 632 : i32
    %mul3A_9 = arith.muli %arg1, %mul3A_8 : i32
    %min3A = arith.constant 9368 : i32
    %min3A_10 = arith.minsi %mul3A_9, %min3A : i32
    "tpu.region"() ({
      %run_scoped3A = tpu.sem_alloc : memref<!tpu.dma_semaphore, #tpu.memory_space<semaphore_mem>>
      %dma_start3A = arith.constant 0 : i32
      %dma_start3A_11 = tpu.memref_slice %arg6[%arg0, %min3A_10, %dma_start3A] : memref<2x10000x128xf32, #tpu.memory_space<hbm>> -> memref<1x632x128xf32, #tpu.memory_space<hbm>>
      %dma_start3A_12 = tpu.memref_squeeze %dma_start3A_11 : memref<1x632x128xf32, #tpu.memory_space<hbm>> -> memref<632x128xf32, #tpu.memory_space<hbm>>
      %dma_start3A_13 = arith.constant 0 : i32
      %dma_start3A_14 = tpu.memref_slice %arg11[%min3A_10, %dma_start3A_13] : memref<10112x128xf32, #tpu.memory_space<vmem_shared>> -> memref<632x128xf32, #tpu.memory_space<vmem_shared>>
      tpu.enqueue_dma source(%dma_start3A_14 : memref<632x128xf32, #tpu.memory_space<vmem_shared>>) target(%dma_start3A_12 : memref<632x128xf32, #tpu.memory_space<hbm>>) target_semaphore(%run_scoped3A : memref<!tpu.dma_semaphore, #tpu.memory_space<semaphore_mem>>)
      %dma_wait3A = arith.constant 0 : i32
      %dma_wait3A_15 = tpu.memref_slice %arg6[%arg0, %min3A_10, %dma_wait3A] : memref<2x10000x128xf32, #tpu.memory_space<hbm>> -> memref<1x632x128xf32, #tpu.memory_space<hbm>>
      %dma_wait3A_16 = tpu.memref_squeeze %dma_wait3A_15 : memref<1x632x128xf32, #tpu.memory_space<hbm>> -> memref<632x128xf32, #tpu.memory_space<hbm>>
      %dma_wait3A_17 = arith.constant 0 : i32
      %dma_wait3A_18 = tpu.memref_slice %arg11[%min3A_10, %dma_wait3A_17] : memref<10112x128xf32, #tpu.memory_space<vmem_shared>> -> memref<632x128xf32, #tpu.memory_space<vmem_shared>>
      tpu.wait_dma2 semaphore(%run_scoped3A : memref<!tpu.dma_semaphore, #tpu.memory_space<semaphore_mem>>) src(%dma_wait3A_18 : memref<632x128xf32, #tpu.memory_space<vmem_shared>>) dst(%dma_wait3A_16 : memref<632x128xf32, #tpu.memory_space<hbm>>)
      tpu.yield
    }) : () -> ()
    return
  }
}

module attributes {stable_mosaic.version = 14 : i64} {
  func.func @body(%arg0: i32, %arg1: memref<2x1000x128xf32, #tpu.memory_space<vmem>>, %arg2: memref<1000x128xf32, #tpu.memory_space<vmem>>, %arg3: memref<128x128xf32, #tpu.memory_space<vmem>>, %arg4: memref<128x128xf32, #tpu.memory_space<vmem>>, %arg5: memref<1x128xf32, #tpu.memory_space<vmem>>, %arg6: memref<1000x128xf32, #tpu.memory_space<vmem>>) attributes {dimension_semantics = [#tpu.dimension_semantics<arbitrary>], iteration_bounds = array<i64: 10>, scalar_prefetch = 0 : i64, scratch_operands = 0 : i64, tpu.core_type = #tpu.core_type<tc>, window_params = [{transform_indices = @transform_0, window_bounds = array<i64: 2, 1000, 128>}, {transform_indices = @transform_1, window_bounds = array<i64: 1000, 128>}, {pipeline_mode = #tpu.pipeline_mode<synchronous>, transform_indices = @transform_2, window_bounds = array<i64: 128, 128>}, {pipeline_mode = #tpu.pipeline_mode<synchronous>, transform_indices = @transform_3, window_bounds = array<i64: 128, 128>}, {pipeline_mode = #tpu.pipeline_mode<synchronous>, transform_indices = @transform_4, window_bounds = array<i64: 1, 128>}, {transform_indices = @transform_5, window_bounds = array<i64: 1000, 128>}]} {
    %get3A = arith.constant 0 : index
    %get3A_0 = arith.constant 0 : index
    %get3A_1 = arith.constant 0 : index
    %get3A_2 = vector.load %arg1[%get3A, %get3A_0, %get3A_1] : memref<2x1000x128xf32, #tpu.memory_space<vmem>>, vector<1x1000x128xf32>
    %get3A_3 = vector.shape_cast %get3A_2 : vector<1x1000x128xf32> to vector<1000x128xf32>
    %get3A_4 = arith.constant 1 : index
    %get3A_5 = arith.constant 0 : index
    %get3A_6 = arith.constant 0 : index
    %get3A_7 = vector.load %arg1[%get3A_4, %get3A_5, %get3A_6] : memref<2x1000x128xf32, #tpu.memory_space<vmem>>, vector<1x1000x128xf32>
    %get3A_8 = vector.shape_cast %get3A_7 : vector<1x1000x128xf32> to vector<1000x128xf32>
    %add3A = arith.addf %get3A_3, %get3A_8 : vector<1000x128xf32>
    %get3A_9 = arith.constant 0 : index
    %get3A_10 = arith.constant 0 : index
    %get3A_11 = vector.load %arg3[%get3A_9, %get3A_10] : memref<128x128xf32, #tpu.memory_space<vmem>>, vector<128x128xf32>
    %dot_general3A = arith.constant dense<0.000000e+00> : vector<1000x128xf32>
    %dot_general3A_12 = tpu.matmul %add3A, %get3A_11, %dot_general3A {dimension_numbers = #tpu.dot_dimension_numbers<[1], [1], [0], [0], [0, 0, 1, 0], [], []>, transpose_lhs_hint = false} : vector<1000x128xf32>, vector<128x128xf32>, vector<1000x128xf32> -> vector<1000x128xf32>
    %get3A_13 = arith.constant 0 : index
    %get3A_14 = arith.constant 0 : index
    %get3A_15 = vector.load %arg2[%get3A_13, %get3A_14] : memref<1000x128xf32, #tpu.memory_space<vmem>>, vector<1000x128xf32>
    %get3A_16 = arith.constant 0 : index
    %get3A_17 = arith.constant 0 : index
    %get3A_18 = vector.load %arg4[%get3A_16, %get3A_17] : memref<128x128xf32, #tpu.memory_space<vmem>>, vector<128x128xf32>
    %dot_general3A_19 = arith.constant dense<0.000000e+00> : vector<1000x128xf32>
    %dot_general3A_20 = tpu.matmul %get3A_15, %get3A_18, %dot_general3A_19 {dimension_numbers = #tpu.dot_dimension_numbers<[1], [1], [0], [0], [0, 0, 1, 0], [], []>, transpose_lhs_hint = false} : vector<1000x128xf32>, vector<128x128xf32>, vector<1000x128xf32> -> vector<1000x128xf32>
    %add3A_21 = arith.addf %dot_general3A_12, %dot_general3A_20 : vector<1000x128xf32>
    %get3A_22 = arith.constant 0 : index
    %get3A_23 = arith.constant 0 : index
    %get3A_24 = vector.load %arg5[%get3A_22, %get3A_23] : memref<1x128xf32, #tpu.memory_space<vmem>>, vector<1x128xf32>
    %add3A_25 = vector.broadcast %get3A_24 : vector<1x128xf32> to vector<1000x128xf32>
    %add3A_26 = arith.addf %add3A_21, %add3A_25 : vector<1000x128xf32>
    %max3A = arith.constant 0.000000e+00 : f32
    %max3A_27 = vector.broadcast %max3A : f32 to vector<1000x128xf32>
    %max3A_28 = arith.maximumf %add3A_26, %max3A_27 : vector<1000x128xf32>
    %swap3A = arith.constant 0 : index
    %swap3A_29 = arith.constant 0 : index
    %swap3A_30 = vector.load %arg6[%swap3A, %swap3A_29] : memref<1000x128xf32, #tpu.memory_space<vmem>>, vector<1000x128xf32>
    tpu.vector_store %arg6[%swap3A, %swap3A_29], %max3A_28 {strides = array<i32>} : memref<1000x128xf32, #tpu.memory_space<vmem>>, vector<1000x128xf32>,
    return
  }
  func.func @transform_0(%arg0: i32) -> (i32, i32, i32) {
    %c0_i32 = arith.constant 0 : i32
    %c0_i32_0 = arith.constant 0 : i32
    %c0_i32_1 = arith.constant 0 : i32
    return %c0_i32, %arg0, %c0_i32_0 : i32, i32, i32
  }
  func.func @transform_1(%arg0: i32) -> (i32, i32) {
    %c0_i32 = arith.constant 0 : i32
    %c0_i32_0 = arith.constant 0 : i32
    return %arg0, %c0_i32 : i32, i32
  }
  func.func @transform_2(%arg0: i32) -> (i32, i32) {
    %c0_i32 = arith.constant 0 : i32
    %c0_i32_0 = arith.constant 0 : i32
    %c0_i32_1 = arith.constant 0 : i32
    return %c0_i32, %c0_i32_0 : i32, i32
  }
  func.func @transform_3(%arg0: i32) -> (i32, i32) {
    %c0_i32 = arith.constant 0 : i32
    %c0_i32_0 = arith.constant 0 : i32
    %c0_i32_1 = arith.constant 0 : i32
    return %c0_i32, %c0_i32_0 : i32, i32
  }
  func.func @transform_4(%arg0: i32) -> (i32, i32) {
    %c0_i32 = arith.constant 0 : i32
    %c0_i32_0 = arith.constant 0 : i32
    %c0_i32_1 = arith.constant 0 : i32
    return %c0_i32, %c0_i32_0 : i32, i32
  }
  func.func @transform_5(%arg0: i32) -> (i32, i32) {
    %c0_i32 = arith.constant 0 : i32
    %c0_i32_0 = arith.constant 0 : i32
    return %arg0, %c0_i32 : i32, i32
  }
}

module attributes {stable_mosaic.version = 14 : i64} {
  func.func @body(%arg0: i32, %arg1: memref<2x1000x128xf32, #tpu.memory_space<vmem>>, %arg2: memref<1000x128xf32, #tpu.memory_space<vmem>>, %arg3: memref<128x128xf32, #tpu.memory_space<vmem>>, %arg4: memref<128x128xf32, #tpu.memory_space<vmem>>, %arg5: memref<1x128xf32, #tpu.memory_space<vmem>>, %arg6: memref<1000x1xi32, #tpu.memory_space<vmem>>, %arg7: memref<64x128xf32, #tpu.memory_space<vmem>>, %arg8: memref<1x64xf32, #tpu.memory_space<vmem>>, %arg9: memref<128x64xf32, #tpu.memory_space<vmem>>, %arg10: memref<128x128xf32, #tpu.memory_space<vmem>>, %arg11: memref<128x1xf32, #tpu.memory_space<vmem>>) attributes {dimension_semantics = [#tpu.dimension_semantics<arbitrary>], iteration_bounds = array<i64: 10>, scalar_prefetch = 0 : i64, scratch_operands = 2 : i64, tpu.core_type = #tpu.core_type<tc>, window_params = [{transform_indices = @transform_0, window_bounds = array<i64: 2, 1000, 128>}, {transform_indices = @transform_1, window_bounds = array<i64: 1000, 128>}, {pipeline_mode = #tpu.pipeline_mode<synchronous>, transform_indices = @transform_2, window_bounds = array<i64: 128, 128>}, {pipeline_mode = #tpu.pipeline_mode<synchronous>, transform_indices = @transform_3, window_bounds = array<i64: 128, 128>}, {pipeline_mode = #tpu.pipeline_mode<synchronous>, transform_indices = @transform_4, window_bounds = array<i64: 1, 128>}, {transform_indices = @transform_5, window_bounds = array<i64: 1000, 1>}, {pipeline_mode = #tpu.pipeline_mode<synchronous>, transform_indices = @transform_6, window_bounds = array<i64: 64, 128>}, {pipeline_mode = #tpu.pipeline_mode<synchronous>, transform_indices = @transform_7, window_bounds = array<i64: 1, 64>}, {pipeline_mode = #tpu.pipeline_mode<synchronous>, transform_indices = @transform_8, window_bounds = array<i64: 128, 64>}]} {
    %get3A = arith.constant 0 : index
    %get3A_0 = arith.constant 0 : index
    %get3A_1 = arith.constant 0 : index
    %get3A_2 = vector.load %arg1[%get3A, %get3A_0, %get3A_1] : memref<2x1000x128xf32, #tpu.memory_space<vmem>>, vector<1x1000x128xf32>
    %get3A_3 = vector.shape_cast %get3A_2 : vector<1x1000x128xf32> to vector<1000x128xf32>
    %get3A_4 = arith.constant 1 : index
    %get3A_5 = arith.constant 0 : index
    %get3A_6 = arith.constant 0 : index
    %get3A_7 = vector.load %arg1[%get3A_4, %get3A_5, %get3A_6] : memref<2x1000x128xf32, #tpu.memory_space<vmem>>, vector<1x1000x128xf32>
    %get3A_8 = vector.shape_cast %get3A_7 : vector<1x1000x128xf32> to vector<1000x128xf32>
    %add3A = arith.addf %get3A_3, %get3A_8 : vector<1000x128xf32>
    %get3A_9 = arith.constant 0 : index
    %get3A_10 = arith.constant 0 : index
    %get3A_11 = vector.load %arg3[%get3A_9, %get3A_10] : memref<128x128xf32, #tpu.memory_space<vmem>>, vector<128x128xf32>
    %dot_general3A = arith.constant dense<0.000000e+00> : vector<1000x128xf32>
    %dot_general3A_12 = tpu.matmul %add3A, %get3A_11, %dot_general3A {dimension_numbers = #tpu.dot_dimension_numbers<[1], [1], [0], [0], [0, 0, 1, 0], [], []>, transpose_lhs_hint = false} : vector<1000x128xf32>, vector<128x128xf32>, vector<1000x128xf32> -> vector<1000x128xf32>
    %get3A_13 = arith.constant 0 : index
    %get3A_14 = arith.constant 0 : index
    %get3A_15 = vector.load %arg2[%get3A_13, %get3A_14] : memref<1000x128xf32, #tpu.memory_space<vmem>>, vector<1000x128xf32>
    %get3A_16 = arith.constant 0 : index
    %get3A_17 = arith.constant 0 : index
    %get3A_18 = vector.load %arg4[%get3A_16, %get3A_17] : memref<128x128xf32, #tpu.memory_space<vmem>>, vector<128x128xf32>
    %dot_general3A_19 = arith.constant dense<0.000000e+00> : vector<1000x128xf32>
    %dot_general3A_20 = tpu.matmul %get3A_15, %get3A_18, %dot_general3A_19 {dimension_numbers = #tpu.dot_dimension_numbers<[1], [1], [0], [0], [0, 0, 1, 0], [], []>, transpose_lhs_hint = false} : vector<1000x128xf32>, vector<128x128xf32>, vector<1000x128xf32> -> vector<1000x128xf32>
    %add3A_21 = arith.addf %dot_general3A_12, %dot_general3A_20 : vector<1000x128xf32>
    %get3A_22 = arith.constant 0 : index
    %get3A_23 = arith.constant 0 : index
    %get3A_24 = vector.load %arg5[%get3A_22, %get3A_23] : memref<1x128xf32, #tpu.memory_space<vmem>>, vector<1x128xf32>
    %add3A_25 = vector.broadcast %get3A_24 : vector<1x128xf32> to vector<1000x128xf32>
    %add3A_26 = arith.addf %add3A_21, %add3A_25 : vector<1000x128xf32>
    %get3A_27 = arith.constant 0 : index
    %get3A_28 = arith.constant 0 : index
    %get3A_29 = vector.load %arg6[%get3A_27, %get3A_28] : memref<1000x1xi32, #tpu.memory_space<vmem>>, vector<1000x1xi32>
    %iota3A = tpu.iota {dimensions = array<i32: 1>} : vector<1x128xi32>
    %eq3A = vector.broadcast %get3A_29 : vector<1000x1xi32> to vector<1000x128xi32>
    %eq3A_30 = vector.broadcast %iota3A : vector<1x128xi32> to vector<1000x128xi32>
    %eq3A_31 = arith.cmpi eq, %eq3A, %eq3A_30 : vector<1000x128xi32>
    %convert_element_type3A = arith.extui %eq3A_31 : vector<1000x128xi1> to vector<1000x128xi32>
    %convert_element_type3A_32 = arith.sitofp %convert_element_type3A : vector<1000x128xi32> to vector<1000x128xf32>
    %dot_general3A_33 = arith.constant dense<0.000000e+00> : vector<128x128xf32>
    %dot_general3A_34 = tpu.matmul %convert_element_type3A_32, %add3A_26, %dot_general3A_33 {dimension_numbers = #tpu.dot_dimension_numbers<[0], [0], [1], [1], [0, 1, 1, 1], [], []>, transpose_lhs_hint = false} : vector<1000x128xf32>, vector<1000x128xf32>, vector<128x128xf32> -> vector<128x128xf32>
    %broadcast_in_dim3A = arith.constant 1.000000e+00 : f32
    %broadcast_in_dim3A_35 = vector.broadcast %broadcast_in_dim3A : f32 to vector<1000x1xf32>
    %dot_general3A_36 = arith.constant dense<0.000000e+00> : vector<128x1xf32>
    %dot_general3A_37 = tpu.matmul %convert_element_type3A_32, %broadcast_in_dim3A_35, %dot_general3A_36 {dimension_numbers = #tpu.dot_dimension_numbers<[0], [0], [1], [1], [0, 1, 1, 1], [], []>, transpose_lhs_hint = false} : vector<1000x128xf32>, vector<1000x1xf32>, vector<128x1xf32> -> vector<128x1xf32>
    %eq3A_38 = arith.constant 0 : i32
    %eq3A_39 = arith.cmpi eq, %arg0, %eq3A_38 : i32
    %convert_element_type3A_40 = arith.extui %eq3A_39 : i1 to i32
    %cond3A = arith.constant 0 : i32
    %cond3A_41 = arith.cmpi ne, %convert_element_type3A_40, %cond3A : i32
    scf.if %cond3A_41 {
      %broadcast_in_dim3A_60 = arith.constant 0.000000e+00 : f32
      %broadcast_in_dim3A_61 = vector.broadcast %broadcast_in_dim3A_60 : f32 to vector<128x128xf32>
      %swap3A_62 = arith.constant 0 : index
      %swap3A_63 = arith.constant 0 : index
      %swap3A_64 = vector.load %arg10[%swap3A_62, %swap3A_63] : memref<128x128xf32, #tpu.memory_space<vmem>>, vector<128x128xf32>
      tpu.vector_store %arg10[%swap3A_62, %swap3A_63], %broadcast_in_dim3A_61 {strides = array<i32>} : memref<128x128xf32, #tpu.memory_space<vmem>>, vector<128x128xf32>,
      %broadcast_in_dim3A_65 = arith.constant 0.000000e+00 : f32
      %broadcast_in_dim3A_66 = vector.broadcast %broadcast_in_dim3A_65 : f32 to vector<128x1xf32>
      %swap3A_67 = arith.constant 0 : index
      %swap3A_68 = arith.constant 0 : index
      %swap3A_69 = vector.load %arg11[%swap3A_67, %swap3A_68] : memref<128x1xf32, #tpu.memory_space<vmem>>, vector<128x1xf32>
      tpu.vector_store %arg11[%swap3A_67, %swap3A_68], %broadcast_in_dim3A_66 {strides = array<i32>} : memref<128x1xf32, #tpu.memory_space<vmem>>, vector<128x1xf32>,
    } else {
    }
    %get3A_42 = arith.constant 0 : index
    %get3A_43 = arith.constant 0 : index
    %get3A_44 = vector.load %arg10[%get3A_42, %get3A_43] : memref<128x128xf32, #tpu.memory_space<vmem>>, vector<128x128xf32>
    %add3A_45 = arith.addf %get3A_44, %dot_general3A_34 : vector<128x128xf32>
    %swap3A = arith.constant 0 : index
    %swap3A_46 = arith.constant 0 : index
    %swap3A_47 = vector.load %arg10[%swap3A, %swap3A_46] : memref<128x128xf32, #tpu.memory_space<vmem>>, vector<128x128xf32>
    tpu.vector_store %arg10[%swap3A, %swap3A_46], %add3A_45 {strides = array<i32>} : memref<128x128xf32, #tpu.memory_space<vmem>>, vector<128x128xf32>,
    %get3A_48 = arith.constant 0 : index
    %get3A_49 = arith.constant 0 : index
    %get3A_50 = vector.load %arg11[%get3A_48, %get3A_49] : memref<128x1xf32, #tpu.memory_space<vmem>>, vector<128x1xf32>
    %add3A_51 = arith.addf %get3A_50, %dot_general3A_37 : vector<128x1xf32>
    %swap3A_52 = arith.constant 0 : index
    %swap3A_53 = arith.constant 0 : index
    %swap3A_54 = vector.load %arg11[%swap3A_52, %swap3A_53] : memref<128x1xf32, #tpu.memory_space<vmem>>, vector<128x1xf32>
    tpu.vector_store %arg11[%swap3A_52, %swap3A_53], %add3A_51 {strides = array<i32>} : memref<128x1xf32, #tpu.memory_space<vmem>>, vector<128x1xf32>,
    %eq3A_55 = arith.constant 9 : i32
    %eq3A_56 = arith.cmpi eq, %arg0, %eq3A_55 : i32
    %convert_element_type3A_57 = arith.extui %eq3A_56 : i1 to i32
    %cond3A_58 = arith.constant 0 : i32
    %cond3A_59 = arith.cmpi ne, %convert_element_type3A_57, %cond3A_58 : i32
    scf.if %cond3A_59 {
      %get3A_60 = arith.constant 0 : index
      %get3A_61 = arith.constant 0 : index
      %get3A_62 = vector.load %arg10[%get3A_60, %get3A_61] : memref<128x128xf32, #tpu.memory_space<vmem>>, vector<128x128xf32>
      %get3A_63 = arith.constant 0 : index
      %get3A_64 = arith.constant 0 : index
      %get3A_65 = vector.load %arg11[%get3A_63, %get3A_64] : memref<128x1xf32, #tpu.memory_space<vmem>>, vector<128x1xf32>
      %max3A = arith.constant 1.000000e+00 : f32
      %max3A_66 = vector.broadcast %max3A : f32 to vector<128x1xf32>
      %max3A_67 = arith.maximumf %get3A_65, %max3A_66 : vector<128x1xf32>
      %div3A = vector.broadcast %max3A_67 : vector<128x1xf32> to vector<128x128xf32>
      %div3A_68 = arith.divf %get3A_62, %div3A : vector<128x128xf32>
      %get3A_69 = arith.constant 0 : index
      %get3A_70 = arith.constant 0 : index
      %get3A_71 = vector.load %arg7[%get3A_69, %get3A_70] : memref<64x128xf32, #tpu.memory_space<vmem>>, vector<64x128xf32>
      %dot_general3A_72 = arith.constant dense<0.000000e+00> : vector<128x64xf32>
      %dot_general3A_73 = tpu.matmul %div3A_68, %get3A_71, %dot_general3A_72 {dimension_numbers = #tpu.dot_dimension_numbers<[1], [1], [0], [0], [0, 0, 1, 0], [], []>, transpose_lhs_hint = false} : vector<128x128xf32>, vector<64x128xf32>, vector<128x64xf32> -> vector<128x64xf32>
      %get3A_74 = arith.constant 0 : index
      %get3A_75 = arith.constant 0 : index
      %get3A_76 = vector.load %arg8[%get3A_74, %get3A_75] : memref<1x64xf32, #tpu.memory_space<vmem>>, vector<1x64xf32>
      %add3A_77 = vector.broadcast %get3A_76 : vector<1x64xf32> to vector<128x64xf32>
      %add3A_78 = arith.addf %dot_general3A_73, %add3A_77 : vector<128x64xf32>
      %swap3A_79 = arith.constant 0 : index
      %swap3A_80 = arith.constant 0 : index
      %swap3A_81 = vector.load %arg9[%swap3A_79, %swap3A_80] : memref<128x64xf32, #tpu.memory_space<vmem>>, vector<128x64xf32>
      tpu.vector_store %arg9[%swap3A_79, %swap3A_80], %add3A_78 {strides = array<i32>} : memref<128x64xf32, #tpu.memory_space<vmem>>, vector<128x64xf32>,
    } else {
    }
    return
  }
  func.func @transform_0(%arg0: i32) -> (i32, i32, i32) {
    %c0_i32 = arith.constant 0 : i32
    %c0_i32_0 = arith.constant 0 : i32
    %c0_i32_1 = arith.constant 0 : i32
    return %c0_i32, %arg0, %c0_i32_0 : i32, i32, i32
  }
  func.func @transform_1(%arg0: i32) -> (i32, i32) {
    %c0_i32 = arith.constant 0 : i32
    %c0_i32_0 = arith.constant 0 : i32
    return %arg0, %c0_i32 : i32, i32
  }
  func.func @transform_2(%arg0: i32) -> (i32, i32) {
    %c0_i32 = arith.constant 0 : i32
    %c0_i32_0 = arith.constant 0 : i32
    %c0_i32_1 = arith.constant 0 : i32
    return %c0_i32, %c0_i32_0 : i32, i32
  }
  func.func @transform_3(%arg0: i32) -> (i32, i32) {
    %c0_i32 = arith.constant 0 : i32
    %c0_i32_0 = arith.constant 0 : i32
    %c0_i32_1 = arith.constant 0 : i32
    return %c0_i32, %c0_i32_0 : i32, i32
  }
  func.func @transform_4(%arg0: i32) -> (i32, i32) {
    %c0_i32 = arith.constant 0 : i32
    %c0_i32_0 = arith.constant 0 : i32
    %c0_i32_1 = arith.constant 0 : i32
    return %c0_i32, %c0_i32_0 : i32, i32
  }
  func.func @transform_5(%arg0: i32) -> (i32, i32) {
    %c0_i32 = arith.constant 0 : i32
    %c0_i32_0 = arith.constant 0 : i32
    return %arg0, %c0_i32 : i32, i32
  }
  func.func @transform_6(%arg0: i32) -> (i32, i32) {
    %c0_i32 = arith.constant 0 : i32
    %c0_i32_0 = arith.constant 0 : i32
    %c0_i32_1 = arith.constant 0 : i32
    return %c0_i32, %c0_i32_0 : i32, i32
  }
  func.func @transform_7(%arg0: i32) -> (i32, i32) {
    %c0_i32 = arith.constant 0 : i32
    %c0_i32_0 = arith.constant 0 : i32
    %c0_i32_1 = arith.constant 0 : i32
    return %c0_i32, %c0_i32_0 : i32, i32
  }
  func.func @transform_8(%arg0: i32) -> (i32, i32) {
    %c0_i32 = arith.constant 0 : i32
    %c0_i32_0 = arith.constant 0 : i32
    %c0_i32_1 = arith.constant 0 : i32
    return %c0_i32, %c0_i32_0 : i32, i32
  }
}

</mosaic_0001>

<sc_bundles>
// kernel: kernel.11.cloned.1.call-start
scs
__scs_entry_jumppad:
0x0: {  	(pc) =	sbr.rel $0x88, $3  }
0x1: {  	(tag) =	ssettag $0x0;
	lr =	simm.s32 $0x1  }
0x2: {  	[smem:$0x3F93] =	sst lr;
	_ =	strace $0xD0000000  }
0x3: {  	_ = 	snop  }
0x4: {  	_ = 	snop  }
0x5: {  	_ = 	snop  }
0x6: {  	_ = 	snop  }
0x7: {  	_ = 	snop  }
__scs_overlays_trampoline_lowered:
0x8: {  	[smem:$0x3FA2] =	sst s0  }
0x9: {  	[smem:$0x3FA3] =	sst s1  }
0xa: {  	[smem:$0x3FA4] =	sst s2  }
0xb: {  	[smem:$0x3FA5] =	sst s3  }
0xc: {  	[smem:$0x3FA6] =	sst s4  }
0xd: {  	[smem:$0x3FA7] =	sst s5  }
0xe: {  	[smem:$0x3FA8] =	sst s6  }
0xf: {  	[smem:$0x3FA9] =	sst s7  }
0x10: {  	[smem:$0x3FAA] =	sst s8  }
0x11: {  	[smem:$0x3FAB] =	sst s9;
	s0 =	simm.s32 @!p0 $0x0  }
0x12: {  	s1 =	sld [smem:$0x3F91];
	s0 =	simm.s32 @p0 $0x1  }
0x13: {  	[smem:$0x3FAC] =	sst s0;
	s0 =	simm.s32 @!p1 $0x0  }
0x14: {  	s2 =	sld [smem:$0x3F90];
	s0 =	simm.s32 @p1 $0x1  }
0x15: {  	[smem:$0x3FAD] =	sst s0;
	s0 =	simm.s32 @!p2 $0x0  }
0x16: {  	s3 =	sld [smem:$0x3FDB];
	s0 =	simm.s32 @p2 $0x1  }
0x17: {  	s4 =	simm.s32 $0x1BF5;
	[smem:$0x3FAF] =	sst s0  }
0x18: {  	s0 =	sld [smem:$0x3F92];
	_ =	swait.ge [sflag:s4], $0x0  }
0x19: {  	s7 =	sld [smem:$0x3F93]  }
0x1a: {  	s8 =	sadd.s32 $0xFFFFE003, lr  }
0x1b: {  	s9 =	sadd.s32 $0xFFFFFEF7, lr;
	s5 =	simm.s32 $0xFFFFFFFF;
	p2 =	slt.u32 s8, $0xFFFFF086  }
0x1c: {  	p1 =	slt.u32 s9, $0xF7A;
	s5 =	simm.s32 @!p2 $0x0  }
0x1d: {  	s5 =	simm.s32 @p1 $0x1;
	p0 =	seq.s32 s7, s2  }
0x1e: {  	s7 =	smul.u32 @!p0 $0xF7A, s2;
	p2 =	seq.s32 @!p0 s5, $0x0  }
0x1f: {  	s9 =	smul.u32 $0xF7A, s1;
	s8 =	simm.s32 @!p0 $0x1BF5;
	p2 =	por !p2, p0  }
0x20: {  	[sflag:s8] =	ssyncset.s32 @!p0 $0xFFFFF086;
	s6 =	sadd.s32 @!p0 s3, s7;
	s7 =	simm.s32 @!p0 $0x108  }
0x21: {  	s3 =	sadd.s32 s3, s9;
	s6 =	sadd.s32 @!p0 $0x88, s6;
	s7 =	simm.s32 @p2 $0x1082  }
0x22: {  	[simem:s7], [sflag:s8] =	dma.local @!p0 [hbm:s6], $0xF7A  }
0x23: {  	s9 =	sor.u32 $0xD0000000, s2;
	s6 =	simm.s32 $0x108;
	_ =	swait.ge @!p0 [sflag:s8], $0x0  }
0x24: {  	s3 =	sadd.s32 $0x88, s3;
	s6 =	simm.s32 @!p1 $0x1082;
	[sflag:s4] =	ssyncset.s32 $0xFFFFF086  }
0x25: {  	[simem:s6], [sflag:s4] =	dma.local [hbm:s3], $0xF7A  }
0x26: {  	[smem:$0x3F93] =	sst s1;
	(tag) =	ssettag s2;
	_ =	strace s9  }
0x27: {  	s1 =	sld [smem:$0x3FA3]  }
0x28: {  	s2 =	sld [smem:$0x3FA4]  }
0x29: {  	s4 =	sld [smem:$0x3FA6]  }
0x2a: {  	p0 =	seq.s32 s5, $0x0;
	s5 =	sld [smem:$0x3FA7]  }
0x2b: {  	s6 =	sld [smem:$0x3FA8]  }
0x2c: {  	s7 =	sld [smem:$0x3FA9]  }
0x2d: {  	s3 =	simm.s32 $0x108;
	s8 =	sld [smem:$0x3FAA]  }
0x2e: {  	s3 =	simm.s32 @!p0 $0x1082;
	s9 =	sld [smem:$0x3FAB]  }
0x2f: {  	lr =	sadd.s32 s0, s3;
	s0 =	sld [smem:$0x3FA2]  }
0x30: {  	s3 =	sld [smem:$0x3FA5]  }
0x31: {  	[smem:$0x3FAE] =	sst s10  }
0x32: {  	s10 =	sld [smem:$0x3FAC];
	_ =	sdelay $0x3  }
0x33: {  	p0 =	seq.s32 s10, $0x1;
	s10 =	sld [smem:$0x3FAE];
	_ =	sdelay $0x3  }
0x34: {  	[smem:$0x3FAE] =	sst s10  }
0x35: {  	s10 =	sld [smem:$0x3FAD];
	_ =	sdelay $0x3  }
0x36: {  	p1 =	seq.s32 s10, $0x1;
	s10 =	sld [smem:$0x3FAE];
	_ =	sdelay $0x3  }
0x37: {  	[smem:$0x3FAE] =	sst s10  }
0x38: {  	s10 =	sld [smem:$0x3FAF]  }
0x39: {  	_ = 	snop;
	(pc) =	sbr.ind lr, $3  }
0x3a: {  	_ = 	snop  }
0x3b: {  	_ = 	snop  }
0x3c: {  	p2 =	seq.s32 s10, $0x1;
	s10 =	sld [smem:$0x3FAE]  }
0x3d: {  	_ =	shalt  }
0x3e: {  	_ =	shalt  }
0x3f: {  	_ =	shalt  }
0x40: {  	_ =	shalt  }
0x41: {  	_ =	shalt  }
0x42: {  	_ =	shalt  }
0x43: {  	_ =	shalt  }
0x44: {  	_ =	shalt  }
0x45: {  	_ =	shalt  }
0x46: {  	_ =	shalt  }
0x47: {  	_ =	shalt  }
0x48: {  	_ =	shalt  }
0x49: {  	_ =	shalt  }
0x4a: {  	_ =	shalt  }
0x4b: {  	_ =	shalt  }
0x4c: {  	_ =	shalt  }
0x4d: {  	_ =	shalt  }
0x4e: {  	_ =	shalt  }
0x4f: {  	_ =	shalt  }
0x50: {  	_ =	shalt  }
0x51: {  	_ =	shalt  }
0x52: {  	_ =	shalt  }
0x53: {  	_ =	shalt  }
0x54: {  	_ =	shalt  }
0x55: {  	_ =	shalt  }
0x56: {  	_ =	shalt  }
0x57: {  	_ =	shalt  }
0x58: {  	_ =	shalt  }
0x59: {  	_ =	shalt  }
0x5a: {  	_ =	shalt  }
0x5b: {  	_ =	shalt  }
0x5c: {  	_ =	shalt  }
0x5d: {  	_ =	shalt  }
0x5e: {  	_ =	shalt  }
0x5f: {  	_ =	shalt  }
0x60: {  	_ =	shalt  }
0x61: {  	_ =	shalt  }
0x62: {  	_ =	shalt  }
0x63: {  	_ =	shalt  }
0x64: {  	_ =	shalt  }
0x65: {  	_ =	shalt  }
0x66: {  	_ =	shalt  }
0x67: {  	_ =	shalt  }
0x68: {  	_ =	shalt  }
0x69: {  	_ =	shalt  }
0x6a: {  	_ =	shalt  }
0x6b: {  	_ =	shalt  }
0x6c: {  	_ =	shalt  }
0x6d: {  	_ =	shalt  }
0x6e: {  	_ =	shalt  }
0x6f: {  	_ =	shalt  }
0x70: {  	_ =	shalt  }
0x71: {  	_ =	shalt  }
0x72: {  	_ =	shalt  }
0x73: {  	_ =	shalt  }
0x74: {  	_ =	shalt  }
0x75: {  	_ =	shalt  }
0x76: {  	_ =	shalt  }
0x77: {  	_ =	shalt  }
0x78: {  	_ =	shalt  }
0x79: {  	_ =	shalt  }
0x7a: {  	_ =	shalt  }
0x7b: {  	_ =	shalt  }
0x7c: {  	_ =	shalt  }
0x7d: {  	_ =	shalt  }
0x7e: {  	_ =	shalt  }
0x7f: {  	_ =	shalt  }
0x80: {  	_ =	shalt  }
0x81: {  	_ =	shalt  }
0x82: {  	_ =	shalt  }
0x83: {  	_ =	shalt  }
0x84: {  	_ =	shalt  }
0x85: {  	_ =	shalt  }
0x86: {  	_ =	shalt  }
0x87: {  	_ =	shalt  }
.Lfunc_end0:
.L_simem_size_0:
called_computation.1_lowered:
.L_overlay_start_0:
0x88: {  	s2 =	sld [smem:$0x3FD9]  }
0x89: {  	s3 =	sld [smem:$0x3FFE];
	_ =	sdelay $0x1  }
0x8a: {  	s1 =	srdreg.scid  }
0x8b: {  	s0 =	sand.u32 $0x1, s1  }
0x8c: {  	s16 =	sshll.u32 s0, $0xA;
	s2 =	sadd.s32 s3, s2  }
0x8d: {  	s2 =	sadd.s32 s2, s16  }
0x8e: {  	[smem:$0x3FBA] =	sst s2  }
0x8f: {  	_ = 	snop  }
0x90: {  	(tm) =	ssettm $0x1  }
0x91: {  	s17 =	sld [smem:$0x3FFB];
	_ =	sdelay $0x3  }
0x92: {  	_ =	strace s17  }
0x93: {  	s2 =	sld [smem:$0x3FFC];
	_ =	sdelay $0x3  }
0x94: {  	_ =	strace s2  }
0x95: {  	s2 =	sld [smem:$0x3FFD];
	_ =	sdelay $0x3  }
0x96: {  	_ =	strace s2  }
0x97: {  	_ =	strace $0x8FFFFFFF  }
0x98: {  	s18 =	sld [smem:$0x3FDB];
	_ =	sdelay $0x1  }
0x99: {  	s19 =	simm.s32 $_scs_section_size  }
0x9a: {  	s4 =	simm.s32 $_size__tile_overlayer_lowered;
	s5 =	simm.s32 $_tile_overlayer_lowered  }
0x9b: {  	s22 =	simm.s32 $0x1BFF;
	s21 =	sshll.u32 s5, $0x1;
	s2 =	sadd.s32 s19, s18  }
0x9c: {  	s6 =	simm.s32 $0x0;
	s20 =	sshll.u32 s4, $0x1;
	s4 =	sadd.s32 s21, s2  }
0x9d: {  	[timem:s6], [sflag:s22] =	dma.local [hbm:s4], s20  }
0x9e: {  	_ =	swait.ge [sflag:s22], s20  }
0x9f: {  	s3 =	ssub.s32 $0x0, s20;
	[sflag:s22] =	ssyncset.done $0x0  }
0xa0: {  	[sflag:s22] =	ssyncadd.s32 s3;
	_ =	sdelay $0x1  }
0xa1: {  	s23 =	simm.s32 $0x1B8B  }
0xa2: {  	_ =	swait.ge [sflag:s23], $0x1  }
0xa3: {  	[sflag:s23] =	ssyncset.done $0x0  }
0xa4: {  	s25 =	simm.s32 $0x1B8E;
	s24 =	sld [smem:$0x3FFE];
	[sflag:s23] =	ssyncadd.s32 $0xFFFFFFFF  }
0xa5: {  	s26 =	simm.s32 $execute0_lowered;
	[smem:$0x3FD2] =	sst s25  }
0xa6: {  	s4 =	sshll.u32 s26, $0x1;
	_ =	strace $0x80000049;
	[dreg:$0x1] =	wrdreg $0xFFFFFFFF  }
0xa7: {  	s28 =	simm.s32 $_size_execute0_lowered;
	s2 =	sadd.s32 s2, s4;
	[dreg:$0x0] =	wrdreg $0x0  }
0xa8: {  	s4 =	sshll.u32 s28, $0x1;
	[dreg:$0x2] =	wrdreg s2  }
0xa9: {  	[dreg:$0x3] =	wrdreg s4  }
0xaa: {  	[dreg:$0x4] =	wrdreg $0xC0  }
0xab: {  	_ =	task [dreg:s6], $0x5FFFF  }
0xac: {  	[dreg:$0x1] =	wrdreg $0xFFFFFFFF  }
0xad: {  	[dreg:$0x0] =	wrdreg $0x60  }
0xae: {  	[dreg:$0x2] =	wrdreg s24  }
0xaf: {  	[dreg:$0x3] =	wrdreg $0x90000  }
0xb0: {  	[dreg:$0x4] =	wrdreg $0x9  }
0xb1: {  	_ =	task.clear_ibuf [dreg:s6], $0x5FFFF;
	_ =	strace $0x90000049  }
0xb2: {  	s29 =	simm.s32 $0x9;
	_ =	strace $0x8000004B  }
0xb3: {  	_ =	swait.ge [sflag:s29], $0x1  }
0xb4: {  	[sflag:s29] =	ssyncadd.s32 $0xFFFFFFFF  }
0xb5: {  	_ =	strace $0x9000004B  }
0xb6: {  	_ =	sfence  }
0xb7: {  	s30 =	sld [smem:$0x0];
	_ =	sdelay $0x2  }
0xb8: {  	s31 =	sshll.u32 s1, $0xD;
	s1 =	sshrl.u32 s1, $0x2  }
0xb9: {  	s3 =	sand.u32 $0x4000, s31;
	s1 =	sadd.s32 s1, s30  }
0xba: {  	s0 =	sor.u32 s3, s0;
	s1 =	sshll.u32 s1, $0x11  }
0xbb: {  	s0 =	sor.u32 s1, s0  }
0xbc: {  	s0 =	sadd.s32 $0x8F2B, s0  }
0xbd: {  	[sflag:s0] =	ssyncadd.remote.s32 $0x1  }
0xbe: {  	_ =	sfence.sel $0xFFFF  }
0xbf: {  	[dreg:$0x0] =	wrdreg $0xFFFFFFFF;
	(pc) =	sbr.abs _section_cstart, $3  }
0xc0: {  	[dreg:$0x1] =	wrdreg $0xFFFFFFFF  }
0xc1: {  	_ =	task.clear_ibuf [dreg:s6], $0x2FFFF;
	_ =	strace $0x9FFFFFFF  }
0xc2: {  	(tm) =	ssettm $0x7FFFFFFF  }
0xc3: {  	_ =	shalt  }
tec
execute0_lowered:
.L_overlay_start_1:
0x0: {  	(tag) =	ssettag $0x1  }
0x1: {  	s0 =	srdreg.scid;
	s1 =	rddreg [dreg:$0x0]  }
0x2: {  	s9 =	stileid.u32;
	s2 =	rddreg [dreg:$0x1]  }
0x3: {  	s3 =	simm.s32 $0x0;
	s13 =	simm.s32 $0x100;
	s14 =	simm.s32 $0x880  }
0x4: {  	s15 =	simm.s32 $0x180;
	s16 =	simm.s32 $0x900;
	s17 =	simm.s32 $0x200  }
0x5: {  	s19 =	simm.s32 $0x980;
	[smem:$0x7FF] =	sst s3;
	s10 =	sadd.s32 $0x17200, s1  }
0x6: {  	s20 =	simm.s32 $0x280;
	_ =	strace $0x8000004A;
	[dreg:$0x11] =	wrdreg s10  }
0x7: {  	s21 =	simm.s32 $0xA00;
	s22 =	simm.s32 $0x300;
	[dreg:$0x5] =	wrdreg s13  }
0x8: {  	s23 =	simm.s32 $0xA80;
	s24 =	simm.s32 $0x380;
	[dreg:$0x6] =	wrdreg s14  }
0x9: {  	s28 =	simm.s32 $0xD80;
	s29 =	simm.s32 $0x680;
	[dreg:$0x7] =	wrdreg s15  }
0xa: {  	s30 =	simm.s32 $0xE00;
	s4 =	smul.u32 $0x5000, s9;
	[dreg:$0x8] =	wrdreg s16  }
0xb: {  	s31 =	simm.s32 $0x700;
	s6 =	smul.u32 $0x278, s9;
	[dreg:$0x9] =	wrdreg s17  }
0xc: {  	s0 =	sand.u32 $0x1, s0;
	s8 =	smul.u32 $0x4F000, s9;
	[dreg:$0xa] =	wrdreg s19  }
0xd: {  	s12 =	sshll.u32 s9, $0x6;
	s5 =	smul.u32 $0x2800, s0;
	[dreg:$0xb] =	wrdreg s20  }
0xe: {  	s9 =	simm.s32 $0x0;
	s25 =	smul.u32 $0x138800, s0;
	[dreg:$0xc] =	wrdreg s21  }
0xf: {  	s0 =	ssub.s32 $0x2, s0;
	s13 =	simm.s32 $0x1000;
	[dreg:$0xd] =	wrdreg s22  }
0x10: {  	s14 =	simm.s32 $0x5000;
	[dreg:$0xe] =	wrdreg s23;
	s15 =	simm.s32 $0x1  }
0x11: {  	[dreg:$0xf] =	wrdreg s24;
	s16 =	simm.s32 $0x2;
	s17 =	simm.s32 $0x400  }
0x12: {  	s19 =	simm.s32 $0x480;
	s20 =	simm.s32 $0xC00;
	s21 =	simm.s32 $0x500  }
0x13: {  	s22 =	simm.s32 $0xC80;
	s23 =	simm.s32 $0x580;
	s24 =	simm.s32 $0xD00  }
0x14: {  	s6 =	smin.u32 s6, $0x2498;
	s26 =	sshrl.u32 s0, $0x1;
	s10 =	sshrl.u32 s8, $0x2  }
0x15: {  	s8 =	sor.u32 $0x1C03, s12;
	s12 =	simm.s32 $0x80;
	s4 =	sadd.s32 s5, s4  }
0x16: {  	s6 =	sshll.u32 s6, $0x7;
	s0 =	ssub.s32 s0, s26;
	[dreg:$0x12] =	wrdreg s8  }
0x17: {  	s7 =	sshrl.u32 s4, $0x3;
	s4 =	sadd.s32 $0x19A00, s1;
	s5 =	sadd.s32 s25, s6  }
0x18: {  	s6 =	sadd.s32 s6, s2;
	s0 =	smax.u32 s0, $0x1;
	s25 =	simm.s32 $0xB00  }
0x19: {  	s7 =	sadd.s32 s7, s1;
	s5 =	sshrl.u32 s5, $0x3;
	[dreg:$0x14] =	wrdreg s0  }
0x1a: {  	[dreg:$0x10] =	wrdreg s25;
	s26 =	sshrl.u32 s6, $0x3;
	s0 =	simm.s32 $0x780  }
0x1b: {  	s1 =	sadd.s32 s5, s1;
	s11 =	sadd.s32 $0xD200, s7;
	[dreg:$0x16] =	wrdreg s26  }
0x1c: {  	s5 =	sadd.s32 s10, s2;
	s7 =	sadd.s32 $0x3200, s7;
	[dreg:$0x3] =	wrdreg s11  }
0x1d: {  	s10 =	simm.s32 $0x3;
	s26 =	simm.s32 $0x600;
	[dreg:$0x4] =	wrdreg s7  }
0x1e: {  	s1 =	sadd.s32 $0x40C00, s1;
	s18 =	sshrl.u32 s5, $0x3;
	s11 =	simm.s32 $0x800  }
0x1f: {  	s5 =	simm.s32 $0xF00;
	s7 =	simm.s32 $0xF80;
	[dreg:$0x13] =	wrdreg s1  }
0x20: {  	[dreg:$0x15] =	wrdreg s18;
	s18 =	simm.s32 $0xB80;
	s1 =	simm.s32 $0xE80  }
.LBB2_1:
0x21: {  	[dreg:$0x17] =	wrdreg s9  }
0x22: {  	s6 =	rddreg [dreg:$0x11]  }
0x23: {  	s25 =	rddreg [dreg:$0x15]  }
0x24: {  	[spmem:s25], [sflag:s8] =	dma.local [hbm:s6], $0x2780  }
0x25: {  	_ =	swait.ge [sflag:s10], $0x2780  }
0x26: {  	[sflag:s10] =	ssyncset.done $0x0  }
0x27: {  	[sflag:s10] =	ssyncadd.s32 $0xFFFFD880  }
0x28: {  	[bflag:$0x0] =	sbarrier.arrive $0xFFFF  }
0x29: {  	s9 =	rddreg [dreg:$0x4]  }
0x2a: {  	s6 =	sadd.s32 $0x0, s9  }
0x2b: {  	[tilespmem:s3], [sflag:$0x3] =	stream.linear.gather [hbm4b:s6+s3], $0x800, $0x38;
	[tilespmem:$0x1CC00] =	vst v63  }
0x2c: {  	_ =	swait.ge [sflag:s10], $0x800  }
0x2d: {  	s25 =	rddreg [dreg:$0x3];
	[sflag:s10] =	ssyncset.done $0x0  }
0x2e: {  	[sflag:s10] =	ssyncadd.s32 $0xFFFFF800;
	s6 =	sadd.s32 $0x0, s25  }
0x2f: {  	[tilespmem:s11], [sflag:$0x3] =	stream.linear.gather [hbm4b:s6+s3], $0x800, $0x38;
	[tilespmem:$0x1CC00] =	vst v63  }
0x30: {  	_ =	swait.ge [sflag:s10], $0x800  }
0x31: {  	[sflag:s10] =	ssyncset.done $0x0  }
0x32: {  	[sflag:s10] =	ssyncadd.s32 $0xFFFFF800  }
0x33: {  	[tilespmem:s13], [sflag:$0x1] =	stream.indirect.gather [hbm4b:s4+s12], $0x80, s3, s12, $0xb8;
	[tilespmem:$0x1CC00] =	vst v63  }
0x34: {  	_ = 	snop  }
0x35: {  	[tilespmem:s14], [sflag:$0x2] =	stream.indirect.gather [hbm4b:s4+s12], $0x80, s12, s12, $0xb8;
	[tilespmem:$0x1CC00] =	vst v63  }
0x36: {  	_ =	swait.ge [sflag:s15], $0x4000  }
0x37: {  	[sflag:s15] =	ssyncset.done $0x0  }
0x38: {  	[sflag:s15] =	ssyncadd.s32 $0xFFFFC000  }
0x39: {  	[spmem:s2] =	stream.indirect.scatter.add.f32 [tilespmem:s13], [sflag:$0x3], $0x80, s11, s12, $0xb8;
	[tilespmem:$0x1CC00] =	vst v63  }
0x3a: {  	_ =	swait.ge [sflag:s10], $0x4000  }
0x3b: {  	[sflag:s10] =	ssyncset.done $0x0  }
0x3c: {  	s8 =	rddreg [dreg:$0x5];
	[sflag:s10] =	ssyncadd.s32 $0xFFFFC000  }
0x3d: {  	[tilespmem:s13], [sflag:$0x1] =	stream.indirect.gather [hbm4b:s4+s12], $0x80, s8, s12, $0xb8;
	[tilespmem:$0x1CC00] =	vst v63  }
0x3e: {  	_ =	swait.ge [sflag:s16], $0x4000  }
0x3f: {  	[sflag:s16] =	ssyncset.done $0x0  }
0x40: {  	s9 =	rddreg [dreg:$0x6];
	[sflag:s16] =	ssyncadd.s32 $0xFFFFC000  }
0x41: {  	[spmem:s2] =	stream.indirect.scatter.add.f32 [tilespmem:s14], [sflag:$0x3], $0x80, s9, s12, $0xb8;
	[tilespmem:$0x1CC00] =	vst v63  }
0x42: {  	_ =	swait.ge [sflag:s10], $0x4000  }
0x43: {  	[sflag:s10] =	ssyncset.done $0x0  }
0x44: {  	s25 =	rddreg [dreg:$0x7];
	[sflag:s10] =	ssyncadd.s32 $0xFFFFC000  }
0x45: {  	[tilespmem:s14], [sflag:$0x2] =	stream.indirect.gather [hbm4b:s4+s12], $0x80, s25, s12, $0xb8;
	[tilespmem:$0x1CC00] =	vst v63  }
0x46: {  	_ =	swait.ge [sflag:s15], $0x4000  }
0x47: {  	[sflag:s15] =	ssyncset.done $0x0  }
0x48: {  	s8 =	rddreg [dreg:$0x8];
	[sflag:s15] =	ssyncadd.s32 $0xFFFFC000  }
0x49: {  	[spmem:s2] =	stream.indirect.scatter.add.f32 [tilespmem:s13], [sflag:$0x3], $0x80, s8, s12, $0xb8;
	[tilespmem:$0x1CC00] =	vst v63  }
0x4a: {  	_ =	swait.ge [sflag:s10], $0x4000  }
0x4b: {  	[sflag:s10] =	ssyncset.done $0x0  }
0x4c: {  	s9 =	rddreg [dreg:$0x9];
	[sflag:s10] =	ssyncadd.s32 $0xFFFFC000  }
0x4d: {  	[tilespmem:s13], [sflag:$0x1] =	stream.indirect.gather [hbm4b:s4+s12], $0x80, s9, s12, $0xb8;
	[tilespmem:$0x1CC00] =	vst v63  }
0x4e: {  	_ =	swait.ge [sflag:s16], $0x4000  }
0x4f: {  	[sflag:s16] =	ssyncset.done $0x0  }
0x50: {  	s25 =	rddreg [dreg:$0xa];
	[sflag:s16] =	ssyncadd.s32 $0xFFFFC000  }
0x51: {  	[spmem:s2] =	stream.indirect.scatter.add.f32 [tilespmem:s14], [sflag:$0x3], $0x80, s25, s12, $0xb8;
	[tilespmem:$0x1CC00] =	vst v63  }
0x52: {  	_ =	swait.ge [sflag:s10], $0x4000  }
0x53: {  	[sflag:s10] =	ssyncset.done $0x0  }
0x54: {  	s8 =	rddreg [dreg:$0xb];
	[sflag:s10] =	ssyncadd.s32 $0xFFFFC000  }
0x55: {  	[tilespmem:s14], [sflag:$0x2] =	stream.indirect.gather [hbm4b:s4+s12], $0x80, s8, s12, $0xb8;
	[tilespmem:$0x1CC00] =	vst v63  }
0x56: {  	_ =	swait.ge [sflag:s15], $0x4000  }
0x57: {  	[sflag:s15] =	ssyncset.done $0x0  }
0x58: {  	s9 =	rddreg [dreg:$0xc];
	[sflag:s15] =	ssyncadd.s32 $0xFFFFC000  }
0x59: {  	[spmem:s2] =	stream.indirect.scatter.add.f32 [tilespmem:s13], [sflag:$0x3], $0x80, s9, s12, $0xb8;
	[tilespmem:$0x1CC00] =	vst v63  }
0x5a: {  	_ =	swait.ge [sflag:s10], $0x4000  }
0x5b: {  	[sflag:s10] =	ssyncset.done $0x0  }
0x5c: {  	s25 =	rddreg [dreg:$0xd];
	[sflag:s10] =	ssyncadd.s32 $0xFFFFC000  }
0x5d: {  	[tilespmem:s13], [sflag:$0x1] =	stream.indirect.gather [hbm4b:s4+s12], $0x80, s25, s12, $0xb8;
	[tilespmem:$0x1CC00] =	vst v63  }
0x5e: {  	_ =	swait.ge [sflag:s16], $0x4000  }
0x5f: {  	[sflag:s16] =	ssyncset.done $0x0  }
0x60: {  	s8 =	rddreg [dreg:$0xe];
	[sflag:s16] =	ssyncadd.s32 $0xFFFFC000  }
0x61: {  	[spmem:s2] =	stream.indirect.scatter.add.f32 [tilespmem:s14], [sflag:$0x3], $0x80, s8, s12, $0xb8;
	[tilespmem:$0x1CC00] =	vst v63  }
0x62: {  	_ =	swait.ge [sflag:s10], $0x4000  }
0x63: {  	[sflag:s10] =	ssyncset.done $0x0  }
0x64: {  	s9 =	rddreg [dreg:$0xf];
	[sflag:s10] =	ssyncadd.s32 $0xFFFFC000  }
0x65: {  	[tilespmem:s14], [sflag:$0x2] =	stream.indirect.gather [hbm4b:s4+s12], $0x80, s9, s12, $0xb8;
	[tilespmem:$0x1CC00] =	vst v63  }
0x66: {  	_ =	swait.ge [sflag:s15], $0x4000  }
0x67: {  	[sflag:s15] =	ssyncset.done $0x0  }
0x68: {  	s25 =	rddreg [dreg:$0x10];
	[sflag:s15] =	ssyncadd.s32 $0xFFFFC000  }
0x69: {  	[spmem:s2] =	stream.indirect.scatter.add.f32 [tilespmem:s13], [sflag:$0x3], $0x80, s25, s12, $0xb8;
	[tilespmem:$0x1CC00] =	vst v63  }
0x6a: {  	_ =	swait.ge [sflag:s10], $0x4000  }
0x6b: {  	[sflag:s10] =	ssyncset.done $0x0  }
0x6c: {  	[sflag:s10] =	ssyncadd.s32 $0xFFFFC000  }
0x6d: {  	[tilespmem:s13], [sflag:$0x1] =	stream.indirect.gather [hbm4b:s4+s12], $0x80, s17, s12, $0xb8;
	[tilespmem:$0x1CC00] =	vst v63  }
0x6e: {  	_ =	swait.ge [sflag:s16], $0x4000  }
0x6f: {  	[sflag:s16] =	ssyncset.done $0x0  }
0x70: {  	[sflag:s16] =	ssyncadd.s32 $0xFFFFC000  }
0x71: {  	[spmem:s2] =	stream.indirect.scatter.add.f32 [tilespmem:s14], [sflag:$0x3], $0x80, s18, s12, $0xb8;
	[tilespmem:$0x1CC00] =	vst v63  }
0x72: {  	_ =	swait.ge [sflag:s10], $0x4000  }
0x73: {  	[sflag:s10] =	ssyncset.done $0x0  }
0x74: {  	[sflag:s10] =	ssyncadd.s32 $0xFFFFC000  }
0x75: {  	[tilespmem:s14], [sflag:$0x2] =	stream.indirect.gather [hbm4b:s4+s12], $0x80, s19, s12, $0xb8;
	[tilespmem:$0x1CC00] =	vst v63  }
0x76: {  	_ =	swait.ge [sflag:s15], $0x4000  }
0x77: {  	[sflag:s15] =	ssyncset.done $0x0  }
0x78: {  	[sflag:s15] =	ssyncadd.s32 $0xFFFFC000  }
0x79: {  	[spmem:s2] =	stream.indirect.scatter.add.f32 [tilespmem:s13], [sflag:$0x3], $0x80, s20, s12, $0xb8;
	[tilespmem:$0x1CC00] =	vst v63  }
0x7a: {  	_ =	swait.ge [sflag:s10], $0x4000  }
0x7b: {  	[sflag:s10] =	ssyncset.done $0x0  }
0x7c: {  	[sflag:s10] =	ssyncadd.s32 $0xFFFFC000  }
0x7d: {  	[tilespmem:s13], [sflag:$0x1] =	stream.indirect.gather [hbm4b:s4+s12], $0x80, s21, s12, $0xb8;
	[tilespmem:$0x1CC00] =	vst v63  }
0x7e: {  	_ =	swait.ge [sflag:s16], $0x4000  }
0x7f: {  	[sflag:s16] =	ssyncset.done $0x0  }
0x80: {  	[sflag:s16] =	ssyncadd.s32 $0xFFFFC000  }
0x81: {  	[spmem:s2] =	stream.indirect.scatter.add.f32 [tilespmem:s14], [sflag:$0x3], $0x80, s22, s12, $0xb8;
	[tilespmem:$0x1CC00] =	vst v63  }
0x82: {  	_ =	swait.ge [sflag:s10], $0x4000  }
0x83: {  	[sflag:s10] =	ssyncset.done $0x0  }
0x84: {  	[sflag:s10] =	ssyncadd.s32 $0xFFFFC000  }
0x85: {  	[tilespmem:s14], [sflag:$0x2] =	stream.indirect.gather [hbm4b:s4+s12], $0x80, s23, s12, $0xb8;
	[tilespmem:$0x1CC00] =	vst v63  }
0x86: {  	_ =	swait.ge [sflag:s15], $0x4000  }
0x87: {  	[sflag:s15] =	ssyncset.done $0x0  }
0x88: {  	[sflag:s15] =	ssyncadd.s32 $0xFFFFC000  }
0x89: {  	[spmem:s2] =	stream.indirect.scatter.add.f32 [tilespmem:s13], [sflag:$0x3], $0x80, s24, s12, $0xb8;
	[tilespmem:$0x1CC00] =	vst v63  }
0x8a: {  	_ =	swait.ge [sflag:s10], $0x4000  }
0x8b: {  	[sflag:s10] =	ssyncset.done $0x0  }
0x8c: {  	[sflag:s10] =	ssyncadd.s32 $0xFFFFC000  }
0x8d: {  	[tilespmem:s13], [sflag:$0x1] =	stream.indirect.gather [hbm4b:s4+s12], $0x80, s26, s12, $0xb8;
	[tilespmem:$0x1CC00] =	vst v63  }
0x8e: {  	_ =	swait.ge [sflag:s16], $0x4000  }
0x8f: {  	[sflag:s16] =	ssyncset.done $0x0  }
0x90: {  	[sflag:s16] =	ssyncadd.s32 $0xFFFFC000  }
0x91: {  	[spmem:s2] =	stream.indirect.scatter.add.f32 [tilespmem:s14], [sflag:$0x3], $0x80, s28, s12, $0xb8;
	[tilespmem:$0x1CC00] =	vst v63  }
0x92: {  	_ =	swait.ge [sflag:s10], $0x4000  }
0x93: {  	[sflag:s10] =	ssyncset.done $0x0  }
0x94: {  	[sflag:s10] =	ssyncadd.s32 $0xFFFFC000  }
0x95: {  	[tilespmem:s14], [sflag:$0x2] =	stream.indirect.gather [hbm4b:s4+s12], $0x80, s29, s12, $0xb8;
	[tilespmem:$0x1CC00] =	vst v63  }
0x96: {  	_ =	swait.ge [sflag:s15], $0x4000  }
0x97: {  	[sflag:s15] =	ssyncset.done $0x0  }
0x98: {  	[sflag:s15] =	ssyncadd.s32 $0xFFFFC000  }
0x99: {  	[spmem:s2] =	stream.indirect.scatter.add.f32 [tilespmem:s13], [sflag:$0x3], $0x80, s30, s12, $0xb8;
	[tilespmem:$0x1CC00] =	vst v63  }
0x9a: {  	_ =	swait.ge [sflag:s10], $0x4000  }
0x9b: {  	[sflag:s10] =	ssyncset.done $0x0  }
0x9c: {  	[sflag:s10] =	ssyncadd.s32 $0xFFFFC000  }
0x9d: {  	[tilespmem:s13], [sflag:$0x1] =	stream.indirect.gather [hbm4b:s4+s12], $0x80, s31, s12, $0xb8;
	[tilespmem:$0x1CC00] =	vst v63  }
0x9e: {  	_ =	swait.ge [sflag:s16], $0x4000  }
0x9f: {  	[sflag:s16] =	ssyncset.done $0x0  }
0xa0: {  	[sflag:s16] =	ssyncadd.s32 $0xFFFFC000  }
0xa1: {  	[spmem:s2] =	stream.indirect.scatter.add.f32 [tilespmem:s14], [sflag:$0x3], $0x80, s1, s12, $0xb8;
	[tilespmem:$0x1CC00] =	vst v63  }
0xa2: {  	_ =	swait.ge [sflag:s10], $0x4000  }
0xa3: {  	[sflag:s10] =	ssyncset.done $0x0  }
0xa4: {  	[sflag:s10] =	ssyncadd.s32 $0xFFFFC000  }
0xa5: {  	[tilespmem:s14], [sflag:$0x2] =	stream.indirect.gather [hbm4b:s4+s12], $0x80, s0, s12, $0xb8;
	[tilespmem:$0x1CC00] =	vst v63  }
0xa6: {  	_ =	swait.ge [sflag:s15], $0x4000  }
0xa7: {  	[sflag:s15] =	ssyncset.done $0x0  }
0xa8: {  	[sflag:s15] =	ssyncadd.s32 $0xFFFFC000  }
0xa9: {  	[spmem:s2] =	stream.indirect.scatter.add.f32 [tilespmem:s13], [sflag:$0x3], $0x80, s5, s12, $0xb8;
	[tilespmem:$0x1CC00] =	vst v63  }
0xaa: {  	_ =	swait.ge [sflag:s10], $0x4000  }
0xab: {  	[sflag:s10] =	ssyncset.done $0x0  }
0xac: {  	[sflag:s10] =	ssyncadd.s32 $0xFFFFC000  }
0xad: {  	_ =	swait.ge [sflag:s16], $0x4000  }
0xae: {  	[sflag:s16] =	ssyncset.done $0x0  }
0xaf: {  	[sflag:s16] =	ssyncadd.s32 $0xFFFFC000  }
0xb0: {  	[spmem:s2] =	stream.indirect.scatter.add.f32 [tilespmem:s14], [sflag:$0x3], $0x80, s7, s12, $0xb8;
	[tilespmem:$0x1CC00] =	vst v63  }
0xb1: {  	s9 =	simm.s32 $0x100;
	_ =	swait.ge [sflag:s10], $0x4000  }
0xb2: {  	s25 =	simm.s32 $0x200;
	s6 =	rddreg [dreg:$0x4];
	[sflag:s10] =	ssyncset.done $0x0  }
.LBB2_2:
0xb3: {  	[sflag:s10] =	ssyncadd.s32 $0xFFFFC000;
	s6 =	sadd.s32 s9, s6  }
0xb4: {  	[tilespmem:s3], [sflag:$0x3] =	stream.linear.gather [hbm4b:s6+s3], $0x800, $0x38;
	[tilespmem:$0x1CC00] =	vst v63  }
0xb5: {  	_ =	swait.ge [sflag:s10], $0x800  }
0xb6: {  	s6 =	rddreg [dreg:$0x3];
	[sflag:s10] =	ssyncset.done $0x0  }
0xb7: {  	[sflag:s10] =	ssyncadd.s32 $0xFFFFF800;
	s6 =	sadd.s32 s9, s6  }
0xb8: {  	[tilespmem:s11], [sflag:$0x3] =	stream.linear.gather [hbm4b:s6+s3], $0x800, $0x38;
	[tilespmem:$0x1CC00] =	vst v63  }
0xb9: {  	_ =	swait.ge [sflag:s10], $0x800  }
0xba: {  	[sflag:s10] =	ssyncset.done $0x0  }
0xbb: {  	[sflag:s10] =	ssyncadd.s32 $0xFFFFF800  }
0xbc: {  	[tilespmem:s13], [sflag:$0x1] =	stream.indirect.gather [hbm4b:s4+s12], $0x80, s3, s12, $0xb8;
	[tilespmem:$0x1CC00] =	vst v63  }
0xbd: {  	_ = 	snop  }
0xbe: {  	[tilespmem:s14], [sflag:$0x2] =	stream.indirect.gather [hbm4b:s4+s12], $0x80, s12, s12, $0xb8;
	[tilespmem:$0x1CC00] =	vst v63  }
0xbf: {  	_ =	swait.ge [sflag:s15], $0x4000  }
0xc0: {  	[sflag:s15] =	ssyncset.done $0x0  }
0xc1: {  	[sflag:s15] =	ssyncadd.s32 $0xFFFFC000  }
0xc2: {  	[spmem:s2] =	stream.indirect.scatter.add.f32 [tilespmem:s13], [sflag:$0x3], $0x80, s11, s12, $0xb8;
	[tilespmem:$0x1CC00] =	vst v63  }
0xc3: {  	_ =	swait.ge [sflag:s10], $0x4000  }
0xc4: {  	s8 =	smov.u32 s25;
	[sflag:s10] =	ssyncset.done $0x0  }
0xc5: {  	s9 =	smov.u32 s8;
	s8 =	rddreg [dreg:$0x5];
	[sflag:s10] =	ssyncadd.s32 $0xFFFFC000  }
0xc6: {  	[tilespmem:s13], [sflag:$0x1] =	stream.indirect.gather [hbm4b:s4+s12], $0x80, s8, s12, $0xb8;
	[tilespmem:$0x1CC00] =	vst v63  }
0xc7: {  	_ =	swait.ge [sflag:s16], $0x4000  }
0xc8: {  	[sflag:s16] =	ssyncset.done $0x0  }
0xc9: {  	s8 =	rddreg [dreg:$0x6];
	[sflag:s16] =	ssyncadd.s32 $0xFFFFC000  }
0xca: {  	[spmem:s2] =	stream.indirect.scatter.add.f32 [tilespmem:s14], [sflag:$0x3], $0x80, s8, s12, $0xb8;
	[tilespmem:$0x1CC00] =	vst v63  }
0xcb: {  	_ =	swait.ge [sflag:s10], $0x4000  }
0xcc: {  	[sflag:s10] =	ssyncset.done $0x0  }
0xcd: {  	s8 =	rddreg [dreg:$0x7];
	[sflag:s10] =	ssyncadd.s32 $0xFFFFC000  }
0xce: {  	[tilespmem:s14], [sflag:$0x2] =	stream.indirect.gather [hbm4b:s4+s12], $0x80, s8, s12, $0xb8;
	[tilespmem:$0x1CC00] =	vst v63  }
0xcf: {  	_ =	swait.ge [sflag:s15], $0x4000  }
0xd0: {  	[sflag:s15] =	ssyncset.done $0x0  }
0xd1: {  	s8 =	rddreg [dreg:$0x8];
	[sflag:s15] =	ssyncadd.s32 $0xFFFFC000  }
0xd2: {  	[spmem:s2] =	stream.indirect.scatter.add.f32 [tilespmem:s13], [sflag:$0x3], $0x80, s8, s12, $0xb8;
	[tilespmem:$0x1CC00] =	vst v63  }
0xd3: {  	_ =	swait.ge [sflag:s10], $0x4000  }
0xd4: {  	[sflag:s10] =	ssyncset.done $0x0  }
0xd5: {  	s8 =	rddreg [dreg:$0x9];
	[sflag:s10] =	ssyncadd.s32 $0xFFFFC000  }
0xd6: {  	[tilespmem:s13], [sflag:$0x1] =	stream.indirect.gather [hbm4b:s4+s12], $0x80, s8, s12, $0xb8;
	[tilespmem:$0x1CC00] =	vst v63  }
0xd7: {  	_ =	swait.ge [sflag:s16], $0x4000  }
0xd8: {  	[sflag:s16] =	ssyncset.done $0x0  }
0xd9: {  	s8 =	rddreg [dreg:$0xa];
	[sflag:s16] =	ssyncadd.s32 $0xFFFFC000  }
0xda: {  	[spmem:s2] =	stream.indirect.scatter.add.f32 [tilespmem:s14], [sflag:$0x3], $0x80, s8, s12, $0xb8;
	[tilespmem:$0x1CC00] =	vst v63  }
0xdb: {  	_ =	swait.ge [sflag:s10], $0x4000  }
0xdc: {  	[sflag:s10] =	ssyncset.done $0x0  }
0xdd: {  	s8 =	rddreg [dreg:$0xb];
	[sflag:s10] =	ssyncadd.s32 $0xFFFFC000  }
0xde: {  	[tilespmem:s14], [sflag:$0x2] =	stream.indirect.gather [hbm4b:s4+s12], $0x80, s8, s12, $0xb8;
	[tilespmem:$0x1CC00] =	vst v63  }
0xdf: {  	_ =	swait.ge [sflag:s15], $0x4000  }
0xe0: {  	[sflag:s15] =	ssyncset.done $0x0  }
0xe1: {  	s8 =	rddreg [dreg:$0xc];
	[sflag:s15] =	ssyncadd.s32 $0xFFFFC000  }
0xe2: {  	[spmem:s2] =	stream.indirect.scatter.add.f32 [tilespmem:s13], [sflag:$0x3], $0x80, s8, s12, $0xb8;
	[tilespmem:$0x1CC00] =	vst v63  }
0xe3: {  	_ =	swait.ge [sflag:s10], $0x4000  }
0xe4: {  	[sflag:s10] =	ssyncset.done $0x0  }
0xe5: {  	s8 =	rddreg [dreg:$0xd];
	[sflag:s10] =	ssyncadd.s32 $0xFFFFC000  }
0xe6: {  	[tilespmem:s13], [sflag:$0x1] =	stream.indirect.gather [hbm4b:s4+s12], $0x80, s8, s12, $0xb8;
	[tilespmem:$0x1CC00] =	vst v63  }
0xe7: {  	_ =	swait.ge [sflag:s16], $0x4000  }
0xe8: {  	[sflag:s16] =	ssyncset.done $0x0  }
0xe9: {  	s8 =	rddreg [dreg:$0xe];
	[sflag:s16] =	ssyncadd.s32 $0xFFFFC000  }
0xea: {  	[spmem:s2] =	stream.indirect.scatter.add.f32 [tilespmem:s14], [sflag:$0x3], $0x80, s8, s12, $0xb8;
	[tilespmem:$0x1CC00] =	vst v63  }
0xeb: {  	_ =	swait.ge [sflag:s10], $0x4000  }
0xec: {  	[sflag:s10] =	ssyncset.done $0x0  }
0xed: {  	s8 =	rddreg [dreg:$0xf];
	[sflag:s10] =	ssyncadd.s32 $0xFFFFC000  }
0xee: {  	[tilespmem:s14], [sflag:$0x2] =	stream.indirect.gather [hbm4b:s4+s12], $0x80, s8, s12, $0xb8;
	[tilespmem:$0x1CC00] =	vst v63  }
0xef: {  	_ =	swait.ge [sflag:s15], $0x4000  }
0xf0: {  	[sflag:s15] =	ssyncset.done $0x0  }
0xf1: {  	s8 =	rddreg [dreg:$0x10];
	[sflag:s15] =	ssyncadd.s32 $0xFFFFC000  }
0xf2: {  	[spmem:s2] =	stream.indirect.scatter.add.f32 [tilespmem:s13], [sflag:$0x3], $0x80, s8, s12, $0xb8;
	[tilespmem:$0x1CC00] =	vst v63  }
0xf3: {  	_ =	swait.ge [sflag:s10], $0x4000  }
0xf4: {  	[sflag:s10] =	ssyncset.done $0x0  }
0xf5: {  	[sflag:s10] =	ssyncadd.s32 $0xFFFFC000  }
0xf6: {  	[tilespmem:s13], [sflag:$0x1] =	stream.indirect.gather [hbm4b:s4+s12], $0x80, s17, s12, $0xb8;
	[tilespmem:$0x1CC00] =	vst v63  }
0xf7: {  	_ =	swait.ge [sflag:s16], $0x4000  }
0xf8: {  	[sflag:s16] =	ssyncset.done $0x0  }
0xf9: {  	[sflag:s16] =	ssyncadd.s32 $0xFFFFC000  }
0xfa: {  	[spmem:s2] =	stream.indirect.scatter.add.f32 [tilespmem:s14], [sflag:$0x3], $0x80, s18, s12, $0xb8;
	[tilespmem:$0x1CC00] =	vst v63  }
0xfb: {  	_ =	swait.ge [sflag:s10], $0x4000  }
0xfc: {  	[sflag:s10] =	ssyncset.done $0x0  }
0xfd: {  	[sflag:s10] =	ssyncadd.s32 $0xFFFFC000  }
0xfe: {  	[tilespmem:s14], [sflag:$0x2] =	stream.indirect.gather [hbm4b:s4+s12], $0x80, s19, s12, $0xb8;
	[tilespmem:$0x1CC00] =	vst v63  }
0xff: {  	_ =	swait.ge [sflag:s15], $0x4000  }
0x100: {  	[sflag:s15] =	ssyncset.done $0x0  }
0x101: {  	[sflag:s15] =	ssyncadd.s32 $0xFFFFC000  }
0x102: {  	[spmem:s2] =	stream.indirect.scatter.add.f32 [tilespmem:s13], [sflag:$0x3], $0x80, s20, s12, $0xb8;
	[tilespmem:$0x1CC00] =	vst v63  }
0x103: {  	_ =	swait.ge [sflag:s10], $0x4000  }
0x104: {  	[sflag:s10] =	ssyncset.done $0x0  }
0x105: {  	[sflag:s10] =	ssyncadd.s32 $0xFFFFC000  }
0x106: {  	[tilespmem:s13], [sflag:$0x1] =	stream.indirect.gather [hbm4b:s4+s12], $0x80, s21, s12, $0xb8;
	[tilespmem:$0x1CC00] =	vst v63  }
0x107: {  	_ =	swait.ge [sflag:s16], $0x4000  }
0x108: {  	[sflag:s16] =	ssyncset.done $0x0  }
0x109: {  	[sflag:s16] =	ssyncadd.s32 $0xFFFFC000  }
0x10a: {  	[spmem:s2] =	stream.indirect.scatter.add.f32 [tilespmem:s14], [sflag:$0x3], $0x80, s22, s12, $0xb8;
	[tilespmem:$0x1CC00] =	vst v63  }
0x10b: {  	_ =	swait.ge [sflag:s10], $0x4000  }
0x10c: {  	[sflag:s10] =	ssyncset.done $0x0  }
0x10d: {  	[sflag:s10] =	ssyncadd.s32 $0xFFFFC000  }
0x10e: {  	[tilespmem:s14], [sflag:$0x2] =	stream.indirect.gather [hbm4b:s4+s12], $0x80, s23, s12, $0xb8;
	[tilespmem:$0x1CC00] =	vst v63  }
0x10f: {  	_ =	swait.ge [sflag:s15], $0x4000  }
0x110: {  	[sflag:s15] =	ssyncset.done $0x0  }
0x111: {  	[sflag:s15] =	ssyncadd.s32 $0xFFFFC000  }
0x112: {  	[spmem:s2] =	stream.indirect.scatter.add.f32 [tilespmem:s13], [sflag:$0x3], $0x80, s24, s12, $0xb8;
	[tilespmem:$0x1CC00] =	vst v63  }
0x113: {  	_ =	swait.ge [sflag:s10], $0x4000  }
0x114: {  	[sflag:s10] =	ssyncset.done $0x0  }
0x115: {  	[sflag:s10] =	ssyncadd.s32 $0xFFFFC000  }
0x116: {  	[tilespmem:s13], [sflag:$0x1] =	stream.indirect.gather [hbm4b:s4+s12], $0x80, s26, s12, $0xb8;
	[tilespmem:$0x1CC00] =	vst v63  }
0x117: {  	_ =	swait.ge [sflag:s16], $0x4000  }
0x118: {  	[sflag:s16] =	ssyncset.done $0x0  }
0x119: {  	[sflag:s16] =	ssyncadd.s32 $0xFFFFC000  }
0x11a: {  	[spmem:s2] =	stream.indirect.scatter.add.f32 [tilespmem:s14], [sflag:$0x3], $0x80, s28, s12, $0xb8;
	[tilespmem:$0x1CC00] =	vst v63  }
0x11b: {  	_ =	swait.ge [sflag:s10], $0x4000  }
0x11c: {  	[sflag:s10] =	ssyncset.done $0x0  }
0x11d: {  	[sflag:s10] =	ssyncadd.s32 $0xFFFFC000  }
0x11e: {  	[tilespmem:s14], [sflag:$0x2] =	stream.indirect.gather [hbm4b:s4+s12], $0x80, s29, s12, $0xb8;
	[tilespmem:$0x1CC00] =	vst v63  }
0x11f: {  	_ =	swait.ge [sflag:s15], $0x4000  }
0x120: {  	[sflag:s15] =	ssyncset.done $0x0  }
0x121: {  	[sflag:s15] =	ssyncadd.s32 $0xFFFFC000  }
0x122: {  	[spmem:s2] =	stream.indirect.scatter.add.f32 [tilespmem:s13], [sflag:$0x3], $0x80, s30, s12, $0xb8;
	[tilespmem:$0x1CC00] =	vst v63  }
0x123: {  	_ =	swait.ge [sflag:s10], $0x4000  }
0x124: {  	[sflag:s10] =	ssyncset.done $0x0  }
0x125: {  	[sflag:s10] =	ssyncadd.s32 $0xFFFFC000  }
0x126: {  	[tilespmem:s13], [sflag:$0x1] =	stream.indirect.gather [hbm4b:s4+s12], $0x80, s31, s12, $0xb8;
	[tilespmem:$0x1CC00] =	vst v63  }
0x127: {  	_ =	swait.ge [sflag:s16], $0x4000  }
0x128: {  	[sflag:s16] =	ssyncset.done $0x0  }
0x129: {  	[sflag:s16] =	ssyncadd.s32 $0xFFFFC000  }
0x12a: {  	[spmem:s2] =	stream.indirect.scatter.add.f32 [tilespmem:s14], [sflag:$0x3], $0x80, s1, s12, $0xb8;
	[tilespmem:$0x1CC00] =	vst v63  }
0x12b: {  	_ =	swait.ge [sflag:s10], $0x4000  }
0x12c: {  	[sflag:s10] =	ssyncset.done $0x0  }
0x12d: {  	[sflag:s10] =	ssyncadd.s32 $0xFFFFC000  }
0x12e: {  	[tilespmem:s14], [sflag:$0x2] =	stream.indirect.gather [hbm4b:s4+s12], $0x80, s0, s12, $0xb8;
	[tilespmem:$0x1CC00] =	vst v63  }
0x12f: {  	_ =	swait.ge [sflag:s15], $0x4000  }
0x130: {  	[sflag:s15] =	ssyncset.done $0x0  }
0x131: {  	[sflag:s15] =	ssyncadd.s32 $0xFFFFC000  }
0x132: {  	[spmem:s2] =	stream.indirect.scatter.add.f32 [tilespmem:s13], [sflag:$0x3], $0x80, s5, s12, $0xb8;
	[tilespmem:$0x1CC00] =	vst v63  }
0x133: {  	_ =	swait.ge [sflag:s10], $0x4000  }
0x134: {  	[sflag:s10] =	ssyncset.done $0x0  }
0x135: {  	[sflag:s10] =	ssyncadd.s32 $0xFFFFC000  }
0x136: {  	p0 =	sne.s32 s25, $0x400;
	_ =	swait.ge [sflag:s16], $0x4000  }
.Ltmp0:
0x137: {  	[sflag:s16] =	ssyncset.done $0x0;
	(pc) =	sbr.rel @p0 .LBB2_2-.Ltmp0, $4  }
0x138: {  	[sflag:s16] =	ssyncadd.s32 $0xFFFFC000  }
0x139: {  	[spmem:s2] =	stream.indirect.scatter.add.f32 [tilespmem:s14], [sflag:$0x3], $0x80, s7, s12, $0xb8;
	[tilespmem:$0x1CC00] =	vst v63  }
0x13a: {  	_ =	swait.ge [sflag:s10], $0x4000  }
0x13b: {  	s25 =	sadd.s32 $0x100, s25;
	s6 =	rddreg [dreg:$0x4];
	[sflag:s10] =	ssyncset.done $0x0  }
0x13c: {  	[sflag:s10] =	ssyncadd.s32 $0xFFFFC000;
	s6 =	sadd.s32 s9, s6  }
0x13d: {  	[tilespmem:s3], [sflag:$0x3] =	stream.linear.gather [hbm4b:s6+s3], $0x800, $0x38;
	[tilespmem:$0x1CC00] =	vst v63  }
0x13e: {  	_ =	swait.ge [sflag:s10], $0x800  }
0x13f: {  	s8 =	rddreg [dreg:$0x3];
	[sflag:s10] =	ssyncset.done $0x0  }
0x140: {  	s6 =	sadd.s32 s9, s8;
	[sflag:s10] =	ssyncadd.s32 $0xFFFFF800  }
0x141: {  	[tilespmem:s11], [sflag:$0x3] =	stream.linear.gather [hbm4b:s6+s3], $0x800, $0x38;
	[tilespmem:$0x1CC00] =	vst v63  }
0x142: {  	_ =	swait.ge [sflag:s10], $0x800  }
0x143: {  	[sflag:s10] =	ssyncset.done $0x0  }
0x144: {  	[sflag:s10] =	ssyncadd.s32 $0xFFFFF800  }
0x145: {  	[tilespmem:s13], [sflag:$0x1] =	stream.indirect.gather [hbm4b:s4+s12], $0x80, s3, s12, $0xb8;
	[tilespmem:$0x1CC00] =	vst v63  }
0x146: {  	_ = 	snop  }
0x147: {  	[tilespmem:s14], [sflag:$0x2] =	stream.indirect.gather [hbm4b:s4+s12], $0x80, s12, s12, $0xb8;
	[tilespmem:$0x1CC00] =	vst v63  }
0x148: {  	_ =	swait.ge [sflag:s15], $0x4000  }
0x149: {  	[sflag:s15] =	ssyncset.done $0x0  }
0x14a: {  	[sflag:s15] =	ssyncadd.s32 $0xFFFFC000  }
0x14b: {  	[spmem:s2] =	stream.indirect.scatter.add.f32 [tilespmem:s13], [sflag:$0x3], $0x80, s11, s12, $0xb8;
	[tilespmem:$0x1CC00] =	vst v63  }
0x14c: {  	_ =	swait.ge [sflag:s10], $0x4000  }
0x14d: {  	[sflag:s10] =	ssyncset.done $0x0  }
0x14e: {  	s9 =	rddreg [dreg:$0x5];
	[sflag:s10] =	ssyncadd.s32 $0xFFFFC000  }
0x14f: {  	[tilespmem:s13], [sflag:$0x1] =	stream.indirect.gather [hbm4b:s4+s12], $0x80, s9, s12, $0xb8;
	[tilespmem:$0x1CC00] =	vst v63  }
0x150: {  	_ =	swait.ge [sflag:s16], $0x4000  }
0x151: {  	[sflag:s16] =	ssyncset.done $0x0  }
0x152: {  	s25 =	rddreg [dreg:$0x6];
	[sflag:s16] =	ssyncadd.s32 $0xFFFFC000  }
0x153: {  	[spmem:s2] =	stream.indirect.scatter.add.f32 [tilespmem:s14], [sflag:$0x3], $0x80, s25, s12, $0xb8;
	[tilespmem:$0x1CC00] =	vst v63  }
0x154: {  	_ =	swait.ge [sflag:s10], $0x4000  }
0x155: {  	[sflag:s10] =	ssyncset.done $0x0  }
0x156: {  	s8 =	rddreg [dreg:$0x7];
	[sflag:s10] =	ssyncadd.s32 $0xFFFFC000  }
0x157: {  	[tilespmem:s14], [sflag:$0x2] =	stream.indirect.gather [hbm4b:s4+s12], $0x80, s8, s12, $0xb8;
	[tilespmem:$0x1CC00] =	vst v63  }
0x158: {  	_ =	swait.ge [sflag:s15], $0x4000  }
0x159: {  	[sflag:s15] =	ssyncset.done $0x0  }
0x15a: {  	s9 =	rddreg [dreg:$0x8];
	[sflag:s15] =	ssyncadd.s32 $0xFFFFC000  }
0x15b: {  	[spmem:s2] =	stream.indirect.scatter.add.f32 [tilespmem:s13], [sflag:$0x3], $0x80, s9, s12, $0xb8;
	[tilespmem:$0x1CC00] =	vst v63  }
0x15c: {  	_ =	swait.ge [sflag:s10], $0x4000  }
0x15d: {  	[sflag:s10] =	ssyncset.done $0x0  }
0x15e: {  	s25 =	rddreg [dreg:$0x9];
	[sflag:s10] =	ssyncadd.s32 $0xFFFFC000  }
0x15f: {  	[tilespmem:s13], [sflag:$0x1] =	stream.indirect.gather [hbm4b:s4+s12], $0x80, s25, s12, $0xb8;
	[tilespmem:$0x1CC00] =	vst v63  }
0x160: {  	_ =	swait.ge [sflag:s16], $0x4000  }
0x161: {  	[sflag:s16] =	ssyncset.done $0x0  }
0x162: {  	s8 =	rddreg [dreg:$0xa];
	[sflag:s16] =	ssyncadd.s32 $0xFFFFC000  }
0x163: {  	[spmem:s2] =	stream.indirect.scatter.add.f32 [tilespmem:s14], [sflag:$0x3], $0x80, s8, s12, $0xb8;
	[tilespmem:$0x1CC00] =	vst v63  }
0x164: {  	_ =	swait.ge [sflag:s10], $0x4000  }
0x165: {  	[sflag:s10] =	ssyncset.done $0x0  }
0x166: {  	s9 =	rddreg [dreg:$0xb];
	[sflag:s10] =	ssyncadd.s32 $0xFFFFC000  }
0x167: {  	[tilespmem:s14], [sflag:$0x2] =	stream.indirect.gather [hbm4b:s4+s12], $0x80, s9, s12, $0xb8;
	[tilespmem:$0x1CC00] =	vst v63  }
0x168: {  	_ =	swait.ge [sflag:s15], $0x4000  }
0x169: {  	[sflag:s15] =	ssyncset.done $0x0  }
0x16a: {  	s25 =	rddreg [dreg:$0xc];
	[sflag:s15] =	ssyncadd.s32 $0xFFFFC000  }
0x16b: {  	[spmem:s2] =	stream.indirect.scatter.add.f32 [tilespmem:s13], [sflag:$0x3], $0x80, s25, s12, $0xb8;
	[tilespmem:$0x1CC00] =	vst v63  }
0x16c: {  	_ =	swait.ge [sflag:s10], $0x4000  }
0x16d: {  	[sflag:s10] =	ssyncset.done $0x0  }
0x16e: {  	s8 =	rddreg [dreg:$0xd];
	[sflag:s10] =	ssyncadd.s32 $0xFFFFC000  }
0x16f: {  	[tilespmem:s13], [sflag:$0x1] =	stream.indirect.gather [hbm4b:s4+s12], $0x80, s8, s12, $0xb8;
	[tilespmem:$0x1CC00] =	vst v63  }
0x170: {  	_ =	swait.ge [sflag:s16], $0x4000  }
0x171: {  	[sflag:s16] =	ssyncset.done $0x0  }
0x172: {  	s9 =	rddreg [dreg:$0xe];
	[sflag:s16] =	ssyncadd.s32 $0xFFFFC000  }
0x173: {  	[spmem:s2] =	stream.indirect.scatter.add.f32 [tilespmem:s14], [sflag:$0x3], $0x80, s9, s12, $0xb8;
	[tilespmem:$0x1CC00] =	vst v63  }
0x174: {  	_ =	swait.ge [sflag:s10], $0x4000  }
0x175: {  	[sflag:s10] =	ssyncset.done $0x0  }
0x176: {  	s25 =	rddreg [dreg:$0xf];
	[sflag:s10] =	ssyncadd.s32 $0xFFFFC000  }
0x177: {  	[tilespmem:s14], [sflag:$0x2] =	stream.indirect.gather [hbm4b:s4+s12], $0x80, s25, s12, $0xb8;
	[tilespmem:$0x1CC00] =	vst v63  }
0x178: {  	_ =	swait.ge [sflag:s15], $0x4000  }
0x179: {  	[sflag:s15] =	ssyncset.done $0x0  }
0x17a: {  	s8 =	rddreg [dreg:$0x10];
	[sflag:s15] =	ssyncadd.s32 $0xFFFFC000  }
0x17b: {  	[spmem:s2] =	stream.indirect.scatter.add.f32 [tilespmem:s13], [sflag:$0x3], $0x80, s8, s12, $0xb8;
	[tilespmem:$0x1CC00] =	vst v63  }
0x17c: {  	_ =	swait.ge [sflag:s10], $0x4000  }
0x17d: {  	[sflag:s10] =	ssyncset.done $0x0  }
0x17e: {  	[sflag:s10] =	ssyncadd.s32 $0xFFFFC000  }
0x17f: {  	[tilespmem:s13], [sflag:$0x1] =	stream.indirect.gather [hbm4b:s4+s12], $0x80, s17, s12, $0xb8;
	[tilespmem:$0x1CC00] =	vst v63  }
0x180: {  	_ =	swait.ge [sflag:s16], $0x4000  }
0x181: {  	[sflag:s16] =	ssyncset.done $0x0  }
0x182: {  	[sflag:s16] =	ssyncadd.s32 $0xFFFFC000  }
0x183: {  	[spmem:s2] =	stream.indirect.scatter.add.f32 [tilespmem:s14], [sflag:$0x3], $0x80, s18, s12, $0xb8;
	[tilespmem:$0x1CC00] =	vst v63  }
0x184: {  	_ =	swait.ge [sflag:s10], $0x4000  }
0x185: {  	[sflag:s10] =	ssyncset.done $0x0  }
0x186: {  	[sflag:s10] =	ssyncadd.s32 $0xFFFFC000  }
0x187: {  	[tilespmem:s14], [sflag:$0x2] =	stream.indirect.gather [hbm4b:s4+s12], $0x80, s19, s12, $0xb8;
	[tilespmem:$0x1CC00] =	vst v63  }
0x188: {  	_ =	swait.ge [sflag:s15], $0x4000  }
0x189: {  	[sflag:s15] =	ssyncset.done $0x0  }
0x18a: {  	[sflag:s15] =	ssyncadd.s32 $0xFFFFC000  }
0x18b: {  	[spmem:s2] =	stream.indirect.scatter.add.f32 [tilespmem:s13], [sflag:$0x3], $0x80, s20, s12, $0xb8;
	[tilespmem:$0x1CC00] =	vst v63  }
0x18c: {  	_ =	swait.ge [sflag:s10], $0x4000  }
0x18d: {  	[sflag:s10] =	ssyncset.done $0x0  }
0x18e: {  	[sflag:s10] =	ssyncadd.s32 $0xFFFFC000  }
0x18f: {  	[tilespmem:s13], [sflag:$0x1] =	stream.indirect.gather [hbm4b:s4+s12], $0x80, s21, s12, $0xb8;
	[tilespmem:$0x1CC00] =	vst v63  }
0x190: {  	_ =	swait.ge [sflag:s16], $0x4000  }
0x191: {  	[sflag:s16] =	ssyncset.done $0x0  }
0x192: {  	[sflag:s16] =	ssyncadd.s32 $0xFFFFC000  }
0x193: {  	[spmem:s2] =	stream.indirect.scatter.add.f32 [tilespmem:s14], [sflag:$0x3], $0x80, s22, s12, $0xb8;
	[tilespmem:$0x1CC00] =	vst v63  }
0x194: {  	_ =	swait.ge [sflag:s10], $0x4000  }
0x195: {  	[sflag:s10] =	ssyncset.done $0x0  }
0x196: {  	[sflag:s10] =	ssyncadd.s32 $0xFFFFC000  }
0x197: {  	[tilespmem:s14], [sflag:$0x2] =	stream.indirect.gather [hbm4b:s4+s12], $0x80, s23, s12, $0xb8;
	[tilespmem:$0x1CC00] =	vst v63  }
0x198: {  	_ =	swait.ge [sflag:s15], $0x4000  }
0x199: {  	[sflag:s15] =	ssyncset.done $0x0  }
0x19a: {  	[sflag:s15] =	ssyncadd.s32 $0xFFFFC000  }
0x19b: {  	[spmem:s2] =	stream.indirect.scatter.add.f32 [tilespmem:s13], [sflag:$0x3], $0x80, s24, s12, $0xb8;
	[tilespmem:$0x1CC00] =	vst v63  }
0x19c: {  	_ =	swait.ge [sflag:s10], $0x4000  }
0x19d: {  	[sflag:s10] =	ssyncset.done $0x0  }
0x19e: {  	[sflag:s10] =	ssyncadd.s32 $0xFFFFC000  }
0x19f: {  	[tilespmem:s13], [sflag:$0x1] =	stream.indirect.gather [hbm4b:s4+s12], $0x80, s26, s12, $0xb8;
	[tilespmem:$0x1CC00] =	vst v63  }
0x1a0: {  	_ =	swait.ge [sflag:s16], $0x4000  }
0x1a1: {  	[sflag:s16] =	ssyncset.done $0x0  }
0x1a2: {  	[sflag:s16] =	ssyncadd.s32 $0xFFFFC000  }
0x1a3: {  	[spmem:s2] =	stream.indirect.scatter.add.f32 [tilespmem:s14], [sflag:$0x3], $0x80, s28, s12, $0xb8;
	[tilespmem:$0x1CC00] =	vst v63  }
0x1a4: {  	_ =	swait.ge [sflag:s10], $0x4000  }
0x1a5: {  	[sflag:s10] =	ssyncset.done $0x0  }
0x1a6: {  	[sflag:s10] =	ssyncadd.s32 $0xFFFFC000  }
0x1a7: {  	[tilespmem:s14], [sflag:$0x2] =	stream.indirect.gather [hbm4b:s4+s12], $0x80, s29, s12, $0xb8;
	[tilespmem:$0x1CC00] =	vst v63  }
0x1a8: {  	_ =	swait.ge [sflag:s15], $0x4000  }
0x1a9: {  	[sflag:s15] =	ssyncset.done $0x0  }
0x1aa: {  	[sflag:s15] =	ssyncadd.s32 $0xFFFFC000  }
0x1ab: {  	[spmem:s2] =	stream.indirect.scatter.add.f32 [tilespmem:s13], [sflag:$0x3], $0x80, s30, s12, $0xb8;
	[tilespmem:$0x1CC00] =	vst v63  }
0x1ac: {  	_ =	swait.ge [sflag:s10], $0x4000  }
0x1ad: {  	[sflag:s10] =	ssyncset.done $0x0  }
0x1ae: {  	[sflag:s10] =	ssyncadd.s32 $0xFFFFC000  }
0x1af: {  	[tilespmem:s13], [sflag:$0x1] =	stream.indirect.gather [hbm4b:s4+s12], $0x80, s31, s12, $0xb8;
	[tilespmem:$0x1CC00] =	vst v63  }
0x1b0: {  	_ =	swait.ge [sflag:s16], $0x4000  }
0x1b1: {  	[sflag:s16] =	ssyncset.done $0x0  }
0x1b2: {  	[sflag:s16] =	ssyncadd.s32 $0xFFFFC000  }
0x1b3: {  	[spmem:s2] =	stream.indirect.scatter.add.f32 [tilespmem:s14], [sflag:$0x3], $0x80, s1, s12, $0xb8;
	[tilespmem:$0x1CC00] =	vst v63  }
0x1b4: {  	_ =	swait.ge [sflag:s10], $0x4000  }
0x1b5: {  	[sflag:s10] =	ssyncset.done $0x0  }
0x1b6: {  	[sflag:s10] =	ssyncadd.s32 $0xFFFFC000  }
0x1b7: {  	[tilespmem:s14], [sflag:$0x2] =	stream.indirect.gather [hbm4b:s4+s12], $0x80, s0, s12, $0xb8;
	[tilespmem:$0x1CC00] =	vst v63  }
0x1b8: {  	_ =	swait.ge [sflag:s15], $0x4000  }
0x1b9: {  	[sflag:s15] =	ssyncset.done $0x0  }
0x1ba: {  	[sflag:s15] =	ssyncadd.s32 $0xFFFFC000  }
0x1bb: {  	[spmem:s2] =	stream.indirect.scatter.add.f32 [tilespmem:s13], [sflag:$0x3], $0x80, s5, s12, $0xb8;
	[tilespmem:$0x1CC00] =	vst v63  }
0x1bc: {  	_ =	swait.ge [sflag:s10], $0x4000  }
0x1bd: {  	[sflag:s10] =	ssyncset.done $0x0  }
0x1be: {  	[sflag:s10] =	ssyncadd.s32 $0xFFFFC000  }
0x1bf: {  	_ =	swait.ge [sflag:s16], $0x4000  }
0x1c0: {  	[sflag:s16] =	ssyncset.done $0x0  }
0x1c1: {  	[sflag:s16] =	ssyncadd.s32 $0xFFFFC000  }
0x1c2: {  	[spmem:s2] =	stream.indirect.scatter.add.f32 [tilespmem:s14], [sflag:$0x3], $0x80, s7, s12, $0xb8;
	[tilespmem:$0x1CC00] =	vst v63  }
0x1c3: {  	_ =	swait.ge [sflag:s10], $0x4000  }
0x1c4: {  	[sflag:s10] =	ssyncset.done $0x0  }
0x1c5: {  	[sflag:s10] =	ssyncadd.s32 $0xFFFFC000  }
0x1c6: {  	[bflag:$0x0] =	sbarrier.arrive $0xFFFF  }
0x1c7: {  	s8 =	rddreg [dreg:$0x12]  }
0x1c8: {  	s9 =	rddreg [dreg:$0x13]  }
0x1c9: {  	s25 =	rddreg [dreg:$0x16]  }
0x1ca: {  	[hbm:s9], [sflag:s8] =	dma.local [spmem:s25], $0x2780  }
0x1cb: {  	_ =	swait.ge [sflag:s10], $0x2780  }
0x1cc: {  	s6 =	rddreg [dreg:$0x17]  }
0x1cd: {  	s25 =	rddreg [dreg:$0x14];
	s9 =	sadd.s32 $0x1, s6  }
0x1ce: {  	p0 =	sne.s32 s9, s25  }
.Ltmp1:
0x1cf: {  	_ = 	snop;
	(pc) =	sbr.rel @p0 .LBB2_1-.Ltmp1, $3  }
0x1d0: {  	_ =	sdelay $0x1  }
0x1d1: {  	[sflag:s10] =	ssyncset.done $0x0  }
0x1d2: {  	[sflag:s10] =	ssyncadd.s32 $0xFFFFD880  }
0x1d3: {  	_ =	sfence.sel $0x180000  }
0x1d4: {  	[bflag:$0x0] =	sbarrier.arrive $0xFFFF  }
0x1d5: {  	_ =	strace $0x9000004A  }
0x1d6: {  	s0 =	stileid.u32;
	[bflag:$0x2] =	sbarrier.arrive $0xFFFF  }
0x1d7: {  	p0 =	sne.s32 s0, $0x0;
	s0 =	rddreg [dreg:$0x2]  }
0x1d8: {  	s0 =	sadd.s32 @!p0 $0x100000, s0  }
0x1d9: {  	[sflag:s0] =	ssyncadd.tile.s32 @!p0 $0x1;
	_ =	shalt  }
.Lfunc_end2:
_tile_overlayer_lowered:
.L_overlay_start_2:
0x1da: {  	(tag) =	ssettag $0x2  }
0x1db: {  	s0 =	rddreg [dreg:$0x0];
	s2 =	stileid.u32  }
0x1dc: {  	s1 =	rddreg [dreg:$0x1];
	p0 =	sne.s32 s2, $0x0  }
0x1dd: {  	s3 =	rddreg [dreg:$0x2];
	[bflag:$0x3] =	sbarrier.arrive $0xFFFF;
	s2 =	simm.s32 @!p0 $0x1C03  }
0x1de: {  	[timem:s3], [sflag:s2] =	dma.local @!p0 [hbm:s0], s1  }
0x1df: {  	s0 =	simm.s32 @!p0 $0x3  }
0x1e0: {  	_ =	swait.ge @!p0 [sflag:s0], s1  }
0x1e1: {  	s1 =	ssub.s32 @!p0 $0x0, s1;
	[sflag:s0] =	ssyncset.done @!p0 $0x0  }
0x1e2: {  	[sflag:s0] =	ssyncadd.s32 @!p0 s1  }
0x1e3: {  	[bflag:$0x3] =	sbarrier.arrive $0xFFFF  }
0x1e4: {  	_ =	shalt  }

// kernel: kernel.14.cloned.1.call-start
scs
__scs_entry_jumppad:
0x0: {  	(pc) =	sbr.rel $0x88, $3  }
0x1: {  	(tag) =	ssettag $0x0;
	lr =	simm.s32 $0x1  }
0x2: {  	[smem:$0x3F93] =	sst lr;
	_ =	strace $0xD0000000  }
0x3: {  	_ = 	snop  }
0x4: {  	_ = 	snop  }
0x5: {  	_ = 	snop  }
0x6: {  	_ = 	snop  }
0x7: {  	_ = 	snop  }
__scs_overlays_trampoline_lowered:
0x8: {  	[smem:$0x3FA2] =	sst s0  }
0x9: {  	[smem:$0x3FA3] =	sst s1  }
0xa: {  	[smem:$0x3FA4] =	sst s2  }
0xb: {  	[smem:$0x3FA5] =	sst s3  }
0xc: {  	[smem:$0x3FA6] =	sst s4  }
0xd: {  	[smem:$0x3FA7] =	sst s5  }
0xe: {  	[smem:$0x3FA8] =	sst s6  }
0xf: {  	[smem:$0x3FA9] =	sst s7  }
0x10: {  	[smem:$0x3FAA] =	sst s8  }
0x11: {  	[smem:$0x3FAB] =	sst s9;
	s0 =	simm.s32 @!p0 $0x0  }
0x12: {  	s1 =	sld [smem:$0x3F91];
	s0 =	simm.s32 @p0 $0x1  }
0x13: {  	[smem:$0x3FAC] =	sst s0;
	s0 =	simm.s32 @!p1 $0x0  }
0x14: {  	s2 =	sld [smem:$0x3F90];
	s0 =	simm.s32 @p1 $0x1  }
0x15: {  	[smem:$0x3FAD] =	sst s0;
	s0 =	simm.s32 @!p2 $0x0  }
0x16: {  	s3 =	sld [smem:$0x3FDB];
	s0 =	simm.s32 @p2 $0x1  }
0x17: {  	s4 =	simm.s32 $0x1BF5;
	[smem:$0x3FAF] =	sst s0  }
0x18: {  	s0 =	sld [smem:$0x3F92];
	_ =	swait.ge [sflag:s4], $0x0  }
0x19: {  	s7 =	sld [smem:$0x3F93]  }
0x1a: {  	s8 =	sadd.s32 $0xFFFFE003, lr  }
0x1b: {  	s9 =	sadd.s32 $0xFFFFFEF7, lr;
	s5 =	simm.s32 $0xFFFFFFFF;
	p2 =	slt.u32 s8, $0xFFFFF086  }
0x1c: {  	p1 =	slt.u32 s9, $0xF7A;
	s5 =	simm.s32 @!p2 $0x0  }
0x1d: {  	s5 =	simm.s32 @p1 $0x1;
	p0 =	seq.s32 s7, s2  }
0x1e: {  	s7 =	smul.u32 @!p0 $0xF7A, s2;
	p2 =	seq.s32 @!p0 s5, $0x0  }
0x1f: {  	s9 =	smul.u32 $0xF7A, s1;
	s8 =	simm.s32 @!p0 $0x1BF5;
	p2 =	por !p2, p0  }
0x20: {  	[sflag:s8] =	ssyncset.s32 @!p0 $0xFFFFF086;
	s6 =	sadd.s32 @!p0 s3, s7;
	s7 =	simm.s32 @!p0 $0x108  }
0x21: {  	s3 =	sadd.s32 s3, s9;
	s6 =	sadd.s32 @!p0 $0x88, s6;
	s7 =	simm.s32 @p2 $0x1082  }
0x22: {  	[simem:s7], [sflag:s8] =	dma.local @!p0 [hbm:s6], $0xF7A  }
0x23: {  	s9 =	sor.u32 $0xD0000000, s2;
	s6 =	simm.s32 $0x108;
	_ =	swait.ge @!p0 [sflag:s8], $0x0  }
0x24: {  	s3 =	sadd.s32 $0x88, s3;
	s6 =	simm.s32 @!p1 $0x1082;
	[sflag:s4] =	ssyncset.s32 $0xFFFFF086  }
0x25: {  	[simem:s6], [sflag:s4] =	dma.local [hbm:s3], $0xF7A  }
0x26: {  	[smem:$0x3F93] =	sst s1;
	(tag) =	ssettag s2;
	_ =	strace s9  }
0x27: {  	s1 =	sld [smem:$0x3FA3]  }
0x28: {  	s2 =	sld [smem:$0x3FA4]  }
0x29: {  	s4 =	sld [smem:$0x3FA6]  }
0x2a: {  	p0 =	seq.s32 s5, $0x0;
	s5 =	sld [smem:$0x3FA7]  }
0x2b: {  	s6 =	sld [smem:$0x3FA8]  }
0x2c: {  	s7 =	sld [smem:$0x3FA9]  }
0x2d: {  	s3 =	simm.s32 $0x108;
	s8 =	sld [smem:$0x3FAA]  }
0x2e: {  	s3 =	simm.s32 @!p0 $0x1082;
	s9 =	sld [smem:$0x3FAB]  }
0x2f: {  	lr =	sadd.s32 s0, s3;
	s0 =	sld [smem:$0x3FA2]  }
0x30: {  	s3 =	sld [smem:$0x3FA5]  }
0x31: {  	[smem:$0x3FAE] =	sst s10  }
0x32: {  	s10 =	sld [smem:$0x3FAC];
	_ =	sdelay $0x3  }
0x33: {  	p0 =	seq.s32 s10, $0x1;
	s10 =	sld [smem:$0x3FAE];
	_ =	sdelay $0x3  }
0x34: {  	[smem:$0x3FAE] =	sst s10  }
0x35: {  	s10 =	sld [smem:$0x3FAD];
	_ =	sdelay $0x3  }
0x36: {  	p1 =	seq.s32 s10, $0x1;
	s10 =	sld [smem:$0x3FAE];
	_ =	sdelay $0x3  }
0x37: {  	[smem:$0x3FAE] =	sst s10  }
0x38: {  	s10 =	sld [smem:$0x3FAF]  }
0x39: {  	_ = 	snop;
	(pc) =	sbr.ind lr, $3  }
0x3a: {  	_ = 	snop  }
0x3b: {  	_ = 	snop  }
0x3c: {  	p2 =	seq.s32 s10, $0x1;
	s10 =	sld [smem:$0x3FAE]  }
0x3d: {  	_ =	shalt  }
0x3e: {  	_ =	shalt  }
0x3f: {  	_ =	shalt  }
0x40: {  	_ =	shalt  }
0x41: {  	_ =	shalt  }
0x42: {  	_ =	shalt  }
0x43: {  	_ =	shalt  }
0x44: {  	_ =	shalt  }
0x45: {  	_ =	shalt  }
0x46: {  	_ =	shalt  }
0x47: {  	_ =	shalt  }
0x48: {  	_ =	shalt  }
0x49: {  	_ =	shalt  }
0x4a: {  	_ =	shalt  }
0x4b: {  	_ =	shalt  }
0x4c: {  	_ =	shalt  }
0x4d: {  	_ =	shalt  }
0x4e: {  	_ =	shalt  }
0x4f: {  	_ =	shalt  }
0x50: {  	_ =	shalt  }
0x51: {  	_ =	shalt  }
0x52: {  	_ =	shalt  }
0x53: {  	_ =	shalt  }
0x54: {  	_ =	shalt  }
0x55: {  	_ =	shalt  }
0x56: {  	_ =	shalt  }
0x57: {  	_ =	shalt  }
0x58: {  	_ =	shalt  }
0x59: {  	_ =	shalt  }
0x5a: {  	_ =	shalt  }
0x5b: {  	_ =	shalt  }
0x5c: {  	_ =	shalt  }
0x5d: {  	_ =	shalt  }
0x5e: {  	_ =	shalt  }
0x5f: {  	_ =	shalt  }
0x60: {  	_ =	shalt  }
0x61: {  	_ =	shalt  }
0x62: {  	_ =	shalt  }
0x63: {  	_ =	shalt  }
0x64: {  	_ =	shalt  }
0x65: {  	_ =	shalt  }
0x66: {  	_ =	shalt  }
0x67: {  	_ =	shalt  }
0x68: {  	_ =	shalt  }
0x69: {  	_ =	shalt  }
0x6a: {  	_ =	shalt  }
0x6b: {  	_ =	shalt  }
0x6c: {  	_ =	shalt  }
0x6d: {  	_ =	shalt  }
0x6e: {  	_ =	shalt  }
0x6f: {  	_ =	shalt  }
0x70: {  	_ =	shalt  }
0x71: {  	_ =	shalt  }
0x72: {  	_ =	shalt  }
0x73: {  	_ =	shalt  }
0x74: {  	_ =	shalt  }
0x75: {  	_ =	shalt  }
0x76: {  	_ =	shalt  }
0x77: {  	_ =	shalt  }
0x78: {  	_ =	shalt  }
0x79: {  	_ =	shalt  }
0x7a: {  	_ =	shalt  }
0x7b: {  	_ =	shalt  }
0x7c: {  	_ =	shalt  }
0x7d: {  	_ =	shalt  }
0x7e: {  	_ =	shalt  }
0x7f: {  	_ =	shalt  }
0x80: {  	_ =	shalt  }
0x81: {  	_ =	shalt  }
0x82: {  	_ =	shalt  }
0x83: {  	_ =	shalt  }
0x84: {  	_ =	shalt  }
0x85: {  	_ =	shalt  }
0x86: {  	_ =	shalt  }
0x87: {  	_ =	shalt  }
.Lfunc_end0:
.L_simem_size_0:
called_computation.2_lowered:
.L_overlay_start_0:
0x88: {  	s2 =	sld [smem:$0x3FD9]  }
0x89: {  	s3 =	sld [smem:$0x3FFE];
	_ =	sdelay $0x1  }
0x8a: {  	s1 =	srdreg.scid  }
0x8b: {  	s0 =	sand.u32 $0x1, s1  }
0x8c: {  	s16 =	sshll.u32 s0, $0xA;
	s2 =	sadd.s32 s3, s2  }
0x8d: {  	s2 =	sadd.s32 s2, s16  }
0x8e: {  	[smem:$0x3FBA] =	sst s2  }
0x8f: {  	_ = 	snop  }
0x90: {  	(tm) =	ssettm $0x1  }
0x91: {  	s17 =	sld [smem:$0x3FFB];
	_ =	sdelay $0x3  }
0x92: {  	_ =	strace s17  }
0x93: {  	s2 =	sld [smem:$0x3FFC];
	_ =	sdelay $0x3  }
0x94: {  	_ =	strace s2  }
0x95: {  	s2 =	sld [smem:$0x3FFD];
	_ =	sdelay $0x3  }
0x96: {  	_ =	strace s2  }
0x97: {  	_ =	strace $0x8FFFFFFF  }
0x98: {  	s18 =	sld [smem:$0x3FDB];
	_ =	sdelay $0x1  }
0x99: {  	s19 =	simm.s32 $_scs_section_size  }
0x9a: {  	s4 =	simm.s32 $_size__tile_overlayer_lowered;
	s5 =	simm.s32 $_tile_overlayer_lowered  }
0x9b: {  	s22 =	simm.s32 $0x1BFF;
	s21 =	sshll.u32 s5, $0x1;
	s2 =	sadd.s32 s19, s18  }
0x9c: {  	s6 =	simm.s32 $0x0;
	s20 =	sshll.u32 s4, $0x1;
	s4 =	sadd.s32 s21, s2  }
0x9d: {  	[timem:s6], [sflag:s22] =	dma.local [hbm:s4], s20  }
0x9e: {  	_ =	swait.ge [sflag:s22], s20  }
0x9f: {  	s3 =	ssub.s32 $0x0, s20;
	[sflag:s22] =	ssyncset.done $0x0  }
0xa0: {  	[sflag:s22] =	ssyncadd.s32 s3;
	_ =	sdelay $0x1  }
0xa1: {  	s23 =	simm.s32 $0x1B8B  }
0xa2: {  	_ =	swait.ge [sflag:s23], $0x1  }
0xa3: {  	[sflag:s23] =	ssyncset.done $0x0  }
0xa4: {  	s25 =	simm.s32 $0x1B8E;
	s24 =	sld [smem:$0x3FFE];
	[sflag:s23] =	ssyncadd.s32 $0xFFFFFFFF  }
0xa5: {  	s26 =	simm.s32 $execute0_lowered;
	[smem:$0x3FD2] =	sst s25  }
0xa6: {  	s4 =	sshll.u32 s26, $0x1;
	_ =	strace $0x8000004C;
	[dreg:$0x1] =	wrdreg $0xFFFFFFFF  }
0xa7: {  	s28 =	simm.s32 $_size_execute0_lowered;
	s2 =	sadd.s32 s2, s4;
	[dreg:$0x0] =	wrdreg $0x0  }
0xa8: {  	s4 =	sshll.u32 s28, $0x1;
	[dreg:$0x2] =	wrdreg s2  }
0xa9: {  	[dreg:$0x3] =	wrdreg s4  }
0xaa: {  	[dreg:$0x4] =	wrdreg $0xC0  }
0xab: {  	_ =	task [dreg:s6], $0x5FFFF  }
0xac: {  	[dreg:$0x1] =	wrdreg $0xFFFFFFFF  }
0xad: {  	[dreg:$0x0] =	wrdreg $0x60  }
0xae: {  	[dreg:$0x2] =	wrdreg s24  }
0xaf: {  	[dreg:$0x3] =	wrdreg $0x90000  }
0xb0: {  	[dreg:$0x4] =	wrdreg $0x9  }
0xb1: {  	_ =	task.clear_ibuf [dreg:s6], $0x5FFFF;
	_ =	strace $0x9000004C  }
0xb2: {  	s29 =	simm.s32 $0x9;
	_ =	strace $0x8000004E  }
0xb3: {  	_ =	swait.ge [sflag:s29], $0x1  }
0xb4: {  	[sflag:s29] =	ssyncadd.s32 $0xFFFFFFFF  }
0xb5: {  	_ =	strace $0x9000004E  }
0xb6: {  	_ =	sfence  }
0xb7: {  	s30 =	sld [smem:$0x0];
	_ =	sdelay $0x2  }
0xb8: {  	s31 =	sshll.u32 s1, $0xD;
	s1 =	sshrl.u32 s1, $0x2  }
0xb9: {  	s3 =	sand.u32 $0x4000, s31;
	s1 =	sadd.s32 s1, s30  }
0xba: {  	s0 =	sor.u32 s3, s0;
	s1 =	sshll.u32 s1, $0x11  }
0xbb: {  	s0 =	sor.u32 s1, s0  }
0xbc: {  	s0 =	sadd.s32 $0x8F2B, s0  }
0xbd: {  	[sflag:s0] =	ssyncadd.remote.s32 $0x1  }
0xbe: {  	_ =	sfence.sel $0xFFFF  }
0xbf: {  	[dreg:$0x0] =	wrdreg $0xFFFFFFFF;
	(pc) =	sbr.abs _section_cstart, $3  }
0xc0: {  	[dreg:$0x1] =	wrdreg $0xFFFFFFFF  }
0xc1: {  	_ =	task.clear_ibuf [dreg:s6], $0x2FFFF;
	_ =	strace $0x9FFFFFFF  }
0xc2: {  	(tm) =	ssettm $0x7FFFFFFF  }
0xc3: {  	_ =	shalt  }
tec
execute0_lowered:
.L_overlay_start_1:
0x0: {  	(tag) =	ssettag $0x1  }
0x1: {  	s0 =	srdreg.scid;
	s1 =	rddreg [dreg:$0x0]  }
0x2: {  	s9 =	stileid.u32;
	s2 =	rddreg [dreg:$0x1]  }
0x3: {  	s3 =	simm.s32 $0x0;
	s13 =	simm.s32 $0x100;
	s14 =	simm.s32 $0x880  }
0x4: {  	s15 =	simm.s32 $0x180;
	s16 =	simm.s32 $0x900;
	s17 =	simm.s32 $0x200  }
0x5: {  	s19 =	simm.s32 $0x980;
	[smem:$0x7FF] =	sst s3;
	s10 =	sadd.s32 $0x17200, s1  }
0x6: {  	s20 =	simm.s32 $0x280;
	_ =	strace $0x8000004D;
	[dreg:$0x11] =	wrdreg s10  }
0x7: {  	s21 =	simm.s32 $0xA00;
	s22 =	simm.s32 $0x300;
	[dreg:$0x5] =	wrdreg s13  }
0x8: {  	s23 =	simm.s32 $0xA80;
	s24 =	simm.s32 $0x380;
	[dreg:$0x6] =	wrdreg s14  }
0x9: {  	s28 =	simm.s32 $0xD80;
	s29 =	simm.s32 $0x680;
	[dreg:$0x7] =	wrdreg s15  }
0xa: {  	s30 =	simm.s32 $0xE00;
	s4 =	smul.u32 $0x5000, s9;
	[dreg:$0x8] =	wrdreg s16  }
0xb: {  	s31 =	simm.s32 $0x700;
	s6 =	smul.u32 $0x278, s9;
	[dreg:$0x9] =	wrdreg s17  }
0xc: {  	s0 =	sand.u32 $0x1, s0;
	s8 =	smul.u32 $0x4F000, s9;
	[dreg:$0xa] =	wrdreg s19  }
0xd: {  	s12 =	sshll.u32 s9, $0x6;
	s5 =	smul.u32 $0x2800, s0;
	[dreg:$0xb] =	wrdreg s20  }
0xe: {  	s9 =	simm.s32 $0x0;
	s25 =	smul.u32 $0x138800, s0;
	[dreg:$0xc] =	wrdreg s21  }
0xf: {  	s0 =	ssub.s32 $0x2, s0;
	s13 =	simm.s32 $0x1000;
	[dreg:$0xd] =	wrdreg s22  }
0x10: {  	s14 =	simm.s32 $0x5000;
	[dreg:$0xe] =	wrdreg s23;
	s15 =	simm.s32 $0x1  }
0x11: {  	[dreg:$0xf] =	wrdreg s24;
	s16 =	simm.s32 $0x2;
	s17 =	simm.s32 $0x400  }
0x12: {  	s19 =	simm.s32 $0x480;
	s20 =	simm.s32 $0xC00;
	s21 =	simm.s32 $0x500  }
0x13: {  	s22 =	simm.s32 $0xC80;
	s23 =	simm.s32 $0x580;
	s24 =	simm.s32 $0xD00  }
0x14: {  	s6 =	smin.u32 s6, $0x2498;
	s26 =	sshrl.u32 s0, $0x1;
	s10 =	sshrl.u32 s8, $0x2  }
0x15: {  	s8 =	sor.u32 $0x1C03, s12;
	s12 =	simm.s32 $0x80;
	s4 =	sadd.s32 s5, s4  }
0x16: {  	s6 =	sshll.u32 s6, $0x7;
	s0 =	ssub.s32 s0, s26;
	[dreg:$0x12] =	wrdreg s8  }
0x17: {  	s7 =	sshrl.u32 s4, $0x3;
	s4 =	sadd.s32 $0x19A00, s1;
	s5 =	sadd.s32 s25, s6  }
0x18: {  	s6 =	sadd.s32 s6, s2;
	s0 =	smax.u32 s0, $0x1;
	s25 =	simm.s32 $0xB00  }
0x19: {  	s7 =	sadd.s32 s7, s1;
	s5 =	sshrl.u32 s5, $0x3;
	[dreg:$0x14] =	wrdreg s0  }
0x1a: {  	[dreg:$0x10] =	wrdreg s25;
	s26 =	sshrl.u32 s6, $0x3;
	s0 =	simm.s32 $0x780  }
0x1b: {  	s1 =	sadd.s32 s5, s1;
	s11 =	sadd.s32 $0xD200, s7;
	[dreg:$0x16] =	wrdreg s26  }
0x1c: {  	s5 =	sadd.s32 s10, s2;
	s7 =	sadd.s32 $0x3200, s7;
	[dreg:$0x3] =	wrdreg s11  }
0x1d: {  	s10 =	simm.s32 $0x3;
	s26 =	simm.s32 $0x600;
	[dreg:$0x4] =	wrdreg s7  }
0x1e: {  	s1 =	sadd.s32 $0x40C00, s1;
	s18 =	sshrl.u32 s5, $0x3;
	s11 =	simm.s32 $0x800  }
0x1f: {  	s5 =	simm.s32 $0xF00;
	s7 =	simm.s32 $0xF80;
	[dreg:$0x13] =	wrdreg s1  }
0x20: {  	[dreg:$0x15] =	wrdreg s18;
	s18 =	simm.s32 $0xB80;
	s1 =	simm.s32 $0xE80  }
.LBB2_1:
0x21: {  	[dreg:$0x17] =	wrdreg s9  }
0x22: {  	s6 =	rddreg [dreg:$0x11]  }
0x23: {  	s25 =	rddreg [dreg:$0x15]  }
0x24: {  	[spmem:s25], [sflag:s8] =	dma.local [hbm:s6], $0x2780  }
0x25: {  	_ =	swait.ge [sflag:s10], $0x2780  }
0x26: {  	[sflag:s10] =	ssyncset.done $0x0  }
0x27: {  	[sflag:s10] =	ssyncadd.s32 $0xFFFFD880  }
0x28: {  	[bflag:$0x0] =	sbarrier.arrive $0xFFFF  }
0x29: {  	s9 =	rddreg [dreg:$0x4]  }
0x2a: {  	s6 =	sadd.s32 $0x0, s9  }
0x2b: {  	[tilespmem:s3], [sflag:$0x3] =	stream.linear.gather [hbm4b:s6+s3], $0x800, $0x38;
	[tilespmem:$0x1CC00] =	vst v63  }
0x2c: {  	_ =	swait.ge [sflag:s10], $0x800  }
0x2d: {  	s25 =	rddreg [dreg:$0x3];
	[sflag:s10] =	ssyncset.done $0x0  }
0x2e: {  	[sflag:s10] =	ssyncadd.s32 $0xFFFFF800;
	s6 =	sadd.s32 $0x0, s25  }
0x2f: {  	[tilespmem:s11], [sflag:$0x3] =	stream.linear.gather [hbm4b:s6+s3], $0x800, $0x38;
	[tilespmem:$0x1CC00] =	vst v63  }
0x30: {  	_ =	swait.ge [sflag:s10], $0x800  }
0x31: {  	[sflag:s10] =	ssyncset.done $0x0  }
0x32: {  	[sflag:s10] =	ssyncadd.s32 $0xFFFFF800  }
0x33: {  	[tilespmem:s13], [sflag:$0x1] =	stream.indirect.gather [hbm4b:s4+s12], $0x80, s3, s12, $0xb8;
	[tilespmem:$0x1CC00] =	vst v63  }
0x34: {  	_ = 	snop  }
0x35: {  	[tilespmem:s14], [sflag:$0x2] =	stream.indirect.gather [hbm4b:s4+s12], $0x80, s12, s12, $0xb8;
	[tilespmem:$0x1CC00] =	vst v63  }
0x36: {  	_ =	swait.ge [sflag:s15], $0x4000  }
0x37: {  	[sflag:s15] =	ssyncset.done $0x0  }
0x38: {  	[sflag:s15] =	ssyncadd.s32 $0xFFFFC000  }
0x39: {  	[spmem:s2] =	stream.indirect.scatter.add.f32 [tilespmem:s13], [sflag:$0x3], $0x80, s11, s12, $0xb8;
	[tilespmem:$0x1CC00] =	vst v63  }
0x3a: {  	_ =	swait.ge [sflag:s10], $0x4000  }
0x3b: {  	[sflag:s10] =	ssyncset.done $0x0  }
0x3c: {  	s8 =	rddreg [dreg:$0x5];
	[sflag:s10] =	ssyncadd.s32 $0xFFFFC000  }
0x3d: {  	[tilespmem:s13], [sflag:$0x1] =	stream.indirect.gather [hbm4b:s4+s12], $0x80, s8, s12, $0xb8;
	[tilespmem:$0x1CC00] =	vst v63  }
0x3e: {  	_ =	swait.ge [sflag:s16], $0x4000  }
0x3f: {  	[sflag:s16] =	ssyncset.done $0x0  }
0x40: {  	s9 =	rddreg [dreg:$0x6];
	[sflag:s16] =	ssyncadd.s32 $0xFFFFC000  }
0x41: {  	[spmem:s2] =	stream.indirect.scatter.add.f32 [tilespmem:s14], [sflag:$0x3], $0x80, s9, s12, $0xb8;
	[tilespmem:$0x1CC00] =	vst v63  }
0x42: {  	_ =	swait.ge [sflag:s10], $0x4000  }
0x43: {  	[sflag:s10] =	ssyncset.done $0x0  }
0x44: {  	s25 =	rddreg [dreg:$0x7];
	[sflag:s10] =	ssyncadd.s32 $0xFFFFC000  }
0x45: {  	[tilespmem:s14], [sflag:$0x2] =	stream.indirect.gather [hbm4b:s4+s12], $0x80, s25, s12, $0xb8;
	[tilespmem:$0x1CC00] =	vst v63  }
0x46: {  	_ =	swait.ge [sflag:s15], $0x4000  }
0x47: {  	[sflag:s15] =	ssyncset.done $0x0  }
0x48: {  	s8 =	rddreg [dreg:$0x8];
	[sflag:s15] =	ssyncadd.s32 $0xFFFFC000  }
0x49: {  	[spmem:s2] =	stream.indirect.scatter.add.f32 [tilespmem:s13], [sflag:$0x3], $0x80, s8, s12, $0xb8;
	[tilespmem:$0x1CC00] =	vst v63  }
0x4a: {  	_ =	swait.ge [sflag:s10], $0x4000  }
0x4b: {  	[sflag:s10] =	ssyncset.done $0x0  }
0x4c: {  	s9 =	rddreg [dreg:$0x9];
	[sflag:s10] =	ssyncadd.s32 $0xFFFFC000  }
0x4d: {  	[tilespmem:s13], [sflag:$0x1] =	stream.indirect.gather [hbm4b:s4+s12], $0x80, s9, s12, $0xb8;
	[tilespmem:$0x1CC00] =	vst v63  }
0x4e: {  	_ =	swait.ge [sflag:s16], $0x4000  }
0x4f: {  	[sflag:s16] =	ssyncset.done $0x0  }
0x50: {  	s25 =	rddreg [dreg:$0xa];
	[sflag:s16] =	ssyncadd.s32 $0xFFFFC000  }
0x51: {  	[spmem:s2] =	stream.indirect.scatter.add.f32 [tilespmem:s14], [sflag:$0x3], $0x80, s25, s12, $0xb8;
	[tilespmem:$0x1CC00] =	vst v63  }
0x52: {  	_ =	swait.ge [sflag:s10], $0x4000  }
0x53: {  	[sflag:s10] =	ssyncset.done $0x0  }
0x54: {  	s8 =	rddreg [dreg:$0xb];
	[sflag:s10] =	ssyncadd.s32 $0xFFFFC000  }
0x55: {  	[tilespmem:s14], [sflag:$0x2] =	stream.indirect.gather [hbm4b:s4+s12], $0x80, s8, s12, $0xb8;
	[tilespmem:$0x1CC00] =	vst v63  }
0x56: {  	_ =	swait.ge [sflag:s15], $0x4000  }
0x57: {  	[sflag:s15] =	ssyncset.done $0x0  }
0x58: {  	s9 =	rddreg [dreg:$0xc];
	[sflag:s15] =	ssyncadd.s32 $0xFFFFC000  }
0x59: {  	[spmem:s2] =	stream.indirect.scatter.add.f32 [tilespmem:s13], [sflag:$0x3], $0x80, s9, s12, $0xb8;
	[tilespmem:$0x1CC00] =	vst v63  }
0x5a: {  	_ =	swait.ge [sflag:s10], $0x4000  }
0x5b: {  	[sflag:s10] =	ssyncset.done $0x0  }
0x5c: {  	s25 =	rddreg [dreg:$0xd];
	[sflag:s10] =	ssyncadd.s32 $0xFFFFC000  }
0x5d: {  	[tilespmem:s13], [sflag:$0x1] =	stream.indirect.gather [hbm4b:s4+s12], $0x80, s25, s12, $0xb8;
	[tilespmem:$0x1CC00] =	vst v63  }
0x5e: {  	_ =	swait.ge [sflag:s16], $0x4000  }
0x5f: {  	[sflag:s16] =	ssyncset.done $0x0  }
0x60: {  	s8 =	rddreg [dreg:$0xe];
	[sflag:s16] =	ssyncadd.s32 $0xFFFFC000  }
0x61: {  	[spmem:s2] =	stream.indirect.scatter.add.f32 [tilespmem:s14], [sflag:$0x3], $0x80, s8, s12, $0xb8;
	[tilespmem:$0x1CC00] =	vst v63  }
0x62: {  	_ =	swait.ge [sflag:s10], $0x4000  }
0x63: {  	[sflag:s10] =	ssyncset.done $0x0  }
0x64: {  	s9 =	rddreg [dreg:$0xf];
	[sflag:s10] =	ssyncadd.s32 $0xFFFFC000  }
0x65: {  	[tilespmem:s14], [sflag:$0x2] =	stream.indirect.gather [hbm4b:s4+s12], $0x80, s9, s12, $0xb8;
	[tilespmem:$0x1CC00] =	vst v63  }
0x66: {  	_ =	swait.ge [sflag:s15], $0x4000  }
0x67: {  	[sflag:s15] =	ssyncset.done $0x0  }
0x68: {  	s25 =	rddreg [dreg:$0x10];
	[sflag:s15] =	ssyncadd.s32 $0xFFFFC000  }
0x69: {  	[spmem:s2] =	stream.indirect.scatter.add.f32 [tilespmem:s13], [sflag:$0x3], $0x80, s25, s12, $0xb8;
	[tilespmem:$0x1CC00] =	vst v63  }
0x6a: {  	_ =	swait.ge [sflag:s10], $0x4000  }
0x6b: {  	[sflag:s10] =	ssyncset.done $0x0  }
0x6c: {  	[sflag:s10] =	ssyncadd.s32 $0xFFFFC000  }
0x6d: {  	[tilespmem:s13], [sflag:$0x1] =	stream.indirect.gather [hbm4b:s4+s12], $0x80, s17, s12, $0xb8;
	[tilespmem:$0x1CC00] =	vst v63  }
0x6e: {  	_ =	swait.ge [sflag:s16], $0x4000  }
0x6f: {  	[sflag:s16] =	ssyncset.done $0x0  }
0x70: {  	[sflag:s16] =	ssyncadd.s32 $0xFFFFC000  }
0x71: {  	[spmem:s2] =	stream.indirect.scatter.add.f32 [tilespmem:s14], [sflag:$0x3], $0x80, s18, s12, $0xb8;
	[tilespmem:$0x1CC00] =	vst v63  }
0x72: {  	_ =	swait.ge [sflag:s10], $0x4000  }
0x73: {  	[sflag:s10] =	ssyncset.done $0x0  }
0x74: {  	[sflag:s10] =	ssyncadd.s32 $0xFFFFC000  }
0x75: {  	[tilespmem:s14], [sflag:$0x2] =	stream.indirect.gather [hbm4b:s4+s12], $0x80, s19, s12, $0xb8;
	[tilespmem:$0x1CC00] =	vst v63  }
0x76: {  	_ =	swait.ge [sflag:s15], $0x4000  }
0x77: {  	[sflag:s15] =	ssyncset.done $0x0  }
0x78: {  	[sflag:s15] =	ssyncadd.s32 $0xFFFFC000  }
0x79: {  	[spmem:s2] =	stream.indirect.scatter.add.f32 [tilespmem:s13], [sflag:$0x3], $0x80, s20, s12, $0xb8;
	[tilespmem:$0x1CC00] =	vst v63  }
0x7a: {  	_ =	swait.ge [sflag:s10], $0x4000  }
0x7b: {  	[sflag:s10] =	ssyncset.done $0x0  }
0x7c: {  	[sflag:s10] =	ssyncadd.s32 $0xFFFFC000  }
0x7d: {  	[tilespmem:s13], [sflag:$0x1] =	stream.indirect.gather [hbm4b:s4+s12], $0x80, s21, s12, $0xb8;
	[tilespmem:$0x1CC00] =	vst v63  }
0x7e: {  	_ =	swait.ge [sflag:s16], $0x4000  }
0x7f: {  	[sflag:s16] =	ssyncset.done $0x0  }
0x80: {  	[sflag:s16] =	ssyncadd.s32 $0xFFFFC000  }
0x81: {  	[spmem:s2] =	stream.indirect.scatter.add.f32 [tilespmem:s14], [sflag:$0x3], $0x80, s22, s12, $0xb8;
	[tilespmem:$0x1CC00] =	vst v63  }
0x82: {  	_ =	swait.ge [sflag:s10], $0x4000  }
0x83: {  	[sflag:s10] =	ssyncset.done $0x0  }
0x84: {  	[sflag:s10] =	ssyncadd.s32 $0xFFFFC000  }
0x85: {  	[tilespmem:s14], [sflag:$0x2] =	stream.indirect.gather [hbm4b:s4+s12], $0x80, s23, s12, $0xb8;
	[tilespmem:$0x1CC00] =	vst v63  }
0x86: {  	_ =	swait.ge [sflag:s15], $0x4000  }
0x87: {  	[sflag:s15] =	ssyncset.done $0x0  }
0x88: {  	[sflag:s15] =	ssyncadd.s32 $0xFFFFC000  }
0x89: {  	[spmem:s2] =	stream.indirect.scatter.add.f32 [tilespmem:s13], [sflag:$0x3], $0x80, s24, s12, $0xb8;
	[tilespmem:$0x1CC00] =	vst v63  }
0x8a: {  	_ =	swait.ge [sflag:s10], $0x4000  }
0x8b: {  	[sflag:s10] =	ssyncset.done $0x0  }
0x8c: {  	[sflag:s10] =	ssyncadd.s32 $0xFFFFC000  }
0x8d: {  	[tilespmem:s13], [sflag:$0x1] =	stream.indirect.gather [hbm4b:s4+s12], $0x80, s26, s12, $0xb8;
	[tilespmem:$0x1CC00] =	vst v63  }
0x8e: {  	_ =	swait.ge [sflag:s16], $0x4000  }
0x8f: {  	[sflag:s16] =	ssyncset.done $0x0  }
0x90: {  	[sflag:s16] =	ssyncadd.s32 $0xFFFFC000  }
0x91: {  	[spmem:s2] =	stream.indirect.scatter.add.f32 [tilespmem:s14], [sflag:$0x3], $0x80, s28, s12, $0xb8;
	[tilespmem:$0x1CC00] =	vst v63  }
0x92: {  	_ =	swait.ge [sflag:s10], $0x4000  }
0x93: {  	[sflag:s10] =	ssyncset.done $0x0  }
0x94: {  	[sflag:s10] =	ssyncadd.s32 $0xFFFFC000  }
0x95: {  	[tilespmem:s14], [sflag:$0x2] =	stream.indirect.gather [hbm4b:s4+s12], $0x80, s29, s12, $0xb8;
	[tilespmem:$0x1CC00] =	vst v63  }
0x96: {  	_ =	swait.ge [sflag:s15], $0x4000  }
0x97: {  	[sflag:s15] =	ssyncset.done $0x0  }
0x98: {  	[sflag:s15] =	ssyncadd.s32 $0xFFFFC000  }
0x99: {  	[spmem:s2] =	stream.indirect.scatter.add.f32 [tilespmem:s13], [sflag:$0x3], $0x80, s30, s12, $0xb8;
	[tilespmem:$0x1CC00] =	vst v63  }
0x9a: {  	_ =	swait.ge [sflag:s10], $0x4000  }
0x9b: {  	[sflag:s10] =	ssyncset.done $0x0  }
0x9c: {  	[sflag:s10] =	ssyncadd.s32 $0xFFFFC000  }
0x9d: {  	[tilespmem:s13], [sflag:$0x1] =	stream.indirect.gather [hbm4b:s4+s12], $0x80, s31, s12, $0xb8;
	[tilespmem:$0x1CC00] =	vst v63  }
0x9e: {  	_ =	swait.ge [sflag:s16], $0x4000  }
0x9f: {  	[sflag:s16] =	ssyncset.done $0x0  }
0xa0: {  	[sflag:s16] =	ssyncadd.s32 $0xFFFFC000  }
0xa1: {  	[spmem:s2] =	stream.indirect.scatter.add.f32 [tilespmem:s14], [sflag:$0x3], $0x80, s1, s12, $0xb8;
	[tilespmem:$0x1CC00] =	vst v63  }
0xa2: {  	_ =	swait.ge [sflag:s10], $0x4000  }
0xa3: {  	[sflag:s10] =	ssyncset.done $0x0  }
0xa4: {  	[sflag:s10] =	ssyncadd.s32 $0xFFFFC000  }
0xa5: {  	[tilespmem:s14], [sflag:$0x2] =	stream.indirect.gather [hbm4b:s4+s12], $0x80, s0, s12, $0xb8;
	[tilespmem:$0x1CC00] =	vst v63  }
0xa6: {  	_ =	swait.ge [sflag:s15], $0x4000  }
0xa7: {  	[sflag:s15] =	ssyncset.done $0x0  }
0xa8: {  	[sflag:s15] =	ssyncadd.s32 $0xFFFFC000  }
0xa9: {  	[spmem:s2] =	stream.indirect.scatter.add.f32 [tilespmem:s13], [sflag:$0x3], $0x80, s5, s12, $0xb8;
	[tilespmem:$0x1CC00] =	vst v63  }
0xaa: {  	_ =	swait.ge [sflag:s10], $0x4000  }
0xab: {  	[sflag:s10] =	ssyncset.done $0x0  }
0xac: {  	[sflag:s10] =	ssyncadd.s32 $0xFFFFC000  }
0xad: {  	_ =	swait.ge [sflag:s16], $0x4000  }
0xae: {  	[sflag:s16] =	ssyncset.done $0x0  }
0xaf: {  	[sflag:s16] =	ssyncadd.s32 $0xFFFFC000  }
0xb0: {  	[spmem:s2] =	stream.indirect.scatter.add.f32 [tilespmem:s14], [sflag:$0x3], $0x80, s7, s12, $0xb8;
	[tilespmem:$0x1CC00] =	vst v63  }
0xb1: {  	s9 =	simm.s32 $0x100;
	_ =	swait.ge [sflag:s10], $0x4000  }
0xb2: {  	s25 =	simm.s32 $0x200;
	s6 =	rddreg [dreg:$0x4];
	[sflag:s10] =	ssyncset.done $0x0  }
.LBB2_2:
0xb3: {  	[sflag:s10] =	ssyncadd.s32 $0xFFFFC000;
	s6 =	sadd.s32 s9, s6  }
0xb4: {  	[tilespmem:s3], [sflag:$0x3] =	stream.linear.gather [hbm4b:s6+s3], $0x800, $0x38;
	[tilespmem:$0x1CC00] =	vst v63  }
0xb5: {  	_ =	swait.ge [sflag:s10], $0x800  }
0xb6: {  	s6 =	rddreg [dreg:$0x3];
	[sflag:s10] =	ssyncset.done $0x0  }
0xb7: {  	[sflag:s10] =	ssyncadd.s32 $0xFFFFF800;
	s6 =	sadd.s32 s9, s6  }
0xb8: {  	[tilespmem:s11], [sflag:$0x3] =	stream.linear.gather [hbm4b:s6+s3], $0x800, $0x38;
	[tilespmem:$0x1CC00] =	vst v63  }
0xb9: {  	_ =	swait.ge [sflag:s10], $0x800  }
0xba: {  	[sflag:s10] =	ssyncset.done $0x0  }
0xbb: {  	[sflag:s10] =	ssyncadd.s32 $0xFFFFF800  }
0xbc: {  	[tilespmem:s13], [sflag:$0x1] =	stream.indirect.gather [hbm4b:s4+s12], $0x80, s3, s12, $0xb8;
	[tilespmem:$0x1CC00] =	vst v63  }
0xbd: {  	_ = 	snop  }
0xbe: {  	[tilespmem:s14], [sflag:$0x2] =	stream.indirect.gather [hbm4b:s4+s12], $0x80, s12, s12, $0xb8;
	[tilespmem:$0x1CC00] =	vst v63  }
0xbf: {  	_ =	swait.ge [sflag:s15], $0x4000  }
0xc0: {  	[sflag:s15] =	ssyncset.done $0x0  }
0xc1: {  	[sflag:s15] =	ssyncadd.s32 $0xFFFFC000  }
0xc2: {  	[spmem:s2] =	stream.indirect.scatter.add.f32 [tilespmem:s13], [sflag:$0x3], $0x80, s11, s12, $0xb8;
	[tilespmem:$0x1CC00] =	vst v63  }
0xc3: {  	_ =	swait.ge [sflag:s10], $0x4000  }
0xc4: {  	s8 =	smov.u32 s25;
	[sflag:s10] =	ssyncset.done $0x0  }
0xc5: {  	s9 =	smov.u32 s8;
	s8 =	rddreg [dreg:$0x5];
	[sflag:s10] =	ssyncadd.s32 $0xFFFFC000  }
0xc6: {  	[tilespmem:s13], [sflag:$0x1] =	stream.indirect.gather [hbm4b:s4+s12], $0x80, s8, s12, $0xb8;
	[tilespmem:$0x1CC00] =	vst v63  }
0xc7: {  	_ =	swait.ge [sflag:s16], $0x4000  }
0xc8: {  	[sflag:s16] =	ssyncset.done $0x0  }
0xc9: {  	s8 =	rddreg [dreg:$0x6];
	[sflag:s16] =	ssyncadd.s32 $0xFFFFC000  }
0xca: {  	[spmem:s2] =	stream.indirect.scatter.add.f32 [tilespmem:s14], [sflag:$0x3], $0x80, s8, s12, $0xb8;
	[tilespmem:$0x1CC00] =	vst v63  }
0xcb: {  	_ =	swait.ge [sflag:s10], $0x4000  }
0xcc: {  	[sflag:s10] =	ssyncset.done $0x0  }
0xcd: {  	s8 =	rddreg [dreg:$0x7];
	[sflag:s10] =	ssyncadd.s32 $0xFFFFC000  }
0xce: {  	[tilespmem:s14], [sflag:$0x2] =	stream.indirect.gather [hbm4b:s4+s12], $0x80, s8, s12, $0xb8;
	[tilespmem:$0x1CC00] =	vst v63  }
0xcf: {  	_ =	swait.ge [sflag:s15], $0x4000  }
0xd0: {  	[sflag:s15] =	ssyncset.done $0x0  }
0xd1: {  	s8 =	rddreg [dreg:$0x8];
	[sflag:s15] =	ssyncadd.s32 $0xFFFFC000  }
0xd2: {  	[spmem:s2] =	stream.indirect.scatter.add.f32 [tilespmem:s13], [sflag:$0x3], $0x80, s8, s12, $0xb8;
	[tilespmem:$0x1CC00] =	vst v63  }
0xd3: {  	_ =	swait.ge [sflag:s10], $0x4000  }
0xd4: {  	[sflag:s10] =	ssyncset.done $0x0  }
0xd5: {  	s8 =	rddreg [dreg:$0x9];
	[sflag:s10] =	ssyncadd.s32 $0xFFFFC000  }
0xd6: {  	[tilespmem:s13], [sflag:$0x1] =	stream.indirect.gather [hbm4b:s4+s12], $0x80, s8, s12, $0xb8;
	[tilespmem:$0x1CC00] =	vst v63  }
0xd7: {  	_ =	swait.ge [sflag:s16], $0x4000  }
0xd8: {  	[sflag:s16] =	ssyncset.done $0x0  }
0xd9: {  	s8 =	rddreg [dreg:$0xa];
	[sflag:s16] =	ssyncadd.s32 $0xFFFFC000  }
0xda: {  	[spmem:s2] =	stream.indirect.scatter.add.f32 [tilespmem:s14], [sflag:$0x3], $0x80, s8, s12, $0xb8;
	[tilespmem:$0x1CC00] =	vst v63  }
0xdb: {  	_ =	swait.ge [sflag:s10], $0x4000  }
0xdc: {  	[sflag:s10] =	ssyncset.done $0x0  }
0xdd: {  	s8 =	rddreg [dreg:$0xb];
	[sflag:s10] =	ssyncadd.s32 $0xFFFFC000  }
0xde: {  	[tilespmem:s14], [sflag:$0x2] =	stream.indirect.gather [hbm4b:s4+s12], $0x80, s8, s12, $0xb8;
	[tilespmem:$0x1CC00] =	vst v63  }
0xdf: {  	_ =	swait.ge [sflag:s15], $0x4000  }
0xe0: {  	[sflag:s15] =	ssyncset.done $0x0  }
0xe1: {  	s8 =	rddreg [dreg:$0xc];
	[sflag:s15] =	ssyncadd.s32 $0xFFFFC000  }
0xe2: {  	[spmem:s2] =	stream.indirect.scatter.add.f32 [tilespmem:s13], [sflag:$0x3], $0x80, s8, s12, $0xb8;
	[tilespmem:$0x1CC00] =	vst v63  }
0xe3: {  	_ =	swait.ge [sflag:s10], $0x4000  }
0xe4: {  	[sflag:s10] =	ssyncset.done $0x0  }
0xe5: {  	s8 =	rddreg [dreg:$0xd];
	[sflag:s10] =	ssyncadd.s32 $0xFFFFC000  }
0xe6: {  	[tilespmem:s13], [sflag:$0x1] =	stream.indirect.gather [hbm4b:s4+s12], $0x80, s8, s12, $0xb8;
	[tilespmem:$0x1CC00] =	vst v63  }
0xe7: {  	_ =	swait.ge [sflag:s16], $0x4000  }
0xe8: {  	[sflag:s16] =	ssyncset.done $0x0  }
0xe9: {  	s8 =	rddreg [dreg:$0xe];
	[sflag:s16] =	ssyncadd.s32 $0xFFFFC000  }
0xea: {  	[spmem:s2] =	stream.indirect.scatter.add.f32 [tilespmem:s14], [sflag:$0x3], $0x80, s8, s12, $0xb8;
	[tilespmem:$0x1CC00] =	vst v63  }
0xeb: {  	_ =	swait.ge [sflag:s10], $0x4000  }
0xec: {  	[sflag:s10] =	ssyncset.done $0x0  }
0xed: {  	s8 =	rddreg [dreg:$0xf];
	[sflag:s10] =	ssyncadd.s32 $0xFFFFC000  }
0xee: {  	[tilespmem:s14], [sflag:$0x2] =	stream.indirect.gather [hbm4b:s4+s12], $0x80, s8, s12, $0xb8;
	[tilespmem:$0x1CC00] =	vst v63  }
0xef: {  	_ =	swait.ge [sflag:s15], $0x4000  }
0xf0: {  	[sflag:s15] =	ssyncset.done $0x0  }
0xf1: {  	s8 =	rddreg [dreg:$0x10];
	[sflag:s15] =	ssyncadd.s32 $0xFFFFC000  }
0xf2: {  	[spmem:s2] =	stream.indirect.scatter.add.f32 [tilespmem:s13], [sflag:$0x3], $0x80, s8, s12, $0xb8;
	[tilespmem:$0x1CC00] =	vst v63  }
0xf3: {  	_ =	swait.ge [sflag:s10], $0x4000  }
0xf4: {  	[sflag:s10] =	ssyncset.done $0x0  }
0xf5: {  	[sflag:s10] =	ssyncadd.s32 $0xFFFFC000  }
0xf6: {  	[tilespmem:s13], [sflag:$0x1] =	stream.indirect.gather [hbm4b:s4+s12], $0x80, s17, s12, $0xb8;
	[tilespmem:$0x1CC00] =	vst v63  }
0xf7: {  	_ =	swait.ge [sflag:s16], $0x4000  }
0xf8: {  	[sflag:s16] =	ssyncset.done $0x0  }
0xf9: {  	[sflag:s16] =	ssyncadd.s32 $0xFFFFC000  }
0xfa: {  	[spmem:s2] =	stream.indirect.scatter.add.f32 [tilespmem:s14], [sflag:$0x3], $0x80, s18, s12, $0xb8;
	[tilespmem:$0x1CC00] =	vst v63  }
0xfb: {  	_ =	swait.ge [sflag:s10], $0x4000  }
0xfc: {  	[sflag:s10] =	ssyncset.done $0x0  }
0xfd: {  	[sflag:s10] =	ssyncadd.s32 $0xFFFFC000  }
0xfe: {  	[tilespmem:s14], [sflag:$0x2] =	stream.indirect.gather [hbm4b:s4+s12], $0x80, s19, s12, $0xb8;
	[tilespmem:$0x1CC00] =	vst v63  }
0xff: {  	_ =	swait.ge [sflag:s15], $0x4000  }
0x100: {  	[sflag:s15] =	ssyncset.done $0x0  }
0x101: {  	[sflag:s15] =	ssyncadd.s32 $0xFFFFC000  }
0x102: {  	[spmem:s2] =	stream.indirect.scatter.add.f32 [tilespmem:s13], [sflag:$0x3], $0x80, s20, s12, $0xb8;
	[tilespmem:$0x1CC00] =	vst v63  }
0x103: {  	_ =	swait.ge [sflag:s10], $0x4000  }
0x104: {  	[sflag:s10] =	ssyncset.done $0x0  }
0x105: {  	[sflag:s10] =	ssyncadd.s32 $0xFFFFC000  }
0x106: {  	[tilespmem:s13], [sflag:$0x1] =	stream.indirect.gather [hbm4b:s4+s12], $0x80, s21, s12, $0xb8;
	[tilespmem:$0x1CC00] =	vst v63  }
0x107: {  	_ =	swait.ge [sflag:s16], $0x4000  }
0x108: {  	[sflag:s16] =	ssyncset.done $0x0  }
0x109: {  	[sflag:s16] =	ssyncadd.s32 $0xFFFFC000  }
0x10a: {  	[spmem:s2] =	stream.indirect.scatter.add.f32 [tilespmem:s14], [sflag:$0x3], $0x80, s22, s12, $0xb8;
	[tilespmem:$0x1CC00] =	vst v63  }
0x10b: {  	_ =	swait.ge [sflag:s10], $0x4000  }
0x10c: {  	[sflag:s10] =	ssyncset.done $0x0  }
0x10d: {  	[sflag:s10] =	ssyncadd.s32 $0xFFFFC000  }
0x10e: {  	[tilespmem:s14], [sflag:$0x2] =	stream.indirect.gather [hbm4b:s4+s12], $0x80, s23, s12, $0xb8;
	[tilespmem:$0x1CC00] =	vst v63  }
0x10f: {  	_ =	swait.ge [sflag:s15], $0x4000  }
0x110: {  	[sflag:s15] =	ssyncset.done $0x0  }
0x111: {  	[sflag:s15] =	ssyncadd.s32 $0xFFFFC000  }
0x112: {  	[spmem:s2] =	stream.indirect.scatter.add.f32 [tilespmem:s13], [sflag:$0x3], $0x80, s24, s12, $0xb8;
	[tilespmem:$0x1CC00] =	vst v63  }
0x113: {  	_ =	swait.ge [sflag:s10], $0x4000  }
0x114: {  	[sflag:s10] =	ssyncset.done $0x0  }
0x115: {  	[sflag:s10] =	ssyncadd.s32 $0xFFFFC000  }
0x116: {  	[tilespmem:s13], [sflag:$0x1] =	stream.indirect.gather [hbm4b:s4+s12], $0x80, s26, s12, $0xb8;
	[tilespmem:$0x1CC00] =	vst v63  }
0x117: {  	_ =	swait.ge [sflag:s16], $0x4000  }
0x118: {  	[sflag:s16] =	ssyncset.done $0x0  }
0x119: {  	[sflag:s16] =	ssyncadd.s32 $0xFFFFC000  }
0x11a: {  	[spmem:s2] =	stream.indirect.scatter.add.f32 [tilespmem:s14], [sflag:$0x3], $0x80, s28, s12, $0xb8;
	[tilespmem:$0x1CC00] =	vst v63  }
0x11b: {  	_ =	swait.ge [sflag:s10], $0x4000  }
0x11c: {  	[sflag:s10] =	ssyncset.done $0x0  }
0x11d: {  	[sflag:s10] =	ssyncadd.s32 $0xFFFFC000  }
0x11e: {  	[tilespmem:s14], [sflag:$0x2] =	stream.indirect.gather [hbm4b:s4+s12], $0x80, s29, s12, $0xb8;
	[tilespmem:$0x1CC00] =	vst v63  }
0x11f: {  	_ =	swait.ge [sflag:s15], $0x4000  }
0x120: {  	[sflag:s15] =	ssyncset.done $0x0  }
0x121: {  	[sflag:s15] =	ssyncadd.s32 $0xFFFFC000  }
0x122: {  	[spmem:s2] =	stream.indirect.scatter.add.f32 [tilespmem:s13], [sflag:$0x3], $0x80, s30, s12, $0xb8;
	[tilespmem:$0x1CC00] =	vst v63  }
0x123: {  	_ =	swait.ge [sflag:s10], $0x4000  }
0x124: {  	[sflag:s10] =	ssyncset.done $0x0  }
0x125: {  	[sflag:s10] =	ssyncadd.s32 $0xFFFFC000  }
0x126: {  	[tilespmem:s13], [sflag:$0x1] =	stream.indirect.gather [hbm4b:s4+s12], $0x80, s31, s12, $0xb8;
	[tilespmem:$0x1CC00] =	vst v63  }
0x127: {  	_ =	swait.ge [sflag:s16], $0x4000  }
0x128: {  	[sflag:s16] =	ssyncset.done $0x0  }
0x129: {  	[sflag:s16] =	ssyncadd.s32 $0xFFFFC000  }
0x12a: {  	[spmem:s2] =	stream.indirect.scatter.add.f32 [tilespmem:s14], [sflag:$0x3], $0x80, s1, s12, $0xb8;
	[tilespmem:$0x1CC00] =	vst v63  }
0x12b: {  	_ =	swait.ge [sflag:s10], $0x4000  }
0x12c: {  	[sflag:s10] =	ssyncset.done $0x0  }
0x12d: {  	[sflag:s10] =	ssyncadd.s32 $0xFFFFC000  }
0x12e: {  	[tilespmem:s14], [sflag:$0x2] =	stream.indirect.gather [hbm4b:s4+s12], $0x80, s0, s12, $0xb8;
	[tilespmem:$0x1CC00] =	vst v63  }
0x12f: {  	_ =	swait.ge [sflag:s15], $0x4000  }
0x130: {  	[sflag:s15] =	ssyncset.done $0x0  }
0x131: {  	[sflag:s15] =	ssyncadd.s32 $0xFFFFC000  }
0x132: {  	[spmem:s2] =	stream.indirect.scatter.add.f32 [tilespmem:s13], [sflag:$0x3], $0x80, s5, s12, $0xb8;
	[tilespmem:$0x1CC00] =	vst v63  }
0x133: {  	_ =	swait.ge [sflag:s10], $0x4000  }
0x134: {  	[sflag:s10] =	ssyncset.done $0x0  }
0x135: {  	[sflag:s10] =	ssyncadd.s32 $0xFFFFC000  }
0x136: {  	p0 =	sne.s32 s25, $0x400;
	_ =	swait.ge [sflag:s16], $0x4000  }
.Ltmp0:
0x137: {  	[sflag:s16] =	ssyncset.done $0x0;
	(pc) =	sbr.rel @p0 .LBB2_2-.Ltmp0, $4  }
0x138: {  	[sflag:s16] =	ssyncadd.s32 $0xFFFFC000  }
0x139: {  	[spmem:s2] =	stream.indirect.scatter.add.f32 [tilespmem:s14], [sflag:$0x3], $0x80, s7, s12, $0xb8;
	[tilespmem:$0x1CC00] =	vst v63  }
0x13a: {  	_ =	swait.ge [sflag:s10], $0x4000  }
0x13b: {  	s25 =	sadd.s32 $0x100, s25;
	s6 =	rddreg [dreg:$0x4];
	[sflag:s10] =	ssyncset.done $0x0  }
0x13c: {  	[sflag:s10] =	ssyncadd.s32 $0xFFFFC000;
	s6 =	sadd.s32 s9, s6  }
0x13d: {  	[tilespmem:s3], [sflag:$0x3] =	stream.linear.gather [hbm4b:s6+s3], $0x800, $0x38;
	[tilespmem:$0x1CC00] =	vst v63  }
0x13e: {  	_ =	swait.ge [sflag:s10], $0x800  }
0x13f: {  	s8 =	rddreg [dreg:$0x3];
	[sflag:s10] =	ssyncset.done $0x0  }
0x140: {  	s6 =	sadd.s32 s9, s8;
	[sflag:s10] =	ssyncadd.s32 $0xFFFFF800  }
0x141: {  	[tilespmem:s11], [sflag:$0x3] =	stream.linear.gather [hbm4b:s6+s3], $0x800, $0x38;
	[tilespmem:$0x1CC00] =	vst v63  }
0x142: {  	_ =	swait.ge [sflag:s10], $0x800  }
0x143: {  	[sflag:s10] =	ssyncset.done $0x0  }
0x144: {  	[sflag:s10] =	ssyncadd.s32 $0xFFFFF800  }
0x145: {  	[tilespmem:s13], [sflag:$0x1] =	stream.indirect.gather [hbm4b:s4+s12], $0x80, s3, s12, $0xb8;
	[tilespmem:$0x1CC00] =	vst v63  }
0x146: {  	_ = 	snop  }
0x147: {  	[tilespmem:s14], [sflag:$0x2] =	stream.indirect.gather [hbm4b:s4+s12], $0x80, s12, s12, $0xb8;
	[tilespmem:$0x1CC00] =	vst v63  }
0x148: {  	_ =	swait.ge [sflag:s15], $0x4000  }
0x149: {  	[sflag:s15] =	ssyncset.done $0x0  }
0x14a: {  	[sflag:s15] =	ssyncadd.s32 $0xFFFFC000  }
0x14b: {  	[spmem:s2] =	stream.indirect.scatter.add.f32 [tilespmem:s13], [sflag:$0x3], $0x80, s11, s12, $0xb8;
	[tilespmem:$0x1CC00] =	vst v63  }
0x14c: {  	_ =	swait.ge [sflag:s10], $0x4000  }
0x14d: {  	[sflag:s10] =	ssyncset.done $0x0  }
0x14e: {  	s9 =	rddreg [dreg:$0x5];
	[sflag:s10] =	ssyncadd.s32 $0xFFFFC000  }
0x14f: {  	[tilespmem:s13], [sflag:$0x1] =	stream.indirect.gather [hbm4b:s4+s12], $0x80, s9, s12, $0xb8;
	[tilespmem:$0x1CC00] =	vst v63  }
0x150: {  	_ =	swait.ge [sflag:s16], $0x4000  }
0x151: {  	[sflag:s16] =	ssyncset.done $0x0  }
0x152: {  	s25 =	rddreg [dreg:$0x6];
	[sflag:s16] =	ssyncadd.s32 $0xFFFFC000  }
0x153: {  	[spmem:s2] =	stream.indirect.scatter.add.f32 [tilespmem:s14], [sflag:$0x3], $0x80, s25, s12, $0xb8;
	[tilespmem:$0x1CC00] =	vst v63  }
0x154: {  	_ =	swait.ge [sflag:s10], $0x4000  }
0x155: {  	[sflag:s10] =	ssyncset.done $0x0  }
0x156: {  	s8 =	rddreg [dreg:$0x7];
	[sflag:s10] =	ssyncadd.s32 $0xFFFFC000  }
0x157: {  	[tilespmem:s14], [sflag:$0x2] =	stream.indirect.gather [hbm4b:s4+s12], $0x80, s8, s12, $0xb8;
	[tilespmem:$0x1CC00] =	vst v63  }
0x158: {  	_ =	swait.ge [sflag:s15], $0x4000  }
0x159: {  	[sflag:s15] =	ssyncset.done $0x0  }
0x15a: {  	s9 =	rddreg [dreg:$0x8];
	[sflag:s15] =	ssyncadd.s32 $0xFFFFC000  }
0x15b: {  	[spmem:s2] =	stream.indirect.scatter.add.f32 [tilespmem:s13], [sflag:$0x3], $0x80, s9, s12, $0xb8;
	[tilespmem:$0x1CC00] =	vst v63  }
0x15c: {  	_ =	swait.ge [sflag:s10], $0x4000  }
0x15d: {  	[sflag:s10] =	ssyncset.done $0x0  }
0x15e: {  	s25 =	rddreg [dreg:$0x9];
	[sflag:s10] =	ssyncadd.s32 $0xFFFFC000  }
0x15f: {  	[tilespmem:s13], [sflag:$0x1] =	stream.indirect.gather [hbm4b:s4+s12], $0x80, s25, s12, $0xb8;
	[tilespmem:$0x1CC00] =	vst v63  }
0x160: {  	_ =	swait.ge [sflag:s16], $0x4000  }
0x161: {  	[sflag:s16] =	ssyncset.done $0x0  }
0x162: {  	s8 =	rddreg [dreg:$0xa];
	[sflag:s16] =	ssyncadd.s32 $0xFFFFC000  }
0x163: {  	[spmem:s2] =	stream.indirect.scatter.add.f32 [tilespmem:s14], [sflag:$0x3], $0x80, s8, s12, $0xb8;
	[tilespmem:$0x1CC00] =	vst v63  }
0x164: {  	_ =	swait.ge [sflag:s10], $0x4000  }
0x165: {  	[sflag:s10] =	ssyncset.done $0x0  }
0x166: {  	s9 =	rddreg [dreg:$0xb];
	[sflag:s10] =	ssyncadd.s32 $0xFFFFC000  }
0x167: {  	[tilespmem:s14], [sflag:$0x2] =	stream.indirect.gather [hbm4b:s4+s12], $0x80, s9, s12, $0xb8;
	[tilespmem:$0x1CC00] =	vst v63  }
0x168: {  	_ =	swait.ge [sflag:s15], $0x4000  }
0x169: {  	[sflag:s15] =	ssyncset.done $0x0  }
0x16a: {  	s25 =	rddreg [dreg:$0xc];
	[sflag:s15] =	ssyncadd.s32 $0xFFFFC000  }
0x16b: {  	[spmem:s2] =	stream.indirect.scatter.add.f32 [tilespmem:s13], [sflag:$0x3], $0x80, s25, s12, $0xb8;
	[tilespmem:$0x1CC00] =	vst v63  }
0x16c: {  	_ =	swait.ge [sflag:s10], $0x4000  }
0x16d: {  	[sflag:s10] =	ssyncset.done $0x0  }
0x16e: {  	s8 =	rddreg [dreg:$0xd];
	[sflag:s10] =	ssyncadd.s32 $0xFFFFC000  }
0x16f: {  	[tilespmem:s13], [sflag:$0x1] =	stream.indirect.gather [hbm4b:s4+s12], $0x80, s8, s12, $0xb8;
	[tilespmem:$0x1CC00] =	vst v63  }
0x170: {  	_ =	swait.ge [sflag:s16], $0x4000  }
0x171: {  	[sflag:s16] =	ssyncset.done $0x0  }
0x172: {  	s9 =	rddreg [dreg:$0xe];
	[sflag:s16] =	ssyncadd.s32 $0xFFFFC000  }
0x173: {  	[spmem:s2] =	stream.indirect.scatter.add.f32 [tilespmem:s14], [sflag:$0x3], $0x80, s9, s12, $0xb8;
	[tilespmem:$0x1CC00] =	vst v63  }
0x174: {  	_ =	swait.ge [sflag:s10], $0x4000  }
0x175: {  	[sflag:s10] =	ssyncset.done $0x0  }
0x176: {  	s25 =	rddreg [dreg:$0xf];
	[sflag:s10] =	ssyncadd.s32 $0xFFFFC000  }
0x177: {  	[tilespmem:s14], [sflag:$0x2] =	stream.indirect.gather [hbm4b:s4+s12], $0x80, s25, s12, $0xb8;
	[tilespmem:$0x1CC00] =	vst v63  }
0x178: {  	_ =	swait.ge [sflag:s15], $0x4000  }
0x179: {  	[sflag:s15] =	ssyncset.done $0x0  }
0x17a: {  	s8 =	rddreg [dreg:$0x10];
	[sflag:s15] =	ssyncadd.s32 $0xFFFFC000  }
0x17b: {  	[spmem:s2] =	stream.indirect.scatter.add.f32 [tilespmem:s13], [sflag:$0x3], $0x80, s8, s12, $0xb8;
	[tilespmem:$0x1CC00] =	vst v63  }
0x17c: {  	_ =	swait.ge [sflag:s10], $0x4000  }
0x17d: {  	[sflag:s10] =	ssyncset.done $0x0  }
0x17e: {  	[sflag:s10] =	ssyncadd.s32 $0xFFFFC000  }
0x17f: {  	[tilespmem:s13], [sflag:$0x1] =	stream.indirect.gather [hbm4b:s4+s12], $0x80, s17, s12, $0xb8;
	[tilespmem:$0x1CC00] =	vst v63  }
0x180: {  	_ =	swait.ge [sflag:s16], $0x4000  }
0x181: {  	[sflag:s16] =	ssyncset.done $0x0  }
0x182: {  	[sflag:s16] =	ssyncadd.s32 $0xFFFFC000  }
0x183: {  	[spmem:s2] =	stream.indirect.scatter.add.f32 [tilespmem:s14], [sflag:$0x3], $0x80, s18, s12, $0xb8;
	[tilespmem:$0x1CC00] =	vst v63  }
0x184: {  	_ =	swait.ge [sflag:s10], $0x4000  }
0x185: {  	[sflag:s10] =	ssyncset.done $0x0  }
0x186: {  	[sflag:s10] =	ssyncadd.s32 $0xFFFFC000  }
0x187: {  	[tilespmem:s14], [sflag:$0x2] =	stream.indirect.gather [hbm4b:s4+s12], $0x80, s19, s12, $0xb8;
	[tilespmem:$0x1CC00] =	vst v63  }
0x188: {  	_ =	swait.ge [sflag:s15], $0x4000  }
0x189: {  	[sflag:s15] =	ssyncset.done $0x0  }
0x18a: {  	[sflag:s15] =	ssyncadd.s32 $0xFFFFC000  }
0x18b: {  	[spmem:s2] =	stream.indirect.scatter.add.f32 [tilespmem:s13], [sflag:$0x3], $0x80, s20, s12, $0xb8;
	[tilespmem:$0x1CC00] =	vst v63  }
0x18c: {  	_ =	swait.ge [sflag:s10], $0x4000  }
0x18d: {  	[sflag:s10] =	ssyncset.done $0x0  }
0x18e: {  	[sflag:s10] =	ssyncadd.s32 $0xFFFFC000  }
0x18f: {  	[tilespmem:s13], [sflag:$0x1] =	stream.indirect.gather [hbm4b:s4+s12], $0x80, s21, s12, $0xb8;
	[tilespmem:$0x1CC00] =	vst v63  }
0x190: {  	_ =	swait.ge [sflag:s16], $0x4000  }
0x191: {  	[sflag:s16] =	ssyncset.done $0x0  }
0x192: {  	[sflag:s16] =	ssyncadd.s32 $0xFFFFC000  }
0x193: {  	[spmem:s2] =	stream.indirect.scatter.add.f32 [tilespmem:s14], [sflag:$0x3], $0x80, s22, s12, $0xb8;
	[tilespmem:$0x1CC00] =	vst v63  }
0x194: {  	_ =	swait.ge [sflag:s10], $0x4000  }
0x195: {  	[sflag:s10] =	ssyncset.done $0x0  }
0x196: {  	[sflag:s10] =	ssyncadd.s32 $0xFFFFC000  }
0x197: {  	[tilespmem:s14], [sflag:$0x2] =	stream.indirect.gather [hbm4b:s4+s12], $0x80, s23, s12, $0xb8;
	[tilespmem:$0x1CC00] =	vst v63  }
0x198: {  	_ =	swait.ge [sflag:s15], $0x4000  }
0x199: {  	[sflag:s15] =	ssyncset.done $0x0  }
0x19a: {  	[sflag:s15] =	ssyncadd.s32 $0xFFFFC000  }
0x19b: {  	[spmem:s2] =	stream.indirect.scatter.add.f32 [tilespmem:s13], [sflag:$0x3], $0x80, s24, s12, $0xb8;
	[tilespmem:$0x1CC00] =	vst v63  }
0x19c: {  	_ =	swait.ge [sflag:s10], $0x4000  }
0x19d: {  	[sflag:s10] =	ssyncset.done $0x0  }
0x19e: {  	[sflag:s10] =	ssyncadd.s32 $0xFFFFC000  }
0x19f: {  	[tilespmem:s13], [sflag:$0x1] =	stream.indirect.gather [hbm4b:s4+s12], $0x80, s26, s12, $0xb8;
	[tilespmem:$0x1CC00] =	vst v63  }
0x1a0: {  	_ =	swait.ge [sflag:s16], $0x4000  }
0x1a1: {  	[sflag:s16] =	ssyncset.done $0x0  }
0x1a2: {  	[sflag:s16] =	ssyncadd.s32 $0xFFFFC000  }
0x1a3: {  	[spmem:s2] =	stream.indirect.scatter.add.f32 [tilespmem:s14], [sflag:$0x3], $0x80, s28, s12, $0xb8;
	[tilespmem:$0x1CC00] =	vst v63  }
0x1a4: {  	_ =	swait.ge [sflag:s10], $0x4000  }
0x1a5: {  	[sflag:s10] =	ssyncset.done $0x0  }
0x1a6: {  	[sflag:s10] =	ssyncadd.s32 $0xFFFFC000  }
0x1a7: {  	[tilespmem:s14], [sflag:$0x2] =	stream.indirect.gather [hbm4b:s4+s12], $0x80, s29, s12, $0xb8;
	[tilespmem:$0x1CC00] =	vst v63  }
0x1a8: {  	_ =	swait.ge [sflag:s15], $0x4000  }
0x1a9: {  	[sflag:s15] =	ssyncset.done $0x0  }
0x1aa: {  	[sflag:s15] =	ssyncadd.s32 $0xFFFFC000  }
0x1ab: {  	[spmem:s2] =	stream.indirect.scatter.add.f32 [tilespmem:s13], [sflag:$0x3], $0x80, s30, s12, $0xb8;
	[tilespmem:$0x1CC00] =	vst v63  }
0x1ac: {  	_ =	swait.ge [sflag:s10], $0x4000  }
0x1ad: {  	[sflag:s10] =	ssyncset.done $0x0  }
0x1ae: {  	[sflag:s10] =	ssyncadd.s32 $0xFFFFC000  }
0x1af: {  	[tilespmem:s13], [sflag:$0x1] =	stream.indirect.gather [hbm4b:s4+s12], $0x80, s31, s12, $0xb8;
	[tilespmem:$0x1CC00] =	vst v63  }
0x1b0: {  	_ =	swait.ge [sflag:s16], $0x4000  }
0x1b1: {  	[sflag:s16] =	ssyncset.done $0x0  }
0x1b2: {  	[sflag:s16] =	ssyncadd.s32 $0xFFFFC000  }
0x1b3: {  	[spmem:s2] =	stream.indirect.scatter.add.f32 [tilespmem:s14], [sflag:$0x3], $0x80, s1, s12, $0xb8;
	[tilespmem:$0x1CC00] =	vst v63  }
0x1b4: {  	_ =	swait.ge [sflag:s10], $0x4000  }
0x1b5: {  	[sflag:s10] =	ssyncset.done $0x0  }
0x1b6: {  	[sflag:s10] =	ssyncadd.s32 $0xFFFFC000  }
0x1b7: {  	[tilespmem:s14], [sflag:$0x2] =	stream.indirect.gather [hbm4b:s4+s12], $0x80, s0, s12, $0xb8;
	[tilespmem:$0x1CC00] =	vst v63  }
0x1b8: {  	_ =	swait.ge [sflag:s15], $0x4000  }
0x1b9: {  	[sflag:s15] =	ssyncset.done $0x0  }
0x1ba: {  	[sflag:s15] =	ssyncadd.s32 $0xFFFFC000  }
0x1bb: {  	[spmem:s2] =	stream.indirect.scatter.add.f32 [tilespmem:s13], [sflag:$0x3], $0x80, s5, s12, $0xb8;
	[tilespmem:$0x1CC00] =	vst v63  }
0x1bc: {  	_ =	swait.ge [sflag:s10], $0x4000  }
0x1bd: {  	[sflag:s10] =	ssyncset.done $0x0  }
0x1be: {  	[sflag:s10] =	ssyncadd.s32 $0xFFFFC000  }
0x1bf: {  	_ =	swait.ge [sflag:s16], $0x4000  }
0x1c0: {  	[sflag:s16] =	ssyncset.done $0x0  }
0x1c1: {  	[sflag:s16] =	ssyncadd.s32 $0xFFFFC000  }
0x1c2: {  	[spmem:s2] =	stream.indirect.scatter.add.f32 [tilespmem:s14], [sflag:$0x3], $0x80, s7, s12, $0xb8;
	[tilespmem:$0x1CC00] =	vst v63  }
0x1c3: {  	_ =	swait.ge [sflag:s10], $0x4000  }
0x1c4: {  	[sflag:s10] =	ssyncset.done $0x0  }
0x1c5: {  	[sflag:s10] =	ssyncadd.s32 $0xFFFFC000  }
0x1c6: {  	[bflag:$0x0] =	sbarrier.arrive $0xFFFF  }
0x1c7: {  	s8 =	rddreg [dreg:$0x12]  }
0x1c8: {  	s9 =	rddreg [dreg:$0x13]  }
0x1c9: {  	s25 =	rddreg [dreg:$0x16]  }
0x1ca: {  	[hbm:s9], [sflag:s8] =	dma.local [spmem:s25], $0x2780  }
0x1cb: {  	_ =	swait.ge [sflag:s10], $0x2780  }
0x1cc: {  	s6 =	rddreg [dreg:$0x17]  }
0x1cd: {  	s25 =	rddreg [dreg:$0x14];
	s9 =	sadd.s32 $0x1, s6  }
0x1ce: {  	p0 =	sne.s32 s9, s25  }
.Ltmp1:
0x1cf: {  	_ = 	snop;
	(pc) =	sbr.rel @p0 .LBB2_1-.Ltmp1, $3  }
0x1d0: {  	_ =	sdelay $0x1  }
0x1d1: {  	[sflag:s10] =	ssyncset.done $0x0  }
0x1d2: {  	[sflag:s10] =	ssyncadd.s32 $0xFFFFD880  }
0x1d3: {  	_ =	sfence.sel $0x180000  }
0x1d4: {  	[bflag:$0x0] =	sbarrier.arrive $0xFFFF  }
0x1d5: {  	_ =	strace $0x9000004D  }
0x1d6: {  	s0 =	stileid.u32;
	[bflag:$0x2] =	sbarrier.arrive $0xFFFF  }
0x1d7: {  	p0 =	sne.s32 s0, $0x0;
	s0 =	rddreg [dreg:$0x2]  }
0x1d8: {  	s0 =	sadd.s32 @!p0 $0x100000, s0  }
0x1d9: {  	[sflag:s0] =	ssyncadd.tile.s32 @!p0 $0x1;
	_ =	shalt  }
.Lfunc_end2:
_tile_overlayer_lowered:
.L_overlay_start_2:
0x1da: {  	(tag) =	ssettag $0x2  }
0x1db: {  	s0 =	rddreg [dreg:$0x0];
	s2 =	stileid.u32  }
0x1dc: {  	s1 =	rddreg [dreg:$0x1];
	p0 =	sne.s32 s2, $0x0  }
0x1dd: {  	s3 =	rddreg [dreg:$0x2];
	[bflag:$0x3] =	sbarrier.arrive $0xFFFF;
	s2 =	simm.s32 @!p0 $0x1C03  }
0x1de: {  	[timem:s3], [sflag:s2] =	dma.local @!p0 [hbm:s0], s1  }
0x1df: {  	s0 =	simm.s32 @!p0 $0x3  }
0x1e0: {  	_ =	swait.ge @!p0 [sflag:s0], s1  }
0x1e1: {  	s1 =	ssub.s32 @!p0 $0x0, s1;
	[sflag:s0] =	ssyncset.done @!p0 $0x0  }
0x1e2: {  	[sflag:s0] =	ssyncadd.s32 @!p0 s1  }
0x1e3: {  	[bflag:$0x3] =	sbarrier.arrive $0xFFFF  }
0x1e4: {  	_ =	shalt  }

// kernel: kernel.8.cloned.1.call-start
scs
__scs_entry_jumppad:
0x0: {  	(pc) =	sbr.rel $0x88, $3  }
0x1: {  	(tag) =	ssettag $0x0;
	lr =	simm.s32 $0x1  }
0x2: {  	[smem:$0x3F93] =	sst lr;
	_ =	strace $0xD0000000  }
0x3: {  	_ = 	snop  }
0x4: {  	_ = 	snop  }
0x5: {  	_ = 	snop  }
0x6: {  	_ = 	snop  }
0x7: {  	_ = 	snop  }
__scs_overlays_trampoline_lowered:
0x8: {  	[smem:$0x3FA2] =	sst s0  }
0x9: {  	[smem:$0x3FA3] =	sst s1  }
0xa: {  	[smem:$0x3FA4] =	sst s2  }
0xb: {  	[smem:$0x3FA5] =	sst s3  }
0xc: {  	[smem:$0x3FA6] =	sst s4  }
0xd: {  	[smem:$0x3FA7] =	sst s5  }
0xe: {  	[smem:$0x3FA8] =	sst s6  }
0xf: {  	[smem:$0x3FA9] =	sst s7  }
0x10: {  	[smem:$0x3FAA] =	sst s8  }
0x11: {  	[smem:$0x3FAB] =	sst s9;
	s0 =	simm.s32 @!p0 $0x0  }
0x12: {  	s1 =	sld [smem:$0x3F91];
	s0 =	simm.s32 @p0 $0x1  }
0x13: {  	[smem:$0x3FAC] =	sst s0;
	s0 =	simm.s32 @!p1 $0x0  }
0x14: {  	s2 =	sld [smem:$0x3F90];
	s0 =	simm.s32 @p1 $0x1  }
0x15: {  	[smem:$0x3FAD] =	sst s0;
	s0 =	simm.s32 @!p2 $0x0  }
0x16: {  	s3 =	sld [smem:$0x3FDB];
	s0 =	simm.s32 @p2 $0x1  }
0x17: {  	s4 =	simm.s32 $0x1BF5;
	[smem:$0x3FAF] =	sst s0  }
0x18: {  	s0 =	sld [smem:$0x3F92];
	_ =	swait.ge [sflag:s4], $0x0  }
0x19: {  	s7 =	sld [smem:$0x3F93]  }
0x1a: {  	s8 =	sadd.s32 $0xFFFFE003, lr  }
0x1b: {  	s9 =	sadd.s32 $0xFFFFFEF7, lr;
	s5 =	simm.s32 $0xFFFFFFFF;
	p2 =	slt.u32 s8, $0xFFFFF086  }
0x1c: {  	p1 =	slt.u32 s9, $0xF7A;
	s5 =	simm.s32 @!p2 $0x0  }
0x1d: {  	s5 =	simm.s32 @p1 $0x1;
	p0 =	seq.s32 s7, s2  }
0x1e: {  	s7 =	smul.u32 @!p0 $0xF7A, s2;
	p2 =	seq.s32 @!p0 s5, $0x0  }
0x1f: {  	s9 =	smul.u32 $0xF7A, s1;
	s8 =	simm.s32 @!p0 $0x1BF5;
	p2 =	por !p2, p0  }
0x20: {  	[sflag:s8] =	ssyncset.s32 @!p0 $0xFFFFF086;
	s6 =	sadd.s32 @!p0 s3, s7;
	s7 =	simm.s32 @!p0 $0x108  }
0x21: {  	s3 =	sadd.s32 s3, s9;
	s6 =	sadd.s32 @!p0 $0x88, s6;
	s7 =	simm.s32 @p2 $0x1082  }
0x22: {  	[simem:s7], [sflag:s8] =	dma.local @!p0 [hbm:s6], $0xF7A  }
0x23: {  	s9 =	sor.u32 $0xD0000000, s2;
	s6 =	simm.s32 $0x108;
	_ =	swait.ge @!p0 [sflag:s8], $0x0  }
0x24: {  	s3 =	sadd.s32 $0x88, s3;
	s6 =	simm.s32 @!p1 $0x1082;
	[sflag:s4] =	ssyncset.s32 $0xFFFFF086  }
0x25: {  	[simem:s6], [sflag:s4] =	dma.local [hbm:s3], $0xF7A  }
0x26: {  	[smem:$0x3F93] =	sst s1;
	(tag) =	ssettag s2;
	_ =	strace s9  }
0x27: {  	s1 =	sld [smem:$0x3FA3]  }
0x28: {  	s2 =	sld [smem:$0x3FA4]  }
0x29: {  	s4 =	sld [smem:$0x3FA6]  }
0x2a: {  	p0 =	seq.s32 s5, $0x0;
	s5 =	sld [smem:$0x3FA7]  }
0x2b: {  	s6 =	sld [smem:$0x3FA8]  }
0x2c: {  	s7 =	sld [smem:$0x3FA9]  }
0x2d: {  	s3 =	simm.s32 $0x108;
	s8 =	sld [smem:$0x3FAA]  }
0x2e: {  	s3 =	simm.s32 @!p0 $0x1082;
	s9 =	sld [smem:$0x3FAB]  }
0x2f: {  	lr =	sadd.s32 s0, s3;
	s0 =	sld [smem:$0x3FA2]  }
0x30: {  	s3 =	sld [smem:$0x3FA5]  }
0x31: {  	[smem:$0x3FAE] =	sst s10  }
0x32: {  	s10 =	sld [smem:$0x3FAC];
	_ =	sdelay $0x3  }
0x33: {  	p0 =	seq.s32 s10, $0x1;
	s10 =	sld [smem:$0x3FAE];
	_ =	sdelay $0x3  }
0x34: {  	[smem:$0x3FAE] =	sst s10  }
0x35: {  	s10 =	sld [smem:$0x3FAD];
	_ =	sdelay $0x3  }
0x36: {  	p1 =	seq.s32 s10, $0x1;
	s10 =	sld [smem:$0x3FAE];
	_ =	sdelay $0x3  }
0x37: {  	[smem:$0x3FAE] =	sst s10  }
0x38: {  	s10 =	sld [smem:$0x3FAF]  }
0x39: {  	_ = 	snop;
	(pc) =	sbr.ind lr, $3  }
0x3a: {  	_ = 	snop  }
0x3b: {  	_ = 	snop  }
0x3c: {  	p2 =	seq.s32 s10, $0x1;
	s10 =	sld [smem:$0x3FAE]  }
0x3d: {  	_ =	shalt  }
0x3e: {  	_ =	shalt  }
0x3f: {  	_ =	shalt  }
0x40: {  	_ =	shalt  }
0x41: {  	_ =	shalt  }
0x42: {  	_ =	shalt  }
0x43: {  	_ =	shalt  }
0x44: {  	_ =	shalt  }
0x45: {  	_ =	shalt  }
0x46: {  	_ =	shalt  }
0x47: {  	_ =	shalt  }
0x48: {  	_ =	shalt  }
0x49: {  	_ =	shalt  }
0x4a: {  	_ =	shalt  }
0x4b: {  	_ =	shalt  }
0x4c: {  	_ =	shalt  }
0x4d: {  	_ =	shalt  }
0x4e: {  	_ =	shalt  }
0x4f: {  	_ =	shalt  }
0x50: {  	_ =	shalt  }
0x51: {  	_ =	shalt  }
0x52: {  	_ =	shalt  }
0x53: {  	_ =	shalt  }
0x54: {  	_ =	shalt  }
0x55: {  	_ =	shalt  }
0x56: {  	_ =	shalt  }
0x57: {  	_ =	shalt  }
0x58: {  	_ =	shalt  }
0x59: {  	_ =	shalt  }
0x5a: {  	_ =	shalt  }
0x5b: {  	_ =	shalt  }
0x5c: {  	_ =	shalt  }
0x5d: {  	_ =	shalt  }
0x5e: {  	_ =	shalt  }
0x5f: {  	_ =	shalt  }
0x60: {  	_ =	shalt  }
0x61: {  	_ =	shalt  }
0x62: {  	_ =	shalt  }
0x63: {  	_ =	shalt  }
0x64: {  	_ =	shalt  }
0x65: {  	_ =	shalt  }
0x66: {  	_ =	shalt  }
0x67: {  	_ =	shalt  }
0x68: {  	_ =	shalt  }
0x69: {  	_ =	shalt  }
0x6a: {  	_ =	shalt  }
0x6b: {  	_ =	shalt  }
0x6c: {  	_ =	shalt  }
0x6d: {  	_ =	shalt  }
0x6e: {  	_ =	shalt  }
0x6f: {  	_ =	shalt  }
0x70: {  	_ =	shalt  }
0x71: {  	_ =	shalt  }
0x72: {  	_ =	shalt  }
0x73: {  	_ =	shalt  }
0x74: {  	_ =	shalt  }
0x75: {  	_ =	shalt  }
0x76: {  	_ =	shalt  }
0x77: {  	_ =	shalt  }
0x78: {  	_ =	shalt  }
0x79: {  	_ =	shalt  }
0x7a: {  	_ =	shalt  }
0x7b: {  	_ =	shalt  }
0x7c: {  	_ =	shalt  }
0x7d: {  	_ =	shalt  }
0x7e: {  	_ =	shalt  }
0x7f: {  	_ =	shalt  }
0x80: {  	_ =	shalt  }
0x81: {  	_ =	shalt  }
0x82: {  	_ =	shalt  }
0x83: {  	_ =	shalt  }
0x84: {  	_ =	shalt  }
0x85: {  	_ =	shalt  }
0x86: {  	_ =	shalt  }
0x87: {  	_ =	shalt  }
.Lfunc_end0:
.L_simem_size_0:
called_computation_lowered:
.L_overlay_start_0:
0x88: {  	s2 =	sld [smem:$0x3FD9]  }
0x89: {  	s3 =	sld [smem:$0x3FFE];
	_ =	sdelay $0x1  }
0x8a: {  	s1 =	srdreg.scid  }
0x8b: {  	s0 =	sand.u32 $0x1, s1  }
0x8c: {  	s17 =	sshll.u32 s0, $0xA;
	s2 =	sadd.s32 s3, s2  }
0x8d: {  	s2 =	sadd.s32 s2, s17  }
0x8e: {  	[smem:$0x3FBA] =	sst s2  }
0x8f: {  	_ = 	snop  }
0x90: {  	s2 =	sld [smem:$0x3FC9];
	(tm) =	ssettm $0x1  }
0x91: {  	s18 =	sld [smem:$0x3FFB];
	_ =	sdelay $0x3  }
0x92: {  	_ =	strace s18  }
0x93: {  	s3 =	sld [smem:$0x3FFC];
	_ =	sdelay $0x3  }
0x94: {  	_ =	strace s3  }
0x95: {  	s3 =	sld [smem:$0x3FFD];
	_ =	sdelay $0x3  }
0x96: {  	_ =	strace s3  }
0x97: {  	_ =	strace $0x8FFFFFFF  }
0x98: {  	s19 =	sld [smem:$0x3FDB];
	_ =	sdelay $0x1  }
0x99: {  	s4 =	simm.s32 $_scs_section_size  }
0x9a: {  	s5 =	simm.s32 $_size__tile_overlayer_lowered;
	s6 =	simm.s32 $_tile_overlayer_lowered  }
0x9b: {  	s22 =	simm.s32 $0x1BFF;
	s21 =	sshll.u32 s6, $0x1;
	s3 =	sadd.s32 s4, s19  }
0x9c: {  	s7 =	simm.s32 $0x0;
	s20 =	sshll.u32 s5, $0x1;
	s5 =	sadd.s32 s21, s3  }
0x9d: {  	[timem:s7], [sflag:s22] =	dma.local [hbm:s5], s20  }
0x9e: {  	_ =	swait.ge [sflag:s22], s20  }
0x9f: {  	s4 =	ssub.s32 $0x0, s20;
	[sflag:s22] =	ssyncset.done $0x0  }
0xa0: {  	[sflag:s22] =	ssyncadd.s32 s4;
	_ =	sdelay $0x1  }
0xa1: {  	s23 =	simm.s32 $0x1B8B  }
0xa2: {  	_ =	swait.ge [sflag:s23], $0x1  }
0xa3: {  	[sflag:s23] =	ssyncset.done $0x0  }
0xa4: {  	s25 =	simm.s32 $0x1B8E;
	s24 =	sld [smem:$0x3FFE];
	[sflag:s23] =	ssyncadd.s32 $0xFFFFFFFF  }
0xa5: {  	s26 =	simm.s32 $execute0_lowered;
	[smem:$0x3FD2] =	sst s25  }
0xa6: {  	s5 =	sshll.u32 s26, $0x1;
	_ =	strace $0x80000046;
	[dreg:$0x1] =	wrdreg $0xFFFFFFFF  }
0xa7: {  	s28 =	simm.s32 $_size_execute0_lowered;
	s3 =	sadd.s32 s3, s5;
	[dreg:$0x0] =	wrdreg $0x0  }
0xa8: {  	s5 =	sshll.u32 s28, $0x1;
	[dreg:$0x2] =	wrdreg s3  }
0xa9: {  	[dreg:$0x3] =	wrdreg s5  }
0xaa: {  	[dreg:$0x4] =	wrdreg $0xC0  }
0xab: {  	_ =	task [dreg:s7], $0x5FFFF  }
0xac: {  	[dreg:$0x1] =	wrdreg $0xFFFFFFFF  }
0xad: {  	[dreg:$0x0] =	wrdreg $0x60  }
0xae: {  	[dreg:$0x2] =	wrdreg s2  }
0xaf: {  	[dreg:$0x3] =	wrdreg s24  }
0xb0: {  	[dreg:$0x4] =	wrdreg $0x90000  }
0xb1: {  	[dreg:$0x5] =	wrdreg $0x9  }
0xb2: {  	_ =	task.clear_ibuf [dreg:s7], $0x6FFFF;
	_ =	strace $0x90000046  }
0xb3: {  	s29 =	simm.s32 $0x9;
	_ =	strace $0x80000048  }
0xb4: {  	_ =	swait.ge [sflag:s29], $0x1  }
0xb5: {  	[sflag:s29] =	ssyncadd.s32 $0xFFFFFFFF  }
0xb6: {  	_ =	strace $0x90000048  }
0xb7: {  	_ =	sfence  }
0xb8: {  	s30 =	sld [smem:$0x0];
	_ =	sdelay $0x2  }
0xb9: {  	s31 =	sshll.u32 s1, $0xD;
	s1 =	sshrl.u32 s1, $0x2  }
0xba: {  	s3 =	sand.u32 $0x4000, s31;
	s1 =	sadd.s32 s1, s30  }
0xbb: {  	s0 =	sor.u32 s3, s0;
	s1 =	sshll.u32 s1, $0x11  }
0xbc: {  	s0 =	sor.u32 s1, s0  }
0xbd: {  	s0 =	sadd.s32 $0x8F2B, s0  }
0xbe: {  	[sflag:s0] =	ssyncadd.remote.s32 $0x1  }
0xbf: {  	_ =	sfence.sel $0xFFFF  }
0xc0: {  	[dreg:$0x0] =	wrdreg $0xFFFFFFFF;
	(pc) =	sbr.abs _section_cstart, $3  }
0xc1: {  	[dreg:$0x1] =	wrdreg $0xFFFFFFFF  }
0xc2: {  	_ =	task.clear_ibuf [dreg:s7], $0x2FFFF;
	_ =	strace $0x9FFFFFFF  }
0xc3: {  	(tm) =	ssettm $0x7FFFFFFF  }
tec
execute0_lowered:
.L_overlay_start_1:
0x0: {  	(tag) =	ssettag $0x1  }
0x1: {  	s0 =	srdreg.scid;
	s1 =	rddreg [dreg:$0x0]  }
0x2: {  	s9 =	stileid.u32;
	s5 =	rddreg [dreg:$0x1]  }
0x3: {  	s3 =	rddreg [dreg:$0x2];
	s4 =	simm.s32 $0x0;
	s25 =	simm.s32 $0x100  }
0x4: {  	s26 =	simm.s32 $0x880;
	s16 =	simm.s32 $0x900;
	s17 =	simm.s32 $0x200  }
0x5: {  	s19 =	simm.s32 $0x980;
	s11 =	simm.s32 $0x800;
	s12 =	simm.s32 $0x80  }
0x6: {  	s13 =	simm.s32 $0x1000;
	s14 =	simm.s32 $0x5000;
	s15 =	simm.s32 $0x1  }
0x7: {  	s28 =	simm.s32 $0xD80;
	s29 =	simm.s32 $0x680;
	s30 =	simm.s32 $0xE00  }
0x8: {  	s2 =	smul.u32 $0x5000, s9;
	[smem:$0x7FF] =	sst s4;
	s10 =	sadd.s32 $0x17200, s5  }
0x9: {  	s7 =	smul.u32 $0x278, s9;
	_ =	strace $0x80000047;
	[dreg:$0x12] =	wrdreg s10  }
0xa: {  	s0 =	sand.u32 $0x1, s0;
	s8 =	smul.u32 $0x4F000, s9;
	[dreg:$0x6] =	wrdreg s25  }
0xb: {  	s31 =	simm.s32 $0x700;
	s6 =	smul.u32 $0x2800, s0;
	[dreg:$0x7] =	wrdreg s26  }
0xc: {  	s24 =	sshll.u32 s9, $0x6;
	s20 =	smul.u32 $0x138800, s0;
	[dreg:$0x9] =	wrdreg s16  }
0xd: {  	s0 =	ssub.s32 $0x2, s0;
	[dreg:$0xa] =	wrdreg s17;
	s10 =	simm.s32 $0x3  }
0xe: {  	[dreg:$0xb] =	wrdreg s19;
	s25 =	simm.s32 $0xB00;
	s16 =	simm.s32 $0x2  }
0xf: {  	s17 =	simm.s32 $0x400;
	s19 =	simm.s32 $0x480;
	s7 =	smin.u32 s7, $0x2498  }
0x10: {  	s21 =	sshrl.u32 s0, $0x1;
	s22 =	sshrl.u32 s8, $0x2;
	s8 =	sor.u32 $0x1C03, s24  }
0x11: {  	s24 =	simm.s32 $0x380;
	[dreg:$0x11] =	wrdreg s25;
	s2 =	sadd.s32 s6, s2  }
0x12: {  	s7 =	sshll.u32 s7, $0x7;
	s0 =	ssub.s32 s0, s21;
	[dreg:$0x10] =	wrdreg s24  }
0x13: {  	s21 =	simm.s32 $0xA00;
	s24 =	simm.s32 $0xD00;
	[dreg:$0x13] =	wrdreg s8  }
0x14: {  	s2 =	sshrl.u32 s2, $0x3;
	s6 =	sadd.s32 s20, s7;
	s9 =	sadd.s32 s7, s3  }
0x15: {  	s0 =	smax.u32 s0, $0x1;
	s20 =	simm.s32 $0x280;
	[dreg:$0xd] =	wrdreg s21  }
0x16: {  	s21 =	simm.s32 $0x500;
	s7 =	simm.s32 $0xF80;
	[dreg:$0x15] =	wrdreg s0  }
0x17: {  	s2 =	sadd.s32 s2, s5;
	s6 =	sshrl.u32 s6, $0x3;
	[dreg:$0xc] =	wrdreg s20  }
0x18: {  	s20 =	simm.s32 $0xC00;
	s26 =	sshrl.u32 s9, $0x3;
	s0 =	simm.s32 $0x780  }
0x19: {  	s9 =	simm.s32 $0x0;
	s23 =	sadd.s32 $0xD200, s2;
	[dreg:$0x17] =	wrdreg s26  }
0x1a: {  	s5 =	sadd.s32 s6, s5;
	s2 =	sadd.s32 $0x3200, s2;
	[dreg:$0x4] =	wrdreg s23  }
0x1b: {  	s6 =	sadd.s32 s22, s3;
	s22 =	simm.s32 $0x300;
	[dreg:$0x5] =	wrdreg s2  }
0x1c: {  	s26 =	simm.s32 $0x600;
	s5 =	sadd.s32 $0x19A00, s5;
	[dreg:$0xe] =	wrdreg s22  }
0x1d: {  	s18 =	sshrl.u32 s6, $0x3;
	s23 =	simm.s32 $0xA80;
	[dreg:$0x14] =	wrdreg s5  }
0x1e: {  	s22 =	simm.s32 $0xC80;
	s2 =	simm.s32 $0xE80;
	[dreg:$0x16] =	wrdreg s18  }
0x1f: {  	s5 =	simm.s32 $0x180;
	[dreg:$0xf] =	wrdreg s23;
	s18 =	simm.s32 $0xB80  }
0x20: {  	s23 =	simm.s32 $0x580;
	[dreg:$0x8] =	wrdreg s5;
	s5 =	simm.s32 $0xF00  }
.LBB2_1:
0x21: {  	[dreg:$0x18] =	wrdreg s9  }
0x22: {  	s6 =	rddreg [dreg:$0x12]  }
0x23: {  	s25 =	rddreg [dreg:$0x16]  }
0x24: {  	[spmem:s25], [sflag:s8] =	dma.local [hbm:s6], $0x2780  }
0x25: {  	_ =	swait.ge [sflag:s10], $0x2780  }
0x26: {  	[sflag:s10] =	ssyncset.done $0x0  }
0x27: {  	[sflag:s10] =	ssyncadd.s32 $0xFFFFD880  }
0x28: {  	[bflag:$0x0] =	sbarrier.arrive $0xFFFF  }
0x29: {  	s9 =	rddreg [dreg:$0x5]  }
0x2a: {  	s6 =	sadd.s32 $0x0, s9  }
0x2b: {  	[tilespmem:s4], [sflag:$0x3] =	stream.linear.gather [hbm4b:s6+s4], $0x800, $0x38;
	[tilespmem:$0x1CC00] =	vst v63  }
0x2c: {  	_ =	swait.ge [sflag:s10], $0x800  }
0x2d: {  	s25 =	rddreg [dreg:$0x4];
	[sflag:s10] =	ssyncset.done $0x0  }
0x2e: {  	[sflag:s10] =	ssyncadd.s32 $0xFFFFF800;
	s6 =	sadd.s32 $0x0, s25  }
0x2f: {  	[tilespmem:s11], [sflag:$0x3] =	stream.linear.gather [hbm4b:s6+s4], $0x800, $0x38;
	[tilespmem:$0x1CC00] =	vst v63  }
0x30: {  	_ =	swait.ge [sflag:s10], $0x800  }
0x31: {  	[sflag:s10] =	ssyncset.done $0x0  }
0x32: {  	[sflag:s10] =	ssyncadd.s32 $0xFFFFF800  }
0x33: {  	[tilespmem:s13], [sflag:$0x1] =	stream.indirect.gather [hbm4b:s1+s12], $0x80, s4, s12, $0xb8;
	[tilespmem:$0x1CC00] =	vst v63  }
0x34: {  	_ = 	snop  }
0x35: {  	[tilespmem:s14], [sflag:$0x2] =	stream.indirect.gather [hbm4b:s1+s12], $0x80, s12, s12, $0xb8;
	[tilespmem:$0x1CC00] =	vst v63  }
0x36: {  	_ =	swait.ge [sflag:s15], $0x4000  }
0x37: {  	[sflag:s15] =	ssyncset.done $0x0  }
0x38: {  	[sflag:s15] =	ssyncadd.s32 $0xFFFFC000  }
0x39: {  	[spmem:s3] =	stream.indirect.scatter.add.f32 [tilespmem:s13], [sflag:$0x3], $0x80, s11, s12, $0xb8;
	[tilespmem:$0x1CC00] =	vst v63  }
0x3a: {  	_ =	swait.ge [sflag:s10], $0x4000  }
0x3b: {  	[sflag:s10] =	ssyncset.done $0x0  }
0x3c: {  	s8 =	rddreg [dreg:$0x6];
	[sflag:s10] =	ssyncadd.s32 $0xFFFFC000  }
0x3d: {  	[tilespmem:s13], [sflag:$0x1] =	stream.indirect.gather [hbm4b:s1+s12], $0x80, s8, s12, $0xb8;
	[tilespmem:$0x1CC00] =	vst v63  }
0x3e: {  	_ =	swait.ge [sflag:s16], $0x4000  }
0x3f: {  	[sflag:s16] =	ssyncset.done $0x0  }
0x40: {  	s9 =	rddreg [dreg:$0x7];
	[sflag:s16] =	ssyncadd.s32 $0xFFFFC000  }
0x41: {  	[spmem:s3] =	stream.indirect.scatter.add.f32 [tilespmem:s14], [sflag:$0x3], $0x80, s9, s12, $0xb8;
	[tilespmem:$0x1CC00] =	vst v63  }
0x42: {  	_ =	swait.ge [sflag:s10], $0x4000  }
0x43: {  	[sflag:s10] =	ssyncset.done $0x0  }
0x44: {  	s25 =	rddreg [dreg:$0x8];
	[sflag:s10] =	ssyncadd.s32 $0xFFFFC000  }
0x45: {  	[tilespmem:s14], [sflag:$0x2] =	stream.indirect.gather [hbm4b:s1+s12], $0x80, s25, s12, $0xb8;
	[tilespmem:$0x1CC00] =	vst v63  }
0x46: {  	_ =	swait.ge [sflag:s15], $0x4000  }
0x47: {  	[sflag:s15] =	ssyncset.done $0x0  }
0x48: {  	s8 =	rddreg [dreg:$0x9];
	[sflag:s15] =	ssyncadd.s32 $0xFFFFC000  }
0x49: {  	[spmem:s3] =	stream.indirect.scatter.add.f32 [tilespmem:s13], [sflag:$0x3], $0x80, s8, s12, $0xb8;
	[tilespmem:$0x1CC00] =	vst v63  }
0x4a: {  	_ =	swait.ge [sflag:s10], $0x4000  }
0x4b: {  	[sflag:s10] =	ssyncset.done $0x0  }
0x4c: {  	s9 =	rddreg [dreg:$0xa];
	[sflag:s10] =	ssyncadd.s32 $0xFFFFC000  }
0x4d: {  	[tilespmem:s13], [sflag:$0x1] =	stream.indirect.gather [hbm4b:s1+s12], $0x80, s9, s12, $0xb8;
	[tilespmem:$0x1CC00] =	vst v63  }
0x4e: {  	_ =	swait.ge [sflag:s16], $0x4000  }
0x4f: {  	[sflag:s16] =	ssyncset.done $0x0  }
0x50: {  	s25 =	rddreg [dreg:$0xb];
	[sflag:s16] =	ssyncadd.s32 $0xFFFFC000  }
0x51: {  	[spmem:s3] =	stream.indirect.scatter.add.f32 [tilespmem:s14], [sflag:$0x3], $0x80, s25, s12, $0xb8;
	[tilespmem:$0x1CC00] =	vst v63  }
0x52: {  	_ =	swait.ge [sflag:s10], $0x4000  }
0x53: {  	[sflag:s10] =	ssyncset.done $0x0  }
0x54: {  	s8 =	rddreg [dreg:$0xc];
	[sflag:s10] =	ssyncadd.s32 $0xFFFFC000  }
0x55: {  	[tilespmem:s14], [sflag:$0x2] =	stream.indirect.gather [hbm4b:s1+s12], $0x80, s8, s12, $0xb8;
	[tilespmem:$0x1CC00] =	vst v63  }
0x56: {  	_ =	swait.ge [sflag:s15], $0x4000  }
0x57: {  	[sflag:s15] =	ssyncset.done $0x0  }
0x58: {  	s9 =	rddreg [dreg:$0xd];
	[sflag:s15] =	ssyncadd.s32 $0xFFFFC000  }
0x59: {  	[spmem:s3] =	stream.indirect.scatter.add.f32 [tilespmem:s13], [sflag:$0x3], $0x80, s9, s12, $0xb8;
	[tilespmem:$0x1CC00] =	vst v63  }
0x5a: {  	_ =	swait.ge [sflag:s10], $0x4000  }
0x5b: {  	[sflag:s10] =	ssyncset.done $0x0  }
0x5c: {  	s25 =	rddreg [dreg:$0xe];
	[sflag:s10] =	ssyncadd.s32 $0xFFFFC000  }
0x5d: {  	[tilespmem:s13], [sflag:$0x1] =	stream.indirect.gather [hbm4b:s1+s12], $0x80, s25, s12, $0xb8;
	[tilespmem:$0x1CC00] =	vst v63  }
0x5e: {  	_ =	swait.ge [sflag:s16], $0x4000  }
0x5f: {  	[sflag:s16] =	ssyncset.done $0x0  }
0x60: {  	s8 =	rddreg [dreg:$0xf];
	[sflag:s16] =	ssyncadd.s32 $0xFFFFC000  }
0x61: {  	[spmem:s3] =	stream.indirect.scatter.add.f32 [tilespmem:s14], [sflag:$0x3], $0x80, s8, s12, $0xb8;
	[tilespmem:$0x1CC00] =	vst v63  }
0x62: {  	_ =	swait.ge [sflag:s10], $0x4000  }
0x63: {  	[sflag:s10] =	ssyncset.done $0x0  }
0x64: {  	s9 =	rddreg [dreg:$0x10];
	[sflag:s10] =	ssyncadd.s32 $0xFFFFC000  }
0x65: {  	[tilespmem:s14], [sflag:$0x2] =	stream.indirect.gather [hbm4b:s1+s12], $0x80, s9, s12, $0xb8;
	[tilespmem:$0x1CC00] =	vst v63  }
0x66: {  	_ =	swait.ge [sflag:s15], $0x4000  }
0x67: {  	[sflag:s15] =	ssyncset.done $0x0  }
0x68: {  	s25 =	rddreg [dreg:$0x11];
	[sflag:s15] =	ssyncadd.s32 $0xFFFFC000  }
0x69: {  	[spmem:s3] =	stream.indirect.scatter.add.f32 [tilespmem:s13], [sflag:$0x3], $0x80, s25, s12, $0xb8;
	[tilespmem:$0x1CC00] =	vst v63  }
0x6a: {  	_ =	swait.ge [sflag:s10], $0x4000  }
0x6b: {  	[sflag:s10] =	ssyncset.done $0x0  }
0x6c: {  	[sflag:s10] =	ssyncadd.s32 $0xFFFFC000  }
0x6d: {  	[tilespmem:s13], [sflag:$0x1] =	stream.indirect.gather [hbm4b:s1+s12], $0x80, s17, s12, $0xb8;
	[tilespmem:$0x1CC00] =	vst v63  }
0x6e: {  	_ =	swait.ge [sflag:s16], $0x4000  }
0x6f: {  	[sflag:s16] =	ssyncset.done $0x0  }
0x70: {  	[sflag:s16] =	ssyncadd.s32 $0xFFFFC000  }
0x71: {  	[spmem:s3] =	stream.indirect.scatter.add.f32 [tilespmem:s14], [sflag:$0x3], $0x80, s18, s12, $0xb8;
	[tilespmem:$0x1CC00] =	vst v63  }
0x72: {  	_ =	swait.ge [sflag:s10], $0x4000  }
0x73: {  	[sflag:s10] =	ssyncset.done $0x0  }
0x74: {  	[sflag:s10] =	ssyncadd.s32 $0xFFFFC000  }
0x75: {  	[tilespmem:s14], [sflag:$0x2] =	stream.indirect.gather [hbm4b:s1+s12], $0x80, s19, s12, $0xb8;
	[tilespmem:$0x1CC00] =	vst v63  }
0x76: {  	_ =	swait.ge [sflag:s15], $0x4000  }
0x77: {  	[sflag:s15] =	ssyncset.done $0x0  }
0x78: {  	[sflag:s15] =	ssyncadd.s32 $0xFFFFC000  }
0x79: {  	[spmem:s3] =	stream.indirect.scatter.add.f32 [tilespmem:s13], [sflag:$0x3], $0x80, s20, s12, $0xb8;
	[tilespmem:$0x1CC00] =	vst v63  }
0x7a: {  	_ =	swait.ge [sflag:s10], $0x4000  }
0x7b: {  	[sflag:s10] =	ssyncset.done $0x0  }
0x7c: {  	[sflag:s10] =	ssyncadd.s32 $0xFFFFC000  }
0x7d: {  	[tilespmem:s13], [sflag:$0x1] =	stream.indirect.gather [hbm4b:s1+s12], $0x80, s21, s12, $0xb8;
	[tilespmem:$0x1CC00] =	vst v63  }
0x7e: {  	_ =	swait.ge [sflag:s16], $0x4000  }
0x7f: {  	[sflag:s16] =	ssyncset.done $0x0  }
0x80: {  	[sflag:s16] =	ssyncadd.s32 $0xFFFFC000  }
0x81: {  	[spmem:s3] =	stream.indirect.scatter.add.f32 [tilespmem:s14], [sflag:$0x3], $0x80, s22, s12, $0xb8;
	[tilespmem:$0x1CC00] =	vst v63  }
0x82: {  	_ =	swait.ge [sflag:s10], $0x4000  }
0x83: {  	[sflag:s10] =	ssyncset.done $0x0  }
0x84: {  	[sflag:s10] =	ssyncadd.s32 $0xFFFFC000  }
0x85: {  	[tilespmem:s14], [sflag:$0x2] =	stream.indirect.gather [hbm4b:s1+s12], $0x80, s23, s12, $0xb8;
	[tilespmem:$0x1CC00] =	vst v63  }
0x86: {  	_ =	swait.ge [sflag:s15], $0x4000  }
0x87: {  	[sflag:s15] =	ssyncset.done $0x0  }
0x88: {  	[sflag:s15] =	ssyncadd.s32 $0xFFFFC000  }
0x89: {  	[spmem:s3] =	stream.indirect.scatter.add.f32 [tilespmem:s13], [sflag:$0x3], $0x80, s24, s12, $0xb8;
	[tilespmem:$0x1CC00] =	vst v63  }
0x8a: {  	_ =	swait.ge [sflag:s10], $0x4000  }
0x8b: {  	[sflag:s10] =	ssyncset.done $0x0  }
0x8c: {  	[sflag:s10] =	ssyncadd.s32 $0xFFFFC000  }
0x8d: {  	[tilespmem:s13], [sflag:$0x1] =	stream.indirect.gather [hbm4b:s1+s12], $0x80, s26, s12, $0xb8;
	[tilespmem:$0x1CC00] =	vst v63  }
0x8e: {  	_ =	swait.ge [sflag:s16], $0x4000  }
0x8f: {  	[sflag:s16] =	ssyncset.done $0x0  }
0x90: {  	[sflag:s16] =	ssyncadd.s32 $0xFFFFC000  }
0x91: {  	[spmem:s3] =	stream.indirect.scatter.add.f32 [tilespmem:s14], [sflag:$0x3], $0x80, s28, s12, $0xb8;
	[tilespmem:$0x1CC00] =	vst v63  }
0x92: {  	_ =	swait.ge [sflag:s10], $0x4000  }
0x93: {  	[sflag:s10] =	ssyncset.done $0x0  }
0x94: {  	[sflag:s10] =	ssyncadd.s32 $0xFFFFC000  }
0x95: {  	[tilespmem:s14], [sflag:$0x2] =	stream.indirect.gather [hbm4b:s1+s12], $0x80, s29, s12, $0xb8;
	[tilespmem:$0x1CC00] =	vst v63  }
0x96: {  	_ =	swait.ge [sflag:s15], $0x4000  }
0x97: {  	[sflag:s15] =	ssyncset.done $0x0  }
0x98: {  	[sflag:s15] =	ssyncadd.s32 $0xFFFFC000  }
0x99: {  	[spmem:s3] =	stream.indirect.scatter.add.f32 [tilespmem:s13], [sflag:$0x3], $0x80, s30, s12, $0xb8;
	[tilespmem:$0x1CC00] =	vst v63  }
0x9a: {  	_ =	swait.ge [sflag:s10], $0x4000  }
0x9b: {  	[sflag:s10] =	ssyncset.done $0x0  }
0x9c: {  	[sflag:s10] =	ssyncadd.s32 $0xFFFFC000  }
0x9d: {  	[tilespmem:s13], [sflag:$0x1] =	stream.indirect.gather [hbm4b:s1+s12], $0x80, s31, s12, $0xb8;
	[tilespmem:$0x1CC00] =	vst v63  }
0x9e: {  	_ =	swait.ge [sflag:s16], $0x4000  }
0x9f: {  	[sflag:s16] =	ssyncset.done $0x0  }
0xa0: {  	[sflag:s16] =	ssyncadd.s32 $0xFFFFC000  }
0xa1: {  	[spmem:s3] =	stream.indirect.scatter.add.f32 [tilespmem:s14], [sflag:$0x3], $0x80, s2, s12, $0xb8;
	[tilespmem:$0x1CC00] =	vst v63  }
0xa2: {  	_ =	swait.ge [sflag:s10], $0x4000  }
0xa3: {  	[sflag:s10] =	ssyncset.done $0x0  }
0xa4: {  	[sflag:s10] =	ssyncadd.s32 $0xFFFFC000  }
0xa5: {  	[tilespmem:s14], [sflag:$0x2] =	stream.indirect.gather [hbm4b:s1+s12], $0x80, s0, s12, $0xb8;
	[tilespmem:$0x1CC00] =	vst v63  }
0xa6: {  	_ =	swait.ge [sflag:s15], $0x4000  }
0xa7: {  	[sflag:s15] =	ssyncset.done $0x0  }
0xa8: {  	[sflag:s15] =	ssyncadd.s32 $0xFFFFC000  }
0xa9: {  	[spmem:s3] =	stream.indirect.scatter.add.f32 [tilespmem:s13], [sflag:$0x3], $0x80, s5, s12, $0xb8;
	[tilespmem:$0x1CC00] =	vst v63  }
0xaa: {  	_ =	swait.ge [sflag:s10], $0x4000  }
0xab: {  	[sflag:s10] =	ssyncset.done $0x0  }
0xac: {  	[sflag:s10] =	ssyncadd.s32 $0xFFFFC000  }
0xad: {  	_ =	swait.ge [sflag:s16], $0x4000  }
0xae: {  	[sflag:s16] =	ssyncset.done $0x0  }
0xaf: {  	[sflag:s16] =	ssyncadd.s32 $0xFFFFC000  }
0xb0: {  	[spmem:s3] =	stream.indirect.scatter.add.f32 [tilespmem:s14], [sflag:$0x3], $0x80, s7, s12, $0xb8;
	[tilespmem:$0x1CC00] =	vst v63  }
0xb1: {  	s9 =	simm.s32 $0x100;
	_ =	swait.ge [sflag:s10], $0x4000  }
0xb2: {  	s25 =	simm.s32 $0x200;
	s6 =	rddreg [dreg:$0x5];
	[sflag:s10] =	ssyncset.done $0x0  }
.LBB2_2:
0xb3: {  	[sflag:s10] =	ssyncadd.s32 $0xFFFFC000;
	s6 =	sadd.s32 s9, s6  }
0xb4: {  	[tilespmem:s4], [sflag:$0x3] =	stream.linear.gather [hbm4b:s6+s4], $0x800, $0x38;
	[tilespmem:$0x1CC00] =	vst v63  }
0xb5: {  	_ =	swait.ge [sflag:s10], $0x800  }
0xb6: {  	s6 =	rddreg [dreg:$0x4];
	[sflag:s10] =	ssyncset.done $0x0  }
0xb7: {  	[sflag:s10] =	ssyncadd.s32 $0xFFFFF800;
	s6 =	sadd.s32 s9, s6  }
0xb8: {  	[tilespmem:s11], [sflag:$0x3] =	stream.linear.gather [hbm4b:s6+s4], $0x800, $0x38;
	[tilespmem:$0x1CC00] =	vst v63  }
0xb9: {  	_ =	swait.ge [sflag:s10], $0x800  }
0xba: {  	[sflag:s10] =	ssyncset.done $0x0  }
0xbb: {  	[sflag:s10] =	ssyncadd.s32 $0xFFFFF800  }
0xbc: {  	[tilespmem:s13], [sflag:$0x1] =	stream.indirect.gather [hbm4b:s1+s12], $0x80, s4, s12, $0xb8;
	[tilespmem:$0x1CC00] =	vst v63  }
0xbd: {  	_ = 	snop  }
0xbe: {  	[tilespmem:s14], [sflag:$0x2] =	stream.indirect.gather [hbm4b:s1+s12], $0x80, s12, s12, $0xb8;
	[tilespmem:$0x1CC00] =	vst v63  }
0xbf: {  	_ =	swait.ge [sflag:s15], $0x4000  }
0xc0: {  	[sflag:s15] =	ssyncset.done $0x0  }
0xc1: {  	[sflag:s15] =	ssyncadd.s32 $0xFFFFC000  }
0xc2: {  	[spmem:s3] =	stream.indirect.scatter.add.f32 [tilespmem:s13], [sflag:$0x3], $0x80, s11, s12, $0xb8;
	[tilespmem:$0x1CC00] =	vst v63  }
0xc3: {  	_ =	swait.ge [sflag:s10], $0x4000  }
0xc4: {  	s8 =	smov.u32 s25;
	[sflag:s10] =	ssyncset.done $0x0  }
0xc5: {  	s9 =	smov.u32 s8;
	s8 =	rddreg [dreg:$0x6];
	[sflag:s10] =	ssyncadd.s32 $0xFFFFC000  }
0xc6: {  	[tilespmem:s13], [sflag:$0x1] =	stream.indirect.gather [hbm4b:s1+s12], $0x80, s8, s12, $0xb8;
	[tilespmem:$0x1CC00] =	vst v63  }
0xc7: {  	_ =	swait.ge [sflag:s16], $0x4000  }
0xc8: {  	[sflag:s16] =	ssyncset.done $0x0  }
0xc9: {  	s8 =	rddreg [dreg:$0x7];
	[sflag:s16] =	ssyncadd.s32 $0xFFFFC000  }
0xca: {  	[spmem:s3] =	stream.indirect.scatter.add.f32 [tilespmem:s14], [sflag:$0x3], $0x80, s8, s12, $0xb8;
	[tilespmem:$0x1CC00] =	vst v63  }
0xcb: {  	_ =	swait.ge [sflag:s10], $0x4000  }
0xcc: {  	[sflag:s10] =	ssyncset.done $0x0  }
0xcd: {  	s8 =	rddreg [dreg:$0x8];
	[sflag:s10] =	ssyncadd.s32 $0xFFFFC000  }
0xce: {  	[tilespmem:s14], [sflag:$0x2] =	stream.indirect.gather [hbm4b:s1+s12], $0x80, s8, s12, $0xb8;
	[tilespmem:$0x1CC00] =	vst v63  }
0xcf: {  	_ =	swait.ge [sflag:s15], $0x4000  }
0xd0: {  	[sflag:s15] =	ssyncset.done $0x0  }
0xd1: {  	s8 =	rddreg [dreg:$0x9];
	[sflag:s15] =	ssyncadd.s32 $0xFFFFC000  }
0xd2: {  	[spmem:s3] =	stream.indirect.scatter.add.f32 [tilespmem:s13], [sflag:$0x3], $0x80, s8, s12, $0xb8;
	[tilespmem:$0x1CC00] =	vst v63  }
0xd3: {  	_ =	swait.ge [sflag:s10], $0x4000  }
0xd4: {  	[sflag:s10] =	ssyncset.done $0x0  }
0xd5: {  	s8 =	rddreg [dreg:$0xa];
	[sflag:s10] =	ssyncadd.s32 $0xFFFFC000  }
0xd6: {  	[tilespmem:s13], [sflag:$0x1] =	stream.indirect.gather [hbm4b:s1+s12], $0x80, s8, s12, $0xb8;
	[tilespmem:$0x1CC00] =	vst v63  }
0xd7: {  	_ =	swait.ge [sflag:s16], $0x4000  }
0xd8: {  	[sflag:s16] =	ssyncset.done $0x0  }
0xd9: {  	s8 =	rddreg [dreg:$0xb];
	[sflag:s16] =	ssyncadd.s32 $0xFFFFC000  }
0xda: {  	[spmem:s3] =	stream.indirect.scatter.add.f32 [tilespmem:s14], [sflag:$0x3], $0x80, s8, s12, $0xb8;
	[tilespmem:$0x1CC00] =	vst v63  }
0xdb: {  	_ =	swait.ge [sflag:s10], $0x4000  }
0xdc: {  	[sflag:s10] =	ssyncset.done $0x0  }
0xdd: {  	s8 =	rddreg [dreg:$0xc];
	[sflag:s10] =	ssyncadd.s32 $0xFFFFC000  }
0xde: {  	[tilespmem:s14], [sflag:$0x2] =	stream.indirect.gather [hbm4b:s1+s12], $0x80, s8, s12, $0xb8;
	[tilespmem:$0x1CC00] =	vst v63  }
0xdf: {  	_ =	swait.ge [sflag:s15], $0x4000  }
0xe0: {  	[sflag:s15] =	ssyncset.done $0x0  }
0xe1: {  	s8 =	rddreg [dreg:$0xd];
	[sflag:s15] =	ssyncadd.s32 $0xFFFFC000  }
0xe2: {  	[spmem:s3] =	stream.indirect.scatter.add.f32 [tilespmem:s13], [sflag:$0x3], $0x80, s8, s12, $0xb8;
	[tilespmem:$0x1CC00] =	vst v63  }
0xe3: {  	_ =	swait.ge [sflag:s10], $0x4000  }
0xe4: {  	[sflag:s10] =	ssyncset.done $0x0  }
0xe5: {  	s8 =	rddreg [dreg:$0xe];
	[sflag:s10] =	ssyncadd.s32 $0xFFFFC000  }
0xe6: {  	[tilespmem:s13], [sflag:$0x1] =	stream.indirect.gather [hbm4b:s1+s12], $0x80, s8, s12, $0xb8;
	[tilespmem:$0x1CC00] =	vst v63  }
0xe7: {  	_ =	swait.ge [sflag:s16], $0x4000  }
0xe8: {  	[sflag:s16] =	ssyncset.done $0x0  }
0xe9: {  	s8 =	rddreg [dreg:$0xf];
	[sflag:s16] =	ssyncadd.s32 $0xFFFFC000  }
0xea: {  	[spmem:s3] =	stream.indirect.scatter.add.f32 [tilespmem:s14], [sflag:$0x3], $0x80, s8, s12, $0xb8;
	[tilespmem:$0x1CC00] =	vst v63  }
0xeb: {  	_ =	swait.ge [sflag:s10], $0x4000  }
0xec: {  	[sflag:s10] =	ssyncset.done $0x0  }
0xed: {  	s8 =	rddreg [dreg:$0x10];
	[sflag:s10] =	ssyncadd.s32 $0xFFFFC000  }
0xee: {  	[tilespmem:s14], [sflag:$0x2] =	stream.indirect.gather [hbm4b:s1+s12], $0x80, s8, s12, $0xb8;
	[tilespmem:$0x1CC00] =	vst v63  }
0xef: {  	_ =	swait.ge [sflag:s15], $0x4000  }
0xf0: {  	[sflag:s15] =	ssyncset.done $0x0  }
0xf1: {  	s8 =	rddreg [dreg:$0x11];
	[sflag:s15] =	ssyncadd.s32 $0xFFFFC000  }
0xf2: {  	[spmem:s3] =	stream.indirect.scatter.add.f32 [tilespmem:s13], [sflag:$0x3], $0x80, s8, s12, $0xb8;
	[tilespmem:$0x1CC00] =	vst v63  }
0xf3: {  	_ =	swait.ge [sflag:s10], $0x4000  }
0xf4: {  	[sflag:s10] =	ssyncset.done $0x0  }
0xf5: {  	[sflag:s10] =	ssyncadd.s32 $0xFFFFC000  }
0xf6: {  	[tilespmem:s13], [sflag:$0x1] =	stream.indirect.gather [hbm4b:s1+s12], $0x80, s17, s12, $0xb8;
	[tilespmem:$0x1CC00] =	vst v63  }
0xf7: {  	_ =	swait.ge [sflag:s16], $0x4000  }
0xf8: {  	[sflag:s16] =	ssyncset.done $0x0  }
0xf9: {  	[sflag:s16] =	ssyncadd.s32 $0xFFFFC000  }
0xfa: {  	[spmem:s3] =	stream.indirect.scatter.add.f32 [tilespmem:s14], [sflag:$0x3], $0x80, s18, s12, $0xb8;
	[tilespmem:$0x1CC00] =	vst v63  }
0xfb: {  	_ =	swait.ge [sflag:s10], $0x4000  }
0xfc: {  	[sflag:s10] =	ssyncset.done $0x0  }
0xfd: {  	[sflag:s10] =	ssyncadd.s32 $0xFFFFC000  }
0xfe: {  	[tilespmem:s14], [sflag:$0x2] =	stream.indirect.gather [hbm4b:s1+s12], $0x80, s19, s12, $0xb8;
	[tilespmem:$0x1CC00] =	vst v63  }
0xff: {  	_ =	swait.ge [sflag:s15], $0x4000  }
0x100: {  	[sflag:s15] =	ssyncset.done $0x0  }
0x101: {  	[sflag:s15] =	ssyncadd.s32 $0xFFFFC000  }
0x102: {  	[spmem:s3] =	stream.indirect.scatter.add.f32 [tilespmem:s13], [sflag:$0x3], $0x80, s20, s12, $0xb8;
	[tilespmem:$0x1CC00] =	vst v63  }
0x103: {  	_ =	swait.ge [sflag:s10], $0x4000  }
0x104: {  	[sflag:s10] =	ssyncset.done $0x0  }
0x105: {  	[sflag:s10] =	ssyncadd.s32 $0xFFFFC000  }
0x106: {  	[tilespmem:s13], [sflag:$0x1] =	stream.indirect.gather [hbm4b:s1+s12], $0x80, s21, s12, $0xb8;
	[tilespmem:$0x1CC00] =	vst v63  }
0x107: {  	_ =	swait.ge [sflag:s16], $0x4000  }
0x108: {  	[sflag:s16] =	ssyncset.done $0x0  }
0x109: {  	[sflag:s16] =	ssyncadd.s32 $0xFFFFC000  }
0x10a: {  	[spmem:s3] =	stream.indirect.scatter.add.f32 [tilespmem:s14], [sflag:$0x3], $0x80, s22, s12, $0xb8;
	[tilespmem:$0x1CC00] =	vst v63  }
0x10b: {  	_ =	swait.ge [sflag:s10], $0x4000  }
0x10c: {  	[sflag:s10] =	ssyncset.done $0x0  }
0x10d: {  	[sflag:s10] =	ssyncadd.s32 $0xFFFFC000  }
0x10e: {  	[tilespmem:s14], [sflag:$0x2] =	stream.indirect.gather [hbm4b:s1+s12], $0x80, s23, s12, $0xb8;
	[tilespmem:$0x1CC00] =	vst v63  }
0x10f: {  	_ =	swait.ge [sflag:s15], $0x4000  }
0x110: {  	[sflag:s15] =	ssyncset.done $0x0  }
0x111: {  	[sflag:s15] =	ssyncadd.s32 $0xFFFFC000  }
0x112: {  	[spmem:s3] =	stream.indirect.scatter.add.f32 [tilespmem:s13], [sflag:$0x3], $0x80, s24, s12, $0xb8;
	[tilespmem:$0x1CC00] =	vst v63  }
0x113: {  	_ =	swait.ge [sflag:s10], $0x4000  }
0x114: {  	[sflag:s10] =	ssyncset.done $0x0  }
0x115: {  	[sflag:s10] =	ssyncadd.s32 $0xFFFFC000  }
0x116: {  	[tilespmem:s13], [sflag:$0x1] =	stream.indirect.gather [hbm4b:s1+s12], $0x80, s26, s12, $0xb8;
	[tilespmem:$0x1CC00] =	vst v63  }
0x117: {  	_ =	swait.ge [sflag:s16], $0x4000  }
0x118: {  	[sflag:s16] =	ssyncset.done $0x0  }
0x119: {  	[sflag:s16] =	ssyncadd.s32 $0xFFFFC000  }
0x11a: {  	[spmem:s3] =	stream.indirect.scatter.add.f32 [tilespmem:s14], [sflag:$0x3], $0x80, s28, s12, $0xb8;
	[tilespmem:$0x1CC00] =	vst v63  }
0x11b: {  	_ =	swait.ge [sflag:s10], $0x4000  }
0x11c: {  	[sflag:s10] =	ssyncset.done $0x0  }
0x11d: {  	[sflag:s10] =	ssyncadd.s32 $0xFFFFC000  }
0x11e: {  	[tilespmem:s14], [sflag:$0x2] =	stream.indirect.gather [hbm4b:s1+s12], $0x80, s29, s12, $0xb8;
	[tilespmem:$0x1CC00] =	vst v63  }
0x11f: {  	_ =	swait.ge [sflag:s15], $0x4000  }
0x120: {  	[sflag:s15] =	ssyncset.done $0x0  }
0x121: {  	[sflag:s15] =	ssyncadd.s32 $0xFFFFC000  }
0x122: {  	[spmem:s3] =	stream.indirect.scatter.add.f32 [tilespmem:s13], [sflag:$0x3], $0x80, s30, s12, $0xb8;
	[tilespmem:$0x1CC00] =	vst v63  }
0x123: {  	_ =	swait.ge [sflag:s10], $0x4000  }
0x124: {  	[sflag:s10] =	ssyncset.done $0x0  }
0x125: {  	[sflag:s10] =	ssyncadd.s32 $0xFFFFC000  }
0x126: {  	[tilespmem:s13], [sflag:$0x1] =	stream.indirect.gather [hbm4b:s1+s12], $0x80, s31, s12, $0xb8;
	[tilespmem:$0x1CC00] =	vst v63  }
0x127: {  	_ =	swait.ge [sflag:s16], $0x4000  }
0x128: {  	[sflag:s16] =	ssyncset.done $0x0  }
0x129: {  	[sflag:s16] =	ssyncadd.s32 $0xFFFFC000  }
0x12a: {  	[spmem:s3] =	stream.indirect.scatter.add.f32 [tilespmem:s14], [sflag:$0x3], $0x80, s2, s12, $0xb8;
	[tilespmem:$0x1CC00] =	vst v63  }
0x12b: {  	_ =	swait.ge [sflag:s10], $0x4000  }
0x12c: {  	[sflag:s10] =	ssyncset.done $0x0  }
0x12d: {  	[sflag:s10] =	ssyncadd.s32 $0xFFFFC000  }
0x12e: {  	[tilespmem:s14], [sflag:$0x2] =	stream.indirect.gather [hbm4b:s1+s12], $0x80, s0, s12, $0xb8;
	[tilespmem:$0x1CC00] =	vst v63  }
0x12f: {  	_ =	swait.ge [sflag:s15], $0x4000  }
0x130: {  	[sflag:s15] =	ssyncset.done $0x0  }
0x131: {  	[sflag:s15] =	ssyncadd.s32 $0xFFFFC000  }
0x132: {  	[spmem:s3] =	stream.indirect.scatter.add.f32 [tilespmem:s13], [sflag:$0x3], $0x80, s5, s12, $0xb8;
	[tilespmem:$0x1CC00] =	vst v63  }
0x133: {  	_ =	swait.ge [sflag:s10], $0x4000  }
0x134: {  	[sflag:s10] =	ssyncset.done $0x0  }
0x135: {  	[sflag:s10] =	ssyncadd.s32 $0xFFFFC000  }
0x136: {  	p0 =	sne.s32 s25, $0x400;
	_ =	swait.ge [sflag:s16], $0x4000  }
.Ltmp0:
0x137: {  	[sflag:s16] =	ssyncset.done $0x0;
	(pc) =	sbr.rel @p0 .LBB2_2-.Ltmp0, $4  }
0x138: {  	[sflag:s16] =	ssyncadd.s32 $0xFFFFC000  }
0x139: {  	[spmem:s3] =	stream.indirect.scatter.add.f32 [tilespmem:s14], [sflag:$0x3], $0x80, s7, s12, $0xb8;
	[tilespmem:$0x1CC00] =	vst v63  }
0x13a: {  	_ =	swait.ge [sflag:s10], $0x4000  }
0x13b: {  	s25 =	sadd.s32 $0x100, s25;
	s6 =	rddreg [dreg:$0x5];
	[sflag:s10] =	ssyncset.done $0x0  }
0x13c: {  	[sflag:s10] =	ssyncadd.s32 $0xFFFFC000;
	s6 =	sadd.s32 s9, s6  }
0x13d: {  	[tilespmem:s4], [sflag:$0x3] =	stream.linear.gather [hbm4b:s6+s4], $0x800, $0x38;
	[tilespmem:$0x1CC00] =	vst v63  }
0x13e: {  	_ =	swait.ge [sflag:s10], $0x800  }
0x13f: {  	s8 =	rddreg [dreg:$0x4];
	[sflag:s10] =	ssyncset.done $0x0  }
0x140: {  	s6 =	sadd.s32 s9, s8;
	[sflag:s10] =	ssyncadd.s32 $0xFFFFF800  }
0x141: {  	[tilespmem:s11], [sflag:$0x3] =	stream.linear.gather [hbm4b:s6+s4], $0x800, $0x38;
	[tilespmem:$0x1CC00] =	vst v63  }
0x142: {  	_ =	swait.ge [sflag:s10], $0x800  }
0x143: {  	[sflag:s10] =	ssyncset.done $0x0  }
0x144: {  	[sflag:s10] =	ssyncadd.s32 $0xFFFFF800  }
0x145: {  	[tilespmem:s13], [sflag:$0x1] =	stream.indirect.gather [hbm4b:s1+s12], $0x80, s4, s12, $0xb8;
	[tilespmem:$0x1CC00] =	vst v63  }
0x146: {  	_ = 	snop  }
0x147: {  	[tilespmem:s14], [sflag:$0x2] =	stream.indirect.gather [hbm4b:s1+s12], $0x80, s12, s12, $0xb8;
	[tilespmem:$0x1CC00] =	vst v63  }
0x148: {  	_ =	swait.ge [sflag:s15], $0x4000  }
0x149: {  	[sflag:s15] =	ssyncset.done $0x0  }
0x14a: {  	[sflag:s15] =	ssyncadd.s32 $0xFFFFC000  }
0x14b: {  	[spmem:s3] =	stream.indirect.scatter.add.f32 [tilespmem:s13], [sflag:$0x3], $0x80, s11, s12, $0xb8;
	[tilespmem:$0x1CC00] =	vst v63  }
0x14c: {  	_ =	swait.ge [sflag:s10], $0x4000  }
0x14d: {  	[sflag:s10] =	ssyncset.done $0x0  }
0x14e: {  	s9 =	rddreg [dreg:$0x6];
	[sflag:s10] =	ssyncadd.s32 $0xFFFFC000  }
0x14f: {  	[tilespmem:s13], [sflag:$0x1] =	stream.indirect.gather [hbm4b:s1+s12], $0x80, s9, s12, $0xb8;
	[tilespmem:$0x1CC00] =	vst v63  }
0x150: {  	_ =	swait.ge [sflag:s16], $0x4000  }
0x151: {  	[sflag:s16] =	ssyncset.done $0x0  }
0x152: {  	s25 =	rddreg [dreg:$0x7];
	[sflag:s16] =	ssyncadd.s32 $0xFFFFC000  }
0x153: {  	[spmem:s3] =	stream.indirect.scatter.add.f32 [tilespmem:s14], [sflag:$0x3], $0x80, s25, s12, $0xb8;
	[tilespmem:$0x1CC00] =	vst v63  }
0x154: {  	_ =	swait.ge [sflag:s10], $0x4000  }
0x155: {  	[sflag:s10] =	ssyncset.done $0x0  }
0x156: {  	s8 =	rddreg [dreg:$0x8];
	[sflag:s10] =	ssyncadd.s32 $0xFFFFC000  }
0x157: {  	[tilespmem:s14], [sflag:$0x2] =	stream.indirect.gather [hbm4b:s1+s12], $0x80, s8, s12, $0xb8;
	[tilespmem:$0x1CC00] =	vst v63  }
0x158: {  	_ =	swait.ge [sflag:s15], $0x4000  }
0x159: {  	[sflag:s15] =	ssyncset.done $0x0  }
0x15a: {  	s9 =	rddreg [dreg:$0x9];
	[sflag:s15] =	ssyncadd.s32 $0xFFFFC000  }
0x15b: {  	[spmem:s3] =	stream.indirect.scatter.add.f32 [tilespmem:s13], [sflag:$0x3], $0x80, s9, s12, $0xb8;
	[tilespmem:$0x1CC00] =	vst v63  }
0x15c: {  	_ =	swait.ge [sflag:s10], $0x4000  }
0x15d: {  	[sflag:s10] =	ssyncset.done $0x0  }
0x15e: {  	s25 =	rddreg [dreg:$0xa];
	[sflag:s10] =	ssyncadd.s32 $0xFFFFC000  }
0x15f: {  	[tilespmem:s13], [sflag:$0x1] =	stream.indirect.gather [hbm4b:s1+s12], $0x80, s25, s12, $0xb8;
	[tilespmem:$0x1CC00] =	vst v63  }
0x160: {  	_ =	swait.ge [sflag:s16], $0x4000  }
0x161: {  	[sflag:s16] =	ssyncset.done $0x0  }
0x162: {  	s8 =	rddreg [dreg:$0xb];
	[sflag:s16] =	ssyncadd.s32 $0xFFFFC000  }
0x163: {  	[spmem:s3] =	stream.indirect.scatter.add.f32 [tilespmem:s14], [sflag:$0x3], $0x80, s8, s12, $0xb8;
	[tilespmem:$0x1CC00] =	vst v63  }
0x164: {  	_ =	swait.ge [sflag:s10], $0x4000  }
0x165: {  	[sflag:s10] =	ssyncset.done $0x0  }
0x166: {  	s9 =	rddreg [dreg:$0xc];
	[sflag:s10] =	ssyncadd.s32 $0xFFFFC000  }
0x167: {  	[tilespmem:s14], [sflag:$0x2] =	stream.indirect.gather [hbm4b:s1+s12], $0x80, s9, s12, $0xb8;
	[tilespmem:$0x1CC00] =	vst v63  }
0x168: {  	_ =	swait.ge [sflag:s15], $0x4000  }
0x169: {  	[sflag:s15] =	ssyncset.done $0x0  }
0x16a: {  	s25 =	rddreg [dreg:$0xd];
	[sflag:s15] =	ssyncadd.s32 $0xFFFFC000  }
0x16b: {  	[spmem:s3] =	stream.indirect.scatter.add.f32 [tilespmem:s13], [sflag:$0x3], $0x80, s25, s12, $0xb8;
	[tilespmem:$0x1CC00] =	vst v63  }
0x16c: {  	_ =	swait.ge [sflag:s10], $0x4000  }
0x16d: {  	[sflag:s10] =	ssyncset.done $0x0  }
0x16e: {  	s8 =	rddreg [dreg:$0xe];
	[sflag:s10] =	ssyncadd.s32 $0xFFFFC000  }
0x16f: {  	[tilespmem:s13], [sflag:$0x1] =	stream.indirect.gather [hbm4b:s1+s12], $0x80, s8, s12, $0xb8;
	[tilespmem:$0x1CC00] =	vst v63  }
0x170: {  	_ =	swait.ge [sflag:s16], $0x4000  }
0x171: {  	[sflag:s16] =	ssyncset.done $0x0  }
0x172: {  	s9 =	rddreg [dreg:$0xf];
	[sflag:s16] =	ssyncadd.s32 $0xFFFFC000  }
0x173: {  	[spmem:s3] =	stream.indirect.scatter.add.f32 [tilespmem:s14], [sflag:$0x3], $0x80, s9, s12, $0xb8;
	[tilespmem:$0x1CC00] =	vst v63  }
0x174: {  	_ =	swait.ge [sflag:s10], $0x4000  }
0x175: {  	[sflag:s10] =	ssyncset.done $0x0  }
0x176: {  	s25 =	rddreg [dreg:$0x10];
	[sflag:s10] =	ssyncadd.s32 $0xFFFFC000  }
0x177: {  	[tilespmem:s14], [sflag:$0x2] =	stream.indirect.gather [hbm4b:s1+s12], $0x80, s25, s12, $0xb8;
	[tilespmem:$0x1CC00] =	vst v63  }
0x178: {  	_ =	swait.ge [sflag:s15], $0x4000  }
0x179: {  	[sflag:s15] =	ssyncset.done $0x0  }
0x17a: {  	s8 =	rddreg [dreg:$0x11];
	[sflag:s15] =	ssyncadd.s32 $0xFFFFC000  }
0x17b: {  	[spmem:s3] =	stream.indirect.scatter.add.f32 [tilespmem:s13], [sflag:$0x3], $0x80, s8, s12, $0xb8;
	[tilespmem:$0x1CC00] =	vst v63  }
0x17c: {  	_ =	swait.ge [sflag:s10], $0x4000  }
0x17d: {  	[sflag:s10] =	ssyncset.done $0x0  }
0x17e: {  	[sflag:s10] =	ssyncadd.s32 $0xFFFFC000  }
0x17f: {  	[tilespmem:s13], [sflag:$0x1] =	stream.indirect.gather [hbm4b:s1+s12], $0x80, s17, s12, $0xb8;
	[tilespmem:$0x1CC00] =	vst v63  }
0x180: {  	_ =	swait.ge [sflag:s16], $0x4000  }
0x181: {  	[sflag:s16] =	ssyncset.done $0x0  }
0x182: {  	[sflag:s16] =	ssyncadd.s32 $0xFFFFC000  }
0x183: {  	[spmem:s3] =	stream.indirect.scatter.add.f32 [tilespmem:s14], [sflag:$0x3], $0x80, s18, s12, $0xb8;
	[tilespmem:$0x1CC00] =	vst v63  }
0x184: {  	_ =	swait.ge [sflag:s10], $0x4000  }
0x185: {  	[sflag:s10] =	ssyncset.done $0x0  }
0x186: {  	[sflag:s10] =	ssyncadd.s32 $0xFFFFC000  }
0x187: {  	[tilespmem:s14], [sflag:$0x2] =	stream.indirect.gather [hbm4b:s1+s12], $0x80, s19, s12, $0xb8;
	[tilespmem:$0x1CC00] =	vst v63  }
0x188: {  	_ =	swait.ge [sflag:s15], $0x4000  }
0x189: {  	[sflag:s15] =	ssyncset.done $0x0  }
0x18a: {  	[sflag:s15] =	ssyncadd.s32 $0xFFFFC000  }
0x18b: {  	[spmem:s3] =	stream.indirect.scatter.add.f32 [tilespmem:s13], [sflag:$0x3], $0x80, s20, s12, $0xb8;
	[tilespmem:$0x1CC00] =	vst v63  }
0x18c: {  	_ =	swait.ge [sflag:s10], $0x4000  }
0x18d: {  	[sflag:s10] =	ssyncset.done $0x0  }
0x18e: {  	[sflag:s10] =	ssyncadd.s32 $0xFFFFC000  }
0x18f: {  	[tilespmem:s13], [sflag:$0x1] =	stream.indirect.gather [hbm4b:s1+s12], $0x80, s21, s12, $0xb8;
	[tilespmem:$0x1CC00] =	vst v63  }
0x190: {  	_ =	swait.ge [sflag:s16], $0x4000  }
0x191: {  	[sflag:s16] =	ssyncset.done $0x0  }
0x192: {  	[sflag:s16] =	ssyncadd.s32 $0xFFFFC000  }
0x193: {  	[spmem:s3] =	stream.indirect.scatter.add.f32 [tilespmem:s14], [sflag:$0x3], $0x80, s22, s12, $0xb8;
	[tilespmem:$0x1CC00] =	vst v63  }
0x194: {  	_ =	swait.ge [sflag:s10], $0x4000  }
0x195: {  	[sflag:s10] =	ssyncset.done $0x0  }
0x196: {  	[sflag:s10] =	ssyncadd.s32 $0xFFFFC000  }
0x197: {  	[tilespmem:s14], [sflag:$0x2] =	stream.indirect.gather [hbm4b:s1+s12], $0x80, s23, s12, $0xb8;
	[tilespmem:$0x1CC00] =	vst v63  }
0x198: {  	_ =	swait.ge [sflag:s15], $0x4000  }
0x199: {  	[sflag:s15] =	ssyncset.done $0x0  }
0x19a: {  	[sflag:s15] =	ssyncadd.s32 $0xFFFFC000  }
0x19b: {  	[spmem:s3] =	stream.indirect.scatter.add.f32 [tilespmem:s13], [sflag:$0x3], $0x80, s24, s12, $0xb8;
	[tilespmem:$0x1CC00] =	vst v63  }
0x19c: {  	_ =	swait.ge [sflag:s10], $0x4000  }
0x19d: {  	[sflag:s10] =	ssyncset.done $0x0  }
0x19e: {  	[sflag:s10] =	ssyncadd.s32 $0xFFFFC000  }
0x19f: {  	[tilespmem:s13], [sflag:$0x1] =	stream.indirect.gather [hbm4b:s1+s12], $0x80, s26, s12, $0xb8;
	[tilespmem:$0x1CC00] =	vst v63  }
0x1a0: {  	_ =	swait.ge [sflag:s16], $0x4000  }
0x1a1: {  	[sflag:s16] =	ssyncset.done $0x0  }
0x1a2: {  	[sflag:s16] =	ssyncadd.s32 $0xFFFFC000  }
0x1a3: {  	[spmem:s3] =	stream.indirect.scatter.add.f32 [tilespmem:s14], [sflag:$0x3], $0x80, s28, s12, $0xb8;
	[tilespmem:$0x1CC00] =	vst v63  }
0x1a4: {  	_ =	swait.ge [sflag:s10], $0x4000  }
0x1a5: {  	[sflag:s10] =	ssyncset.done $0x0  }
0x1a6: {  	[sflag:s10] =	ssyncadd.s32 $0xFFFFC000  }
0x1a7: {  	[tilespmem:s14], [sflag:$0x2] =	stream.indirect.gather [hbm4b:s1+s12], $0x80, s29, s12, $0xb8;
	[tilespmem:$0x1CC00] =	vst v63  }
0x1a8: {  	_ =	swait.ge [sflag:s15], $0x4000  }
0x1a9: {  	[sflag:s15] =	ssyncset.done $0x0  }
0x1aa: {  	[sflag:s15] =	ssyncadd.s32 $0xFFFFC000  }
0x1ab: {  	[spmem:s3] =	stream.indirect.scatter.add.f32 [tilespmem:s13], [sflag:$0x3], $0x80, s30, s12, $0xb8;
	[tilespmem:$0x1CC00] =	vst v63  }
0x1ac: {  	_ =	swait.ge [sflag:s10], $0x4000  }
0x1ad: {  	[sflag:s10] =	ssyncset.done $0x0  }
0x1ae: {  	[sflag:s10] =	ssyncadd.s32 $0xFFFFC000  }
0x1af: {  	[tilespmem:s13], [sflag:$0x1] =	stream.indirect.gather [hbm4b:s1+s12], $0x80, s31, s12, $0xb8;
	[tilespmem:$0x1CC00] =	vst v63  }
0x1b0: {  	_ =	swait.ge [sflag:s16], $0x4000  }
0x1b1: {  	[sflag:s16] =	ssyncset.done $0x0  }
0x1b2: {  	[sflag:s16] =	ssyncadd.s32 $0xFFFFC000  }
0x1b3: {  	[spmem:s3] =	stream.indirect.scatter.add.f32 [tilespmem:s14], [sflag:$0x3], $0x80, s2, s12, $0xb8;
	[tilespmem:$0x1CC00] =	vst v63  }
0x1b4: {  	_ =	swait.ge [sflag:s10], $0x4000  }
0x1b5: {  	[sflag:s10] =	ssyncset.done $0x0  }
0x1b6: {  	[sflag:s10] =	ssyncadd.s32 $0xFFFFC000  }
0x1b7: {  	[tilespmem:s14], [sflag:$0x2] =	stream.indirect.gather [hbm4b:s1+s12], $0x80, s0, s12, $0xb8;
	[tilespmem:$0x1CC00] =	vst v63  }
0x1b8: {  	_ =	swait.ge [sflag:s15], $0x4000  }
0x1b9: {  	[sflag:s15] =	ssyncset.done $0x0  }
0x1ba: {  	[sflag:s15] =	ssyncadd.s32 $0xFFFFC000  }
0x1bb: {  	[spmem:s3] =	stream.indirect.scatter.add.f32 [tilespmem:s13], [sflag:$0x3], $0x80, s5, s12, $0xb8;
	[tilespmem:$0x1CC00] =	vst v63  }
0x1bc: {  	_ =	swait.ge [sflag:s10], $0x4000  }
0x1bd: {  	[sflag:s10] =	ssyncset.done $0x0  }
0x1be: {  	[sflag:s10] =	ssyncadd.s32 $0xFFFFC000  }
0x1bf: {  	_ =	swait.ge [sflag:s16], $0x4000  }
0x1c0: {  	[sflag:s16] =	ssyncset.done $0x0  }
0x1c1: {  	[sflag:s16] =	ssyncadd.s32 $0xFFFFC000  }
0x1c2: {  	[spmem:s3] =	stream.indirect.scatter.add.f32 [tilespmem:s14], [sflag:$0x3], $0x80, s7, s12, $0xb8;
	[tilespmem:$0x1CC00] =	vst v63  }
0x1c3: {  	_ =	swait.ge [sflag:s10], $0x4000  }
0x1c4: {  	[sflag:s10] =	ssyncset.done $0x0  }
0x1c5: {  	[sflag:s10] =	ssyncadd.s32 $0xFFFFC000  }
0x1c6: {  	[bflag:$0x0] =	sbarrier.arrive $0xFFFF  }
0x1c7: {  	s8 =	rddreg [dreg:$0x13]  }
0x1c8: {  	s9 =	rddreg [dreg:$0x14]  }
0x1c9: {  	s25 =	rddreg [dreg:$0x17]  }
0x1ca: {  	[hbm:s9], [sflag:s8] =	dma.local [spmem:s25], $0x2780  }
0x1cb: {  	_ =	swait.ge [sflag:s10], $0x2780  }
0x1cc: {  	s6 =	rddreg [dreg:$0x18]  }
0x1cd: {  	s25 =	rddreg [dreg:$0x15];
	s9 =	sadd.s32 $0x1, s6  }
0x1ce: {  	p0 =	sne.s32 s9, s25  }
.Ltmp1:
0x1cf: {  	_ = 	snop;
	(pc) =	sbr.rel @p0 .LBB2_1-.Ltmp1, $3  }
0x1d0: {  	_ =	sdelay $0x1  }
0x1d1: {  	[sflag:s10] =	ssyncset.done $0x0  }
0x1d2: {  	[sflag:s10] =	ssyncadd.s32 $0xFFFFD880  }
0x1d3: {  	_ =	sfence.sel $0x180000  }
0x1d4: {  	[bflag:$0x0] =	sbarrier.arrive $0xFFFF  }
0x1d5: {  	_ =	strace $0x90000047  }
0x1d6: {  	s0 =	stileid.u32;
	[bflag:$0x2] =	sbarrier.arrive $0xFFFF  }
0x1d7: {  	p0 =	sne.s32 s0, $0x0;
	s0 =	rddreg [dreg:$0x3]  }
0x1d8: {  	s0 =	sadd.s32 @!p0 $0x100000, s0  }
0x1d9: {  	[sflag:s0] =	ssyncadd.tile.s32 @!p0 $0x1;
	_ =	shalt  }
.Lfunc_end2:
_tile_overlayer_lowered:
.L_overlay_start_2:
0x1da: {  	(tag) =	ssettag $0x2  }
0x1db: {  	s0 =	rddreg [dreg:$0x0];
	s2 =	stileid.u32  }
0x1dc: {  	s1 =	rddreg [dreg:$0x1];
	p0 =	sne.s32 s2, $0x0  }
0x1dd: {  	s3 =	rddreg [dreg:$0x2];
	[bflag:$0x3] =	sbarrier.arrive $0xFFFF;
	s2 =	simm.s32 @!p0 $0x1C03  }
0x1de: {  	[timem:s3], [sflag:s2] =	dma.local @!p0 [hbm:s0], s1  }
0x1df: {  	s0 =	simm.s32 @!p0 $0x3  }
0x1e0: {  	_ =	swait.ge @!p0 [sflag:s0], s1  }
0x1e1: {  	s1 =	ssub.s32 @!p0 $0x0, s1;
	[sflag:s0] =	ssyncset.done @!p0 $0x0  }
0x1e2: {  	[sflag:s0] =	ssyncadd.s32 @!p0 s1  }
0x1e3: {  	[bflag:$0x3] =	sbarrier.arrive $0xFFFF  }
0x1e4: {  	_ =	shalt  }

</sc_bundles>
